<compile_context>
chip_gen: v7x
topology: tpu7x:2x2x1
jax: 0.10.2.dev20260603
libtpu: 0.0.44.dev20260713+nightly
codegen_flags: <defaults>
</compile_context>

<pallas_src>
import functools

import jax
import jax.numpy as jnp
from jax import lax
from jax.experimental import pallas as pl
from jax.experimental.pallas import tpu as pltpu
from jax.experimental.pallas import tpu_sc as plsc

_NC = 2
_NS = 16
_NW = _NC * _NS
_LANES = 16


def _mlp_body(tab_ref, w1_ref, b1_ref, w2_ref, b2_ref, out_ref):
    h = jnp.dot(tab_ref[...], w1_ref[...], preferred_element_type=jnp.float32)
    h = jnp.maximum(h + b1_ref[...], 0.0)
    o = jnp.dot(h, w2_ref[...], preferred_element_type=jnp.float32)
    out_ref[...] = o + b2_ref[...]


def _mlp_table(table, W1, b1, W2, b2):
    V, D = table.shape
    return pl.pallas_call(
        _mlp_body,
        out_shape=jax.ShapeDtypeStruct((V, D), jnp.float32),
    )(table, W1, b1.reshape(1, D), W2, b2.reshape(1, D))


@functools.lru_cache(maxsize=None)
def _make_gather_t(V, D, B, H):
    assert B % (_NW * 128) == 0 and D % 8 == 0
    b_per_w = B // _NW
    n_kb = b_per_w // 128
    n_blocks = H * n_kb
    assert n_blocks % 2 == 0
    mesh = plsc.VectorSubcoreMesh(
        core_axis_name="c", subcore_axis_name="s",
        num_cores=_NC, num_subcores=_NS,
    )

    @functools.partial(
        pl.kernel,
        mesh=mesh,
        out_type=jax.ShapeDtypeStruct((H, D // 8, B // 128, 1024),
                                      jnp.float32),
        compiler_params=pltpu.CompilerParams(use_tc_tiling_on_sc=False,
                                             needs_layout_passes=False),
        scratch_types=[
            pltpu.VMEM((V * D,), jnp.float32),
            pltpu.VMEM((H * b_per_w,), jnp.int32),
            pltpu.VMEM((D * 128,), jnp.float32),
            pltpu.VMEM((D * 128,), jnp.float32),
            pltpu.SemaphoreType.DMA,
            pltpu.SemaphoreType.DMA,
            pltpu.SemaphoreType.DMA,
        ],
    )
    def gather(tab_hbm, idx_hbm, out_hbm, tab_v, idx_v, st0, st1,
               s_idx, so0, so1):
        wid = lax.axis_index("s") * _NC + lax.axis_index("c")
        b0 = wid * b_per_w
        st = (st0, st1)
        so = (so0, so1)

        for h in range(H):
            pltpu.async_copy(
                idx_hbm.at[pl.ds(h * B + b0, b_per_w)],
                idx_v.at[pl.ds(h * b_per_w, b_per_w)], s_idx)
        pltpu.sync_copy(tab_hbm, tab_v)
        for h in range(H):
            pltpu.make_async_copy(
                idx_hbm.at[pl.ds(h * B + b0, b_per_w)],
                idx_v.at[pl.ds(h * b_per_w, b_per_w)], s_idx).wait()

        kb0 = b0 // 128
        iot = lax.iota(jnp.int32, 16)

        def out_pairs(st_ref, h, kb):
            return [(st_ref.at[pl.ds(kd * 1024, 1024)],
                     out_hbm.at[h, kd, kb0 + kb])
                    for kd in range(D // 8)]

        def block(t, par):
            h = t // n_kb
            kb = lax.rem(t, n_kb)
            st_ref = st[par]
            pairs = out_pairs(st_ref, h, kb)

            @pl.when(t >= 2)
            def _():
                for src, dsti in pairs:
                    pltpu.make_async_copy(src, dsti, so[par]).wait()

            ib = h * b_per_w + kb * 128
            st_q = [st_ref.at[pl.ds(q * 2048, 2048)]
                    for q in range(D // _LANES)]

            def kbody(k, carry):
                dkk = (iot + k) & (_LANES - 1)
                f0 = dkk * 128 + iot
                for gp in range(128 // _LANES // 8):
                    gs = [8 * gp + i for i in range(8)]
                    ivs = [idx_v[pl.ds(ib + g * _LANES, _LANES)]
                           for g in gs]
                    las = [iv * D + dkk for iv in ivs]
                    fs = [f0 + (g * _LANES) if g else f0 for g in gs]
                    vss = [[plsc.load_gather(
                                tab_v, [la + (q * _LANES) if q else la])
                            for q in range(D // _LANES)]
                           for la in las]
                    for q in range(D // _LANES):
                        for c in range(len(gs)):
                            plsc.store_scatter(st_q[q], [fs[c]], vss[c][q])
                return carry

            lax.fori_loop(0, _LANES, kbody, 0)
            for src, dsti in pairs:
                pltpu.async_copy(src, dsti, so[par])

        def body(t2, carry):
            block(t2 * 2, 0)
            block(t2 * 2 + 1, 1)
            return carry

        lax.fori_loop(0, n_blocks // 2, body, 0)

        for par, st_ref in enumerate(st):
            for src, dsti in out_pairs(st_ref, H - 1, 0):
                pltpu.make_async_copy(src, dsti, so[par]).wait()

    return gather


def kernel(emotion_ids, table, W1, b1, W2, b2):
    Bb, H = emotion_ids.shape
    V, D = table.shape
    mlp_tab = _mlp_table(table, W1, b1, W2, b2)
    tab_flat = mlp_tab.reshape(-1)
    idx_t = emotion_ids.T.reshape(-1).astype(jnp.int32)
    out4 = _make_gather_t(V, D, Bb, H)(tab_flat, idx_t)
    out5 = out4.reshape(H, D // 8, Bb // 128, 8, 128)
    return jnp.transpose(out5, (2, 4, 0, 1, 3)).reshape(Bb, H, D)

# --- scband reference (transcript-rebuilt; emitter-appended) ---
"""Pipeline reference for scband-emotion-encoder-76235669504339 (READ-ONLY COPY).

The authoritative reference and input builder live on the scoring server;
editing this copy changes nothing except your own understanding.
"""

import jax, jax.numpy as jnp
import numpy as np

NUM_EMOTIONS = 1000
EMBED_DIM = 64
BATCH = 16384
HIST = 20


def setup_inputs(seed: int = 0) -> dict:
    key = jax.random.key(seed)
    k_ids, k_tab, k_w1, k_b1, k_w2, k_b2 = jax.random.split(key, 6)
    emotion_ids = jax.random.randint(k_ids, (BATCH, HIST), 0, NUM_EMOTIONS, dtype=jnp.int64 if jax.config.jax_enable_x64 else jnp.int32)
    table = jax.random.normal(k_tab, (NUM_EMOTIONS, EMBED_DIM), dtype=jnp.float32)
    # torch nn.Linear default init ~ U(-1/sqrt(fan_in), 1/sqrt(fan_in)); any init works for reference
    lim = 1.0 / np.sqrt(EMBED_DIM)
    W1 = jax.random.uniform(k_w1, (EMBED_DIM, EMBED_DIM), minval=-lim, maxval=lim, dtype=jnp.float32)
    b1 = jax.random.uniform(k_b1, (EMBED_DIM,), minval=-lim, maxval=lim, dtype=jnp.float32)
    W2 = jax.random.uniform(k_w2, (EMBED_DIM, EMBED_DIM), minval=-lim, maxval=lim, dtype=jnp.float32)
    b2 = jax.random.uniform(k_b2, (EMBED_DIM,), minval=-lim, maxval=lim, dtype=jnp.float32)
    return {"emotion_ids": emotion_ids, "table": table, "W1": W1, "b1": b1, "W2": W2, "b2": b2}


def reference(emotion_ids, table, W1, b1, W2, b2):
    # embedding lookup (gather)
    emb = jnp.take(table, emotion_ids, axis=0)  # [B, L, D]
    # projection MLP: Linear -> ReLU -> Linear
    h = jnp.maximum(emb @ W1 + b1, 0.0)
    out = h @ W2 + b2
    return out

if __name__ == "__main__":
    import jax
    _d = setup_inputs()
    print(jax.jit(kernel)(*tuple(_d.values())))

</pallas_src>

<mosaic_0001>
#map = affine_map<(d0, d1) -> (0)>
#map1 = affine_map<(d0, d1) -> (0, 0, 0, 0)>
module attributes {stable_mosaic.version = 14 : i64} {
  func.func @gather(%arg0: i32, %arg1: i32, %arg2: memref<64000xf32, #tpu.memory_space<hbm>>, %arg3: memref<327680xi32, #tpu.memory_space<hbm>>, %arg4: memref<20x8x128x1024xf32, #tpu.memory_space<hbm>>, %arg5: memref<64000xf32, #tpu.memory_space<vmem>>, %arg6: memref<10240xi32, #tpu.memory_space<vmem>>, %arg7: memref<8192xf32, #tpu.memory_space<vmem>>, %arg8: memref<8192xf32, #tpu.memory_space<vmem>>, %arg9: memref<!tpu.dma_semaphore, #tpu.memory_space<semaphore_mem>>, %arg10: memref<!tpu.dma_semaphore, #tpu.memory_space<semaphore_mem>>, %arg11: memref<!tpu.dma_semaphore, #tpu.memory_space<semaphore_mem>>) attributes {dimension_semantics = [#tpu.dimension_semantics<core_parallel>, #tpu.dimension_semantics<subcore_parallel>], iteration_bounds = array<i64: 2, 16>, scalar_prefetch = 0 : i64, scratch_operands = 7 : i64, tpu.core_type = #tpu.core_type<sc_vector_subcore>, window_params = [{transform_indices = #map}, {transform_indices = #map}, {transform_indices = #map1}]} {
    %mul3A = arith.constant 2 : i32
    %mul3A_0 = arith.muli %arg1, %mul3A : i32
    %add3A = arith.addi %mul3A_0, %arg0 : i32
    %mul3A_1 = arith.constant 512 : i32
    %mul3A_2 = arith.muli %add3A, %mul3A_1 : i32
    %add3A_3 = arith.constant 0 : i32
    %add3A_4 = arith.addi %add3A_3, %mul3A_2 : i32
    %dma_start3A = arith.constant 0 : i32
    %dma_start3A_5 = tpu.memref_slice %arg6[%dma_start3A] : memref<10240xi32, #tpu.memory_space<vmem>> -> memref<512xi32, #tpu.memory_space<vmem>>
    %dma_start3A_6 = tpu.memref_slice %arg3[%add3A_4] : memref<327680xi32, #tpu.memory_space<hbm>> -> memref<512xi32, #tpu.memory_space<hbm>>
    %dma_start3A_7 = arith.constant 0 : i32
    %dma_start3A_8 = tpu.memref_slice %arg6[%dma_start3A_7] : memref<10240xi32, #tpu.memory_space<vmem>> -> memref<512xi32, #tpu.memory_space<vmem>>
    %dma_start3A_9 = tpu.memref_slice %arg3[%add3A_4] : memref<327680xi32, #tpu.memory_space<hbm>> -> memref<512xi32, #tpu.memory_space<hbm>>
    tpu.enqueue_dma source(%dma_start3A_9 : memref<512xi32, #tpu.memory_space<hbm>>) target(%dma_start3A_8 : memref<512xi32, #tpu.memory_space<vmem>>) target_semaphore(%arg9 : memref<!tpu.dma_semaphore, #tpu.memory_space<semaphore_mem>>)
    %add3A_10 = arith.constant 16384 : i32
    %add3A_11 = arith.addi %add3A_10, %mul3A_2 : i32
    %dma_start3A_12 = arith.constant 512 : i32
    %dma_start3A_13 = tpu.memref_slice %arg6[%dma_start3A_12] : memref<10240xi32, #tpu.memory_space<vmem>> -> memref<512xi32, #tpu.memory_space<vmem>>
    %dma_start3A_14 = tpu.memref_slice %arg3[%add3A_11] : memref<327680xi32, #tpu.memory_space<hbm>> -> memref<512xi32, #tpu.memory_space<hbm>>
    %dma_start3A_15 = arith.constant 512 : i32
    %dma_start3A_16 = tpu.memref_slice %arg6[%dma_start3A_15] : memref<10240xi32, #tpu.memory_space<vmem>> -> memref<512xi32, #tpu.memory_space<vmem>>
    %dma_start3A_17 = tpu.memref_slice %arg3[%add3A_11] : memref<327680xi32, #tpu.memory_space<hbm>> -> memref<512xi32, #tpu.memory_space<hbm>>
    tpu.enqueue_dma source(%dma_start3A_17 : memref<512xi32, #tpu.memory_space<hbm>>) target(%dma_start3A_16 : memref<512xi32, #tpu.memory_space<vmem>>) target_semaphore(%arg9 : memref<!tpu.dma_semaphore, #tpu.memory_space<semaphore_mem>>)
    %add3A_18 = arith.constant 32768 : i32
    %add3A_19 = arith.addi %add3A_18, %mul3A_2 : i32
    %dma_start3A_20 = arith.constant 1024 : i32
    %dma_start3A_21 = tpu.memref_slice %arg6[%dma_start3A_20] : memref<10240xi32, #tpu.memory_space<vmem>> -> memref<512xi32, #tpu.memory_space<vmem>>
    %dma_start3A_22 = tpu.memref_slice %arg3[%add3A_19] : memref<327680xi32, #tpu.memory_space<hbm>> -> memref<512xi32, #tpu.memory_space<hbm>>
    %dma_start3A_23 = arith.constant 1024 : i32
    %dma_start3A_24 = tpu.memref_slice %arg6[%dma_start3A_23] : memref<10240xi32, #tpu.memory_space<vmem>> -> memref<512xi32, #tpu.memory_space<vmem>>
    %dma_start3A_25 = tpu.memref_slice %arg3[%add3A_19] : memref<327680xi32, #tpu.memory_space<hbm>> -> memref<512xi32, #tpu.memory_space<hbm>>
    tpu.enqueue_dma source(%dma_start3A_25 : memref<512xi32, #tpu.memory_space<hbm>>) target(%dma_start3A_24 : memref<512xi32, #tpu.memory_space<vmem>>) target_semaphore(%arg9 : memref<!tpu.dma_semaphore, #tpu.memory_space<semaphore_mem>>)
    %add3A_26 = arith.constant 49152 : i32
    %add3A_27 = arith.addi %add3A_26, %mul3A_2 : i32
    %dma_start3A_28 = arith.constant 1536 : i32
    %dma_start3A_29 = tpu.memref_slice %arg6[%dma_start3A_28] : memref<10240xi32, #tpu.memory_space<vmem>> -> memref<512xi32, #tpu.memory_space<vmem>>
    %dma_start3A_30 = tpu.memref_slice %arg3[%add3A_27] : memref<327680xi32, #tpu.memory_space<hbm>> -> memref<512xi32, #tpu.memory_space<hbm>>
    %dma_start3A_31 = arith.constant 1536 : i32
    %dma_start3A_32 = tpu.memref_slice %arg6[%dma_start3A_31] : memref<10240xi32, #tpu.memory_space<vmem>> -> memref<512xi32, #tpu.memory_space<vmem>>
    %dma_start3A_33 = tpu.memref_slice %arg3[%add3A_27] : memref<327680xi32, #tpu.memory_space<hbm>> -> memref<512xi32, #tpu.memory_space<hbm>>
    tpu.enqueue_dma source(%dma_start3A_33 : memref<512xi32, #tpu.memory_space<hbm>>) target(%dma_start3A_32 : memref<512xi32, #tpu.memory_space<vmem>>) target_semaphore(%arg9 : memref<!tpu.dma_semaphore, #tpu.memory_space<semaphore_mem>>)
    %add3A_34 = arith.constant 65536 : i32
    %add3A_35 = arith.addi %add3A_34, %mul3A_2 : i32
    %dma_start3A_36 = arith.constant 2048 : i32
    %dma_start3A_37 = tpu.memref_slice %arg6[%dma_start3A_36] : memref<10240xi32, #tpu.memory_space<vmem>> -> memref<512xi32, #tpu.memory_space<vmem>>
    %dma_start3A_38 = tpu.memref_slice %arg3[%add3A_35] : memref<327680xi32, #tpu.memory_space<hbm>> -> memref<512xi32, #tpu.memory_space<hbm>>
    %dma_start3A_39 = arith.constant 2048 : i32
    %dma_start3A_40 = tpu.memref_slice %arg6[%dma_start3A_39] : memref<10240xi32, #tpu.memory_space<vmem>> -> memref<512xi32, #tpu.memory_space<vmem>>
    %dma_start3A_41 = tpu.memref_slice %arg3[%add3A_35] : memref<327680xi32, #tpu.memory_space<hbm>> -> memref<512xi32, #tpu.memory_space<hbm>>
    tpu.enqueue_dma source(%dma_start3A_41 : memref<512xi32, #tpu.memory_space<hbm>>) target(%dma_start3A_40 : memref<512xi32, #tpu.memory_space<vmem>>) target_semaphore(%arg9 : memref<!tpu.dma_semaphore, #tpu.memory_space<semaphore_mem>>)
    %add3A_42 = arith.constant 81920 : i32
    %add3A_43 = arith.addi %add3A_42, %mul3A_2 : i32
    %dma_start3A_44 = arith.constant 2560 : i32
    %dma_start3A_45 = tpu.memref_slice %arg6[%dma_start3A_44] : memref<10240xi32, #tpu.memory_space<vmem>> -> memref<512xi32, #tpu.memory_space<vmem>>
    %dma_start3A_46 = tpu.memref_slice %arg3[%add3A_43] : memref<327680xi32, #tpu.memory_space<hbm>> -> memref<512xi32, #tpu.memory_space<hbm>>
    %dma_start3A_47 = arith.constant 2560 : i32
    %dma_start3A_48 = tpu.memref_slice %arg6[%dma_start3A_47] : memref<10240xi32, #tpu.memory_space<vmem>> -> memref<512xi32, #tpu.memory_space<vmem>>
    %dma_start3A_49 = tpu.memref_slice %arg3[%add3A_43] : memref<327680xi32, #tpu.memory_space<hbm>> -> memref<512xi32, #tpu.memory_space<hbm>>
    tpu.enqueue_dma source(%dma_start3A_49 : memref<512xi32, #tpu.memory_space<hbm>>) target(%dma_start3A_48 : memref<512xi32, #tpu.memory_space<vmem>>) target_semaphore(%arg9 : memref<!tpu.dma_semaphore, #tpu.memory_space<semaphore_mem>>)
    %add3A_50 = arith.constant 98304 : i32
    %add3A_51 = arith.addi %add3A_50, %mul3A_2 : i32
    %dma_start3A_52 = arith.constant 3072 : i32
    %dma_start3A_53 = tpu.memref_slice %arg6[%dma_start3A_52] : memref<10240xi32, #tpu.memory_space<vmem>> -> memref<512xi32, #tpu.memory_space<vmem>>
    %dma_start3A_54 = tpu.memref_slice %arg3[%add3A_51] : memref<327680xi32, #tpu.memory_space<hbm>> -> memref<512xi32, #tpu.memory_space<hbm>>
    %dma_start3A_55 = arith.constant 3072 : i32
    %dma_start3A_56 = tpu.memref_slice %arg6[%dma_start3A_55] : memref<10240xi32, #tpu.memory_space<vmem>> -> memref<512xi32, #tpu.memory_space<vmem>>
    %dma_start3A_57 = tpu.memref_slice %arg3[%add3A_51] : memref<327680xi32, #tpu.memory_space<hbm>> -> memref<512xi32, #tpu.memory_space<hbm>>
    tpu.enqueue_dma source(%dma_start3A_57 : memref<512xi32, #tpu.memory_space<hbm>>) target(%dma_start3A_56 : memref<512xi32, #tpu.memory_space<vmem>>) target_semaphore(%arg9 : memref<!tpu.dma_semaphore, #tpu.memory_space<semaphore_mem>>)
    %add3A_58 = arith.constant 114688 : i32
    %add3A_59 = arith.addi %add3A_58, %mul3A_2 : i32
    %dma_start3A_60 = arith.constant 3584 : i32
    %dma_start3A_61 = tpu.memref_slice %arg6[%dma_start3A_60] : memref<10240xi32, #tpu.memory_space<vmem>> -> memref<512xi32, #tpu.memory_space<vmem>>
    %dma_start3A_62 = tpu.memref_slice %arg3[%add3A_59] : memref<327680xi32, #tpu.memory_space<hbm>> -> memref<512xi32, #tpu.memory_space<hbm>>
    %dma_start3A_63 = arith.constant 3584 : i32
    %dma_start3A_64 = tpu.memref_slice %arg6[%dma_start3A_63] : memref<10240xi32, #tpu.memory_space<vmem>> -> memref<512xi32, #tpu.memory_space<vmem>>
    %dma_start3A_65 = tpu.memref_slice %arg3[%add3A_59] : memref<327680xi32, #tpu.memory_space<hbm>> -> memref<512xi32, #tpu.memory_space<hbm>>
    tpu.enqueue_dma source(%dma_start3A_65 : memref<512xi32, #tpu.memory_space<hbm>>) target(%dma_start3A_64 : memref<512xi32, #tpu.memory_space<vmem>>) target_semaphore(%arg9 : memref<!tpu.dma_semaphore, #tpu.memory_space<semaphore_mem>>)
    %add3A_66 = arith.constant 131072 : i32
    %add3A_67 = arith.addi %add3A_66, %mul3A_2 : i32
    %dma_start3A_68 = arith.constant 4096 : i32
    %dma_start3A_69 = tpu.memref_slice %arg6[%dma_start3A_68] : memref<10240xi32, #tpu.memory_space<vmem>> -> memref<512xi32, #tpu.memory_space<vmem>>
    %dma_start3A_70 = tpu.memref_slice %arg3[%add3A_67] : memref<327680xi32, #tpu.memory_space<hbm>> -> memref<512xi32, #tpu.memory_space<hbm>>
    %dma_start3A_71 = arith.constant 4096 : i32
    %dma_start3A_72 = tpu.memref_slice %arg6[%dma_start3A_71] : memref<10240xi32, #tpu.memory_space<vmem>> -> memref<512xi32, #tpu.memory_space<vmem>>
    %dma_start3A_73 = tpu.memref_slice %arg3[%add3A_67] : memref<327680xi32, #tpu.memory_space<hbm>> -> memref<512xi32, #tpu.memory_space<hbm>>
    tpu.enqueue_dma source(%dma_start3A_73 : memref<512xi32, #tpu.memory_space<hbm>>) target(%dma_start3A_72 : memref<512xi32, #tpu.memory_space<vmem>>) target_semaphore(%arg9 : memref<!tpu.dma_semaphore, #tpu.memory_space<semaphore_mem>>)
    %add3A_74 = arith.constant 147456 : i32
    %add3A_75 = arith.addi %add3A_74, %mul3A_2 : i32
    %dma_start3A_76 = arith.constant 4608 : i32
    %dma_start3A_77 = tpu.memref_slice %arg6[%dma_start3A_76] : memref<10240xi32, #tpu.memory_space<vmem>> -> memref<512xi32, #tpu.memory_space<vmem>>
    %dma_start3A_78 = tpu.memref_slice %arg3[%add3A_75] : memref<327680xi32, #tpu.memory_space<hbm>> -> memref<512xi32, #tpu.memory_space<hbm>>
    %dma_start3A_79 = arith.constant 4608 : i32
    %dma_start3A_80 = tpu.memref_slice %arg6[%dma_start3A_79] : memref<10240xi32, #tpu.memory_space<vmem>> -> memref<512xi32, #tpu.memory_space<vmem>>
    %dma_start3A_81 = tpu.memref_slice %arg3[%add3A_75] : memref<327680xi32, #tpu.memory_space<hbm>> -> memref<512xi32, #tpu.memory_space<hbm>>
    tpu.enqueue_dma source(%dma_start3A_81 : memref<512xi32, #tpu.memory_space<hbm>>) target(%dma_start3A_80 : memref<512xi32, #tpu.memory_space<vmem>>) target_semaphore(%arg9 : memref<!tpu.dma_semaphore, #tpu.memory_space<semaphore_mem>>)
    %add3A_82 = arith.constant 163840 : i32
    %add3A_83 = arith.addi %add3A_82, %mul3A_2 : i32
    %dma_start3A_84 = arith.constant 5120 : i32
    %dma_start3A_85 = tpu.memref_slice %arg6[%dma_start3A_84] : memref<10240xi32, #tpu.memory_space<vmem>> -> memref<512xi32, #tpu.memory_space<vmem>>
    %dma_start3A_86 = tpu.memref_slice %arg3[%add3A_83] : memref<327680xi32, #tpu.memory_space<hbm>> -> memref<512xi32, #tpu.memory_space<hbm>>
    %dma_start3A_87 = arith.constant 5120 : i32
    %dma_start3A_88 = tpu.memref_slice %arg6[%dma_start3A_87] : memref<10240xi32, #tpu.memory_space<vmem>> -> memref<512xi32, #tpu.memory_space<vmem>>
    %dma_start3A_89 = tpu.memref_slice %arg3[%add3A_83] : memref<327680xi32, #tpu.memory_space<hbm>> -> memref<512xi32, #tpu.memory_space<hbm>>
    tpu.enqueue_dma source(%dma_start3A_89 : memref<512xi32, #tpu.memory_space<hbm>>) target(%dma_start3A_88 : memref<512xi32, #tpu.memory_space<vmem>>) target_semaphore(%arg9 : memref<!tpu.dma_semaphore, #tpu.memory_space<semaphore_mem>>)
    %add3A_90 = arith.constant 180224 : i32
    %add3A_91 = arith.addi %add3A_90, %mul3A_2 : i32
    %dma_start3A_92 = arith.constant 5632 : i32
    %dma_start3A_93 = tpu.memref_slice %arg6[%dma_start3A_92] : memref<10240xi32, #tpu.memory_space<vmem>> -> memref<512xi32, #tpu.memory_space<vmem>>
    %dma_start3A_94 = tpu.memref_slice %arg3[%add3A_91] : memref<327680xi32, #tpu.memory_space<hbm>> -> memref<512xi32, #tpu.memory_space<hbm>>
    %dma_start3A_95 = arith.constant 5632 : i32
    %dma_start3A_96 = tpu.memref_slice %arg6[%dma_start3A_95] : memref<10240xi32, #tpu.memory_space<vmem>> -> memref<512xi32, #tpu.memory_space<vmem>>
    %dma_start3A_97 = tpu.memref_slice %arg3[%add3A_91] : memref<327680xi32, #tpu.memory_space<hbm>> -> memref<512xi32, #tpu.memory_space<hbm>>
    tpu.enqueue_dma source(%dma_start3A_97 : memref<512xi32, #tpu.memory_space<hbm>>) target(%dma_start3A_96 : memref<512xi32, #tpu.memory_space<vmem>>) target_semaphore(%arg9 : memref<!tpu.dma_semaphore, #tpu.memory_space<semaphore_mem>>)
    %add3A_98 = arith.constant 196608 : i32
    %add3A_99 = arith.addi %add3A_98, %mul3A_2 : i32
    %dma_start3A_100 = arith.constant 6144 : i32
    %dma_start3A_101 = tpu.memref_slice %arg6[%dma_start3A_100] : memref<10240xi32, #tpu.memory_space<vmem>> -> memref<512xi32, #tpu.memory_space<vmem>>
    %dma_start3A_102 = tpu.memref_slice %arg3[%add3A_99] : memref<327680xi32, #tpu.memory_space<hbm>> -> memref<512xi32, #tpu.memory_space<hbm>>
    %dma_start3A_103 = arith.constant 6144 : i32
    %dma_start3A_104 = tpu.memref_slice %arg6[%dma_start3A_103] : memref<10240xi32, #tpu.memory_space<vmem>> -> memref<512xi32, #tpu.memory_space<vmem>>
    %dma_start3A_105 = tpu.memref_slice %arg3[%add3A_99] : memref<327680xi32, #tpu.memory_space<hbm>> -> memref<512xi32, #tpu.memory_space<hbm>>
    tpu.enqueue_dma source(%dma_start3A_105 : memref<512xi32, #tpu.memory_space<hbm>>) target(%dma_start3A_104 : memref<512xi32, #tpu.memory_space<vmem>>) target_semaphore(%arg9 : memref<!tpu.dma_semaphore, #tpu.memory_space<semaphore_mem>>)
    %add3A_106 = arith.constant 212992 : i32
    %add3A_107 = arith.addi %add3A_106, %mul3A_2 : i32
    %dma_start3A_108 = arith.constant 6656 : i32
    %dma_start3A_109 = tpu.memref_slice %arg6[%dma_start3A_108] : memref<10240xi32, #tpu.memory_space<vmem>> -> memref<512xi32, #tpu.memory_space<vmem>>
    %dma_start3A_110 = tpu.memref_slice %arg3[%add3A_107] : memref<327680xi32, #tpu.memory_space<hbm>> -> memref<512xi32, #tpu.memory_space<hbm>>
    %dma_start3A_111 = arith.constant 6656 : i32
    %dma_start3A_112 = tpu.memref_slice %arg6[%dma_start3A_111] : memref<10240xi32, #tpu.memory_space<vmem>> -> memref<512xi32, #tpu.memory_space<vmem>>
    %dma_start3A_113 = tpu.memref_slice %arg3[%add3A_107] : memref<327680xi32, #tpu.memory_space<hbm>> -> memref<512xi32, #tpu.memory_space<hbm>>
    tpu.enqueue_dma source(%dma_start3A_113 : memref<512xi32, #tpu.memory_space<hbm>>) target(%dma_start3A_112 : memref<512xi32, #tpu.memory_space<vmem>>) target_semaphore(%arg9 : memref<!tpu.dma_semaphore, #tpu.memory_space<semaphore_mem>>)
    %add3A_114 = arith.constant 229376 : i32
    %add3A_115 = arith.addi %add3A_114, %mul3A_2 : i32
    %dma_start3A_116 = arith.constant 7168 : i32
    %dma_start3A_117 = tpu.memref_slice %arg6[%dma_start3A_116] : memref<10240xi32, #tpu.memory_space<vmem>> -> memref<512xi32, #tpu.memory_space<vmem>>
    %dma_start3A_118 = tpu.memref_slice %arg3[%add3A_115] : memref<327680xi32, #tpu.memory_space<hbm>> -> memref<512xi32, #tpu.memory_space<hbm>>
    %dma_start3A_119 = arith.constant 7168 : i32
    %dma_start3A_120 = tpu.memref_slice %arg6[%dma_start3A_119] : memref<10240xi32, #tpu.memory_space<vmem>> -> memref<512xi32, #tpu.memory_space<vmem>>
    %dma_start3A_121 = tpu.memref_slice %arg3[%add3A_115] : memref<327680xi32, #tpu.memory_space<hbm>> -> memref<512xi32, #tpu.memory_space<hbm>>
    tpu.enqueue_dma source(%dma_start3A_121 : memref<512xi32, #tpu.memory_space<hbm>>) target(%dma_start3A_120 : memref<512xi32, #tpu.memory_space<vmem>>) target_semaphore(%arg9 : memref<!tpu.dma_semaphore, #tpu.memory_space<semaphore_mem>>)
    %add3A_122 = arith.constant 245760 : i32
    %add3A_123 = arith.addi %add3A_122, %mul3A_2 : i32
    %dma_start3A_124 = arith.constant 7680 : i32
    %dma_start3A_125 = tpu.memref_slice %arg6[%dma_start3A_124] : memref<10240xi32, #tpu.memory_space<vmem>> -> memref<512xi32, #tpu.memory_space<vmem>>
    %dma_start3A_126 = tpu.memref_slice %arg3[%add3A_123] : memref<327680xi32, #tpu.memory_space<hbm>> -> memref<512xi32, #tpu.memory_space<hbm>>
    %dma_start3A_127 = arith.constant 7680 : i32
    %dma_start3A_128 = tpu.memref_slice %arg6[%dma_start3A_127] : memref<10240xi32, #tpu.memory_space<vmem>> -> memref<512xi32, #tpu.memory_space<vmem>>
    %dma_start3A_129 = tpu.memref_slice %arg3[%add3A_123] : memref<327680xi32, #tpu.memory_space<hbm>> -> memref<512xi32, #tpu.memory_space<hbm>>
    tpu.enqueue_dma source(%dma_start3A_129 : memref<512xi32, #tpu.memory_space<hbm>>) target(%dma_start3A_128 : memref<512xi32, #tpu.memory_space<vmem>>) target_semaphore(%arg9 : memref<!tpu.dma_semaphore, #tpu.memory_space<semaphore_mem>>)
    %add3A_130 = arith.constant 262144 : i32
    %add3A_131 = arith.addi %add3A_130, %mul3A_2 : i32
    %dma_start3A_132 = arith.constant 8192 : i32
    %dma_start3A_133 = tpu.memref_slice %arg6[%dma_start3A_132] : memref<10240xi32, #tpu.memory_space<vmem>> -> memref<512xi32, #tpu.memory_space<vmem>>
    %dma_start3A_134 = tpu.memref_slice %arg3[%add3A_131] : memref<327680xi32, #tpu.memory_space<hbm>> -> memref<512xi32, #tpu.memory_space<hbm>>
    %dma_start3A_135 = arith.constant 8192 : i32
    %dma_start3A_136 = tpu.memref_slice %arg6[%dma_start3A_135] : memref<10240xi32, #tpu.memory_space<vmem>> -> memref<512xi32, #tpu.memory_space<vmem>>
    %dma_start3A_137 = tpu.memref_slice %arg3[%add3A_131] : memref<327680xi32, #tpu.memory_space<hbm>> -> memref<512xi32, #tpu.memory_space<hbm>>
    tpu.enqueue_dma source(%dma_start3A_137 : memref<512xi32, #tpu.memory_space<hbm>>) target(%dma_start3A_136 : memref<512xi32, #tpu.memory_space<vmem>>) target_semaphore(%arg9 : memref<!tpu.dma_semaphore, #tpu.memory_space<semaphore_mem>>)
    %add3A_138 = arith.constant 278528 : i32
    %add3A_139 = arith.addi %add3A_138, %mul3A_2 : i32
    %dma_start3A_140 = arith.constant 8704 : i32
    %dma_start3A_141 = tpu.memref_slice %arg6[%dma_start3A_140] : memref<10240xi32, #tpu.memory_space<vmem>> -> memref<512xi32, #tpu.memory_space<vmem>>
    %dma_start3A_142 = tpu.memref_slice %arg3[%add3A_139] : memref<327680xi32, #tpu.memory_space<hbm>> -> memref<512xi32, #tpu.memory_space<hbm>>
    %dma_start3A_143 = arith.constant 8704 : i32
    %dma_start3A_144 = tpu.memref_slice %arg6[%dma_start3A_143] : memref<10240xi32, #tpu.memory_space<vmem>> -> memref<512xi32, #tpu.memory_space<vmem>>
    %dma_start3A_145 = tpu.memref_slice %arg3[%add3A_139] : memref<327680xi32, #tpu.memory_space<hbm>> -> memref<512xi32, #tpu.memory_space<hbm>>
    tpu.enqueue_dma source(%dma_start3A_145 : memref<512xi32, #tpu.memory_space<hbm>>) target(%dma_start3A_144 : memref<512xi32, #tpu.memory_space<vmem>>) target_semaphore(%arg9 : memref<!tpu.dma_semaphore, #tpu.memory_space<semaphore_mem>>)
    %add3A_146 = arith.constant 294912 : i32
    %add3A_147 = arith.addi %add3A_146, %mul3A_2 : i32
    %dma_start3A_148 = arith.constant 9216 : i32
    %dma_start3A_149 = tpu.memref_slice %arg6[%dma_start3A_148] : memref<10240xi32, #tpu.memory_space<vmem>> -> memref<512xi32, #tpu.memory_space<vmem>>
    %dma_start3A_150 = tpu.memref_slice %arg3[%add3A_147] : memref<327680xi32, #tpu.memory_space<hbm>> -> memref<512xi32, #tpu.memory_space<hbm>>
    %dma_start3A_151 = arith.constant 9216 : i32
    %dma_start3A_152 = tpu.memref_slice %arg6[%dma_start3A_151] : memref<10240xi32, #tpu.memory_space<vmem>> -> memref<512xi32, #tpu.memory_space<vmem>>
    %dma_start3A_153 = tpu.memref_slice %arg3[%add3A_147] : memref<327680xi32, #tpu.memory_space<hbm>> -> memref<512xi32, #tpu.memory_space<hbm>>
    tpu.enqueue_dma source(%dma_start3A_153 : memref<512xi32, #tpu.memory_space<hbm>>) target(%dma_start3A_152 : memref<512xi32, #tpu.memory_space<vmem>>) target_semaphore(%arg9 : memref<!tpu.dma_semaphore, #tpu.memory_space<semaphore_mem>>)
    %add3A_154 = arith.constant 311296 : i32
    %add3A_155 = arith.addi %add3A_154, %mul3A_2 : i32
    %dma_start3A_156 = arith.constant 9728 : i32
    %dma_start3A_157 = tpu.memref_slice %arg6[%dma_start3A_156] : memref<10240xi32, #tpu.memory_space<vmem>> -> memref<512xi32, #tpu.memory_space<vmem>>
    %dma_start3A_158 = tpu.memref_slice %arg3[%add3A_155] : memref<327680xi32, #tpu.memory_space<hbm>> -> memref<512xi32, #tpu.memory_space<hbm>>
    %dma_start3A_159 = arith.constant 9728 : i32
    %dma_start3A_160 = tpu.memref_slice %arg6[%dma_start3A_159] : memref<10240xi32, #tpu.memory_space<vmem>> -> memref<512xi32, #tpu.memory_space<vmem>>
    %dma_start3A_161 = tpu.memref_slice %arg3[%add3A_155] : memref<327680xi32, #tpu.memory_space<hbm>> -> memref<512xi32, #tpu.memory_space<hbm>>
    tpu.enqueue_dma source(%dma_start3A_161 : memref<512xi32, #tpu.memory_space<hbm>>) target(%dma_start3A_160 : memref<512xi32, #tpu.memory_space<vmem>>) target_semaphore(%arg9 : memref<!tpu.dma_semaphore, #tpu.memory_space<semaphore_mem>>)
    "tpu.region"() ({
      %run_scoped3A = tpu.sem_alloc : memref<!tpu.dma_semaphore, #tpu.memory_space<semaphore_mem>>
      tpu.enqueue_dma source(%arg2 : memref<64000xf32, #tpu.memory_space<hbm>>) target(%arg5 : memref<64000xf32, #tpu.memory_space<vmem>>) target_semaphore(%run_scoped3A : memref<!tpu.dma_semaphore, #tpu.memory_space<semaphore_mem>>)
      tpu.wait_dma2 semaphore(%run_scoped3A : memref<!tpu.dma_semaphore, #tpu.memory_space<semaphore_mem>>) src(%arg2 : memref<64000xf32, #tpu.memory_space<hbm>>) dst(%arg5 : memref<64000xf32, #tpu.memory_space<vmem>>)
      tpu.yield
    }) : () -> ()
    %add3A_162 = arith.constant 0 : i32
    %add3A_163 = arith.addi %add3A_162, %mul3A_2 : i32
    %dma_wait3A = arith.constant 0 : i32
    %dma_wait3A_164 = tpu.memref_slice %arg6[%dma_wait3A] : memref<10240xi32, #tpu.memory_space<vmem>> -> memref<512xi32, #tpu.memory_space<vmem>>
    %dma_wait3A_165 = tpu.memref_slice %arg3[%add3A_163] : memref<327680xi32, #tpu.memory_space<hbm>> -> memref<512xi32, #tpu.memory_space<hbm>>
    %dma_wait3A_166 = arith.constant 0 : i32
    %dma_wait3A_167 = tpu.memref_slice %arg6[%dma_wait3A_166] : memref<10240xi32, #tpu.memory_space<vmem>> -> memref<512xi32, #tpu.memory_space<vmem>>
    %dma_wait3A_168 = tpu.memref_slice %arg3[%add3A_163] : memref<327680xi32, #tpu.memory_space<hbm>> -> memref<512xi32, #tpu.memory_space<hbm>>
    tpu.wait_dma2 semaphore(%arg9 : memref<!tpu.dma_semaphore, #tpu.memory_space<semaphore_mem>>) src(%dma_wait3A_168 : memref<512xi32, #tpu.memory_space<hbm>>) dst(%dma_wait3A_167 : memref<512xi32, #tpu.memory_space<vmem>>)
    %add3A_169 = arith.constant 16384 : i32
    %add3A_170 = arith.addi %add3A_169, %mul3A_2 : i32
    %dma_wait3A_171 = arith.constant 512 : i32
    %dma_wait3A_172 = tpu.memref_slice %arg6[%dma_wait3A_171] : memref<10240xi32, #tpu.memory_space<vmem>> -> memref<512xi32, #tpu.memory_space<vmem>>
    %dma_wait3A_173 = tpu.memref_slice %arg3[%add3A_170] : memref<327680xi32, #tpu.memory_space<hbm>> -> memref<512xi32, #tpu.memory_space<hbm>>
    %dma_wait3A_174 = arith.constant 512 : i32
    %dma_wait3A_175 = tpu.memref_slice %arg6[%dma_wait3A_174] : memref<10240xi32, #tpu.memory_space<vmem>> -> memref<512xi32, #tpu.memory_space<vmem>>
    %dma_wait3A_176 = tpu.memref_slice %arg3[%add3A_170] : memref<327680xi32, #tpu.memory_space<hbm>> -> memref<512xi32, #tpu.memory_space<hbm>>
    tpu.wait_dma2 semaphore(%arg9 : memref<!tpu.dma_semaphore, #tpu.memory_space<semaphore_mem>>) src(%dma_wait3A_176 : memref<512xi32, #tpu.memory_space<hbm>>) dst(%dma_wait3A_175 : memref<512xi32, #tpu.memory_space<vmem>>)
    %add3A_177 = arith.constant 32768 : i32
    %add3A_178 = arith.addi %add3A_177, %mul3A_2 : i32
    %dma_wait3A_179 = arith.constant 1024 : i32
    %dma_wait3A_180 = tpu.memref_slice %arg6[%dma_wait3A_179] : memref<10240xi32, #tpu.memory_space<vmem>> -> memref<512xi32, #tpu.memory_space<vmem>>
    %dma_wait3A_181 = tpu.memref_slice %arg3[%add3A_178] : memref<327680xi32, #tpu.memory_space<hbm>> -> memref<512xi32, #tpu.memory_space<hbm>>
    %dma_wait3A_182 = arith.constant 1024 : i32
    %dma_wait3A_183 = tpu.memref_slice %arg6[%dma_wait3A_182] : memref<10240xi32, #tpu.memory_space<vmem>> -> memref<512xi32, #tpu.memory_space<vmem>>
    %dma_wait3A_184 = tpu.memref_slice %arg3[%add3A_178] : memref<327680xi32, #tpu.memory_space<hbm>> -> memref<512xi32, #tpu.memory_space<hbm>>
    tpu.wait_dma2 semaphore(%arg9 : memref<!tpu.dma_semaphore, #tpu.memory_space<semaphore_mem>>) src(%dma_wait3A_184 : memref<512xi32, #tpu.memory_space<hbm>>) dst(%dma_wait3A_183 : memref<512xi32, #tpu.memory_space<vmem>>)
    %add3A_185 = arith.constant 49152 : i32
    %add3A_186 = arith.addi %add3A_185, %mul3A_2 : i32
    %dma_wait3A_187 = arith.constant 1536 : i32
    %dma_wait3A_188 = tpu.memref_slice %arg6[%dma_wait3A_187] : memref<10240xi32, #tpu.memory_space<vmem>> -> memref<512xi32, #tpu.memory_space<vmem>>
    %dma_wait3A_189 = tpu.memref_slice %arg3[%add3A_186] : memref<327680xi32, #tpu.memory_space<hbm>> -> memref<512xi32, #tpu.memory_space<hbm>>
    %dma_wait3A_190 = arith.constant 1536 : i32
    %dma_wait3A_191 = tpu.memref_slice %arg6[%dma_wait3A_190] : memref<10240xi32, #tpu.memory_space<vmem>> -> memref<512xi32, #tpu.memory_space<vmem>>
    %dma_wait3A_192 = tpu.memref_slice %arg3[%add3A_186] : memref<327680xi32, #tpu.memory_space<hbm>> -> memref<512xi32, #tpu.memory_space<hbm>>
    tpu.wait_dma2 semaphore(%arg9 : memref<!tpu.dma_semaphore, #tpu.memory_space<semaphore_mem>>) src(%dma_wait3A_192 : memref<512xi32, #tpu.memory_space<hbm>>) dst(%dma_wait3A_191 : memref<512xi32, #tpu.memory_space<vmem>>)
    %add3A_193 = arith.constant 65536 : i32
    %add3A_194 = arith.addi %add3A_193, %mul3A_2 : i32
    %dma_wait3A_195 = arith.constant 2048 : i32
    %dma_wait3A_196 = tpu.memref_slice %arg6[%dma_wait3A_195] : memref<10240xi32, #tpu.memory_space<vmem>> -> memref<512xi32, #tpu.memory_space<vmem>>
    %dma_wait3A_197 = tpu.memref_slice %arg3[%add3A_194] : memref<327680xi32, #tpu.memory_space<hbm>> -> memref<512xi32, #tpu.memory_space<hbm>>
    %dma_wait3A_198 = arith.constant 2048 : i32
    %dma_wait3A_199 = tpu.memref_slice %arg6[%dma_wait3A_198] : memref<10240xi32, #tpu.memory_space<vmem>> -> memref<512xi32, #tpu.memory_space<vmem>>
    %dma_wait3A_200 = tpu.memref_slice %arg3[%add3A_194] : memref<327680xi32, #tpu.memory_space<hbm>> -> memref<512xi32, #tpu.memory_space<hbm>>
    tpu.wait_dma2 semaphore(%arg9 : memref<!tpu.dma_semaphore, #tpu.memory_space<semaphore_mem>>) src(%dma_wait3A_200 : memref<512xi32, #tpu.memory_space<hbm>>) dst(%dma_wait3A_199 : memref<512xi32, #tpu.memory_space<vmem>>)
    %add3A_201 = arith.constant 81920 : i32
    %add3A_202 = arith.addi %add3A_201, %mul3A_2 : i32
    %dma_wait3A_203 = arith.constant 2560 : i32
    %dma_wait3A_204 = tpu.memref_slice %arg6[%dma_wait3A_203] : memref<10240xi32, #tpu.memory_space<vmem>> -> memref<512xi32, #tpu.memory_space<vmem>>
    %dma_wait3A_205 = tpu.memref_slice %arg3[%add3A_202] : memref<327680xi32, #tpu.memory_space<hbm>> -> memref<512xi32, #tpu.memory_space<hbm>>
    %dma_wait3A_206 = arith.constant 2560 : i32
    %dma_wait3A_207 = tpu.memref_slice %arg6[%dma_wait3A_206] : memref<10240xi32, #tpu.memory_space<vmem>> -> memref<512xi32, #tpu.memory_space<vmem>>
    %dma_wait3A_208 = tpu.memref_slice %arg3[%add3A_202] : memref<327680xi32, #tpu.memory_space<hbm>> -> memref<512xi32, #tpu.memory_space<hbm>>
    tpu.wait_dma2 semaphore(%arg9 : memref<!tpu.dma_semaphore, #tpu.memory_space<semaphore_mem>>) src(%dma_wait3A_208 : memref<512xi32, #tpu.memory_space<hbm>>) dst(%dma_wait3A_207 : memref<512xi32, #tpu.memory_space<vmem>>)
    %add3A_209 = arith.constant 98304 : i32
    %add3A_210 = arith.addi %add3A_209, %mul3A_2 : i32
    %dma_wait3A_211 = arith.constant 3072 : i32
    %dma_wait3A_212 = tpu.memref_slice %arg6[%dma_wait3A_211] : memref<10240xi32, #tpu.memory_space<vmem>> -> memref<512xi32, #tpu.memory_space<vmem>>
    %dma_wait3A_213 = tpu.memref_slice %arg3[%add3A_210] : memref<327680xi32, #tpu.memory_space<hbm>> -> memref<512xi32, #tpu.memory_space<hbm>>
    %dma_wait3A_214 = arith.constant 3072 : i32
    %dma_wait3A_215 = tpu.memref_slice %arg6[%dma_wait3A_214] : memref<10240xi32, #tpu.memory_space<vmem>> -> memref<512xi32, #tpu.memory_space<vmem>>
    %dma_wait3A_216 = tpu.memref_slice %arg3[%add3A_210] : memref<327680xi32, #tpu.memory_space<hbm>> -> memref<512xi32, #tpu.memory_space<hbm>>
    tpu.wait_dma2 semaphore(%arg9 : memref<!tpu.dma_semaphore, #tpu.memory_space<semaphore_mem>>) src(%dma_wait3A_216 : memref<512xi32, #tpu.memory_space<hbm>>) dst(%dma_wait3A_215 : memref<512xi32, #tpu.memory_space<vmem>>)
    %add3A_217 = arith.constant 114688 : i32
    %add3A_218 = arith.addi %add3A_217, %mul3A_2 : i32
    %dma_wait3A_219 = arith.constant 3584 : i32
    %dma_wait3A_220 = tpu.memref_slice %arg6[%dma_wait3A_219] : memref<10240xi32, #tpu.memory_space<vmem>> -> memref<512xi32, #tpu.memory_space<vmem>>
    %dma_wait3A_221 = tpu.memref_slice %arg3[%add3A_218] : memref<327680xi32, #tpu.memory_space<hbm>> -> memref<512xi32, #tpu.memory_space<hbm>>
    %dma_wait3A_222 = arith.constant 3584 : i32
    %dma_wait3A_223 = tpu.memref_slice %arg6[%dma_wait3A_222] : memref<10240xi32, #tpu.memory_space<vmem>> -> memref<512xi32, #tpu.memory_space<vmem>>
    %dma_wait3A_224 = tpu.memref_slice %arg3[%add3A_218] : memref<327680xi32, #tpu.memory_space<hbm>> -> memref<512xi32, #tpu.memory_space<hbm>>
    tpu.wait_dma2 semaphore(%arg9 : memref<!tpu.dma_semaphore, #tpu.memory_space<semaphore_mem>>) src(%dma_wait3A_224 : memref<512xi32, #tpu.memory_space<hbm>>) dst(%dma_wait3A_223 : memref<512xi32, #tpu.memory_space<vmem>>)
    %add3A_225 = arith.constant 131072 : i32
    %add3A_226 = arith.addi %add3A_225, %mul3A_2 : i32
    %dma_wait3A_227 = arith.constant 4096 : i32
    %dma_wait3A_228 = tpu.memref_slice %arg6[%dma_wait3A_227] : memref<10240xi32, #tpu.memory_space<vmem>> -> memref<512xi32, #tpu.memory_space<vmem>>
    %dma_wait3A_229 = tpu.memref_slice %arg3[%add3A_226] : memref<327680xi32, #tpu.memory_space<hbm>> -> memref<512xi32, #tpu.memory_space<hbm>>
    %dma_wait3A_230 = arith.constant 4096 : i32
    %dma_wait3A_231 = tpu.memref_slice %arg6[%dma_wait3A_230] : memref<10240xi32, #tpu.memory_space<vmem>> -> memref<512xi32, #tpu.memory_space<vmem>>
    %dma_wait3A_232 = tpu.memref_slice %arg3[%add3A_226] : memref<327680xi32, #tpu.memory_space<hbm>> -> memref<512xi32, #tpu.memory_space<hbm>>
    tpu.wait_dma2 semaphore(%arg9 : memref<!tpu.dma_semaphore, #tpu.memory_space<semaphore_mem>>) src(%dma_wait3A_232 : memref<512xi32, #tpu.memory_space<hbm>>) dst(%dma_wait3A_231 : memref<512xi32, #tpu.memory_space<vmem>>)
    %add3A_233 = arith.constant 147456 : i32
    %add3A_234 = arith.addi %add3A_233, %mul3A_2 : i32
    %dma_wait3A_235 = arith.constant 4608 : i32
    %dma_wait3A_236 = tpu.memref_slice %arg6[%dma_wait3A_235] : memref<10240xi32, #tpu.memory_space<vmem>> -> memref<512xi32, #tpu.memory_space<vmem>>
    %dma_wait3A_237 = tpu.memref_slice %arg3[%add3A_234] : memref<327680xi32, #tpu.memory_space<hbm>> -> memref<512xi32, #tpu.memory_space<hbm>>
    %dma_wait3A_238 = arith.constant 4608 : i32
    %dma_wait3A_239 = tpu.memref_slice %arg6[%dma_wait3A_238] : memref<10240xi32, #tpu.memory_space<vmem>> -> memref<512xi32, #tpu.memory_space<vmem>>
    %dma_wait3A_240 = tpu.memref_slice %arg3[%add3A_234] : memref<327680xi32, #tpu.memory_space<hbm>> -> memref<512xi32, #tpu.memory_space<hbm>>
    tpu.wait_dma2 semaphore(%arg9 : memref<!tpu.dma_semaphore, #tpu.memory_space<semaphore_mem>>) src(%dma_wait3A_240 : memref<512xi32, #tpu.memory_space<hbm>>) dst(%dma_wait3A_239 : memref<512xi32, #tpu.memory_space<vmem>>)
    %add3A_241 = arith.constant 163840 : i32
    %add3A_242 = arith.addi %add3A_241, %mul3A_2 : i32
    %dma_wait3A_243 = arith.constant 5120 : i32
    %dma_wait3A_244 = tpu.memref_slice %arg6[%dma_wait3A_243] : memref<10240xi32, #tpu.memory_space<vmem>> -> memref<512xi32, #tpu.memory_space<vmem>>
    %dma_wait3A_245 = tpu.memref_slice %arg3[%add3A_242] : memref<327680xi32, #tpu.memory_space<hbm>> -> memref<512xi32, #tpu.memory_space<hbm>>
    %dma_wait3A_246 = arith.constant 5120 : i32
    %dma_wait3A_247 = tpu.memref_slice %arg6[%dma_wait3A_246] : memref<10240xi32, #tpu.memory_space<vmem>> -> memref<512xi32, #tpu.memory_space<vmem>>
    %dma_wait3A_248 = tpu.memref_slice %arg3[%add3A_242] : memref<327680xi32, #tpu.memory_space<hbm>> -> memref<512xi32, #tpu.memory_space<hbm>>
    tpu.wait_dma2 semaphore(%arg9 : memref<!tpu.dma_semaphore, #tpu.memory_space<semaphore_mem>>) src(%dma_wait3A_248 : memref<512xi32, #tpu.memory_space<hbm>>) dst(%dma_wait3A_247 : memref<512xi32, #tpu.memory_space<vmem>>)
    %add3A_249 = arith.constant 180224 : i32
    %add3A_250 = arith.addi %add3A_249, %mul3A_2 : i32
    %dma_wait3A_251 = arith.constant 5632 : i32
    %dma_wait3A_252 = tpu.memref_slice %arg6[%dma_wait3A_251] : memref<10240xi32, #tpu.memory_space<vmem>> -> memref<512xi32, #tpu.memory_space<vmem>>
    %dma_wait3A_253 = tpu.memref_slice %arg3[%add3A_250] : memref<327680xi32, #tpu.memory_space<hbm>> -> memref<512xi32, #tpu.memory_space<hbm>>
    %dma_wait3A_254 = arith.constant 5632 : i32
    %dma_wait3A_255 = tpu.memref_slice %arg6[%dma_wait3A_254] : memref<10240xi32, #tpu.memory_space<vmem>> -> memref<512xi32, #tpu.memory_space<vmem>>
    %dma_wait3A_256 = tpu.memref_slice %arg3[%add3A_250] : memref<327680xi32, #tpu.memory_space<hbm>> -> memref<512xi32, #tpu.memory_space<hbm>>
    tpu.wait_dma2 semaphore(%arg9 : memref<!tpu.dma_semaphore, #tpu.memory_space<semaphore_mem>>) src(%dma_wait3A_256 : memref<512xi32, #tpu.memory_space<hbm>>) dst(%dma_wait3A_255 : memref<512xi32, #tpu.memory_space<vmem>>)
    %add3A_257 = arith.constant 196608 : i32
    %add3A_258 = arith.addi %add3A_257, %mul3A_2 : i32
    %dma_wait3A_259 = arith.constant 6144 : i32
    %dma_wait3A_260 = tpu.memref_slice %arg6[%dma_wait3A_259] : memref<10240xi32, #tpu.memory_space<vmem>> -> memref<512xi32, #tpu.memory_space<vmem>>
    %dma_wait3A_261 = tpu.memref_slice %arg3[%add3A_258] : memref<327680xi32, #tpu.memory_space<hbm>> -> memref<512xi32, #tpu.memory_space<hbm>>
    %dma_wait3A_262 = arith.constant 6144 : i32
    %dma_wait3A_263 = tpu.memref_slice %arg6[%dma_wait3A_262] : memref<10240xi32, #tpu.memory_space<vmem>> -> memref<512xi32, #tpu.memory_space<vmem>>
    %dma_wait3A_264 = tpu.memref_slice %arg3[%add3A_258] : memref<327680xi32, #tpu.memory_space<hbm>> -> memref<512xi32, #tpu.memory_space<hbm>>
    tpu.wait_dma2 semaphore(%arg9 : memref<!tpu.dma_semaphore, #tpu.memory_space<semaphore_mem>>) src(%dma_wait3A_264 : memref<512xi32, #tpu.memory_space<hbm>>) dst(%dma_wait3A_263 : memref<512xi32, #tpu.memory_space<vmem>>)
    %add3A_265 = arith.constant 212992 : i32
    %add3A_266 = arith.addi %add3A_265, %mul3A_2 : i32
    %dma_wait3A_267 = arith.constant 6656 : i32
    %dma_wait3A_268 = tpu.memref_slice %arg6[%dma_wait3A_267] : memref<10240xi32, #tpu.memory_space<vmem>> -> memref<512xi32, #tpu.memory_space<vmem>>
    %dma_wait3A_269 = tpu.memref_slice %arg3[%add3A_266] : memref<327680xi32, #tpu.memory_space<hbm>> -> memref<512xi32, #tpu.memory_space<hbm>>
    %dma_wait3A_270 = arith.constant 6656 : i32
    %dma_wait3A_271 = tpu.memref_slice %arg6[%dma_wait3A_270] : memref<10240xi32, #tpu.memory_space<vmem>> -> memref<512xi32, #tpu.memory_space<vmem>>
    %dma_wait3A_272 = tpu.memref_slice %arg3[%add3A_266] : memref<327680xi32, #tpu.memory_space<hbm>> -> memref<512xi32, #tpu.memory_space<hbm>>
    tpu.wait_dma2 semaphore(%arg9 : memref<!tpu.dma_semaphore, #tpu.memory_space<semaphore_mem>>) src(%dma_wait3A_272 : memref<512xi32, #tpu.memory_space<hbm>>) dst(%dma_wait3A_271 : memref<512xi32, #tpu.memory_space<vmem>>)
    %add3A_273 = arith.constant 229376 : i32
    %add3A_274 = arith.addi %add3A_273, %mul3A_2 : i32
    %dma_wait3A_275 = arith.constant 7168 : i32
    %dma_wait3A_276 = tpu.memref_slice %arg6[%dma_wait3A_275] : memref<10240xi32, #tpu.memory_space<vmem>> -> memref<512xi32, #tpu.memory_space<vmem>>
    %dma_wait3A_277 = tpu.memref_slice %arg3[%add3A_274] : memref<327680xi32, #tpu.memory_space<hbm>> -> memref<512xi32, #tpu.memory_space<hbm>>
    %dma_wait3A_278 = arith.constant 7168 : i32
    %dma_wait3A_279 = tpu.memref_slice %arg6[%dma_wait3A_278] : memref<10240xi32, #tpu.memory_space<vmem>> -> memref<512xi32, #tpu.memory_space<vmem>>
    %dma_wait3A_280 = tpu.memref_slice %arg3[%add3A_274] : memref<327680xi32, #tpu.memory_space<hbm>> -> memref<512xi32, #tpu.memory_space<hbm>>
    tpu.wait_dma2 semaphore(%arg9 : memref<!tpu.dma_semaphore, #tpu.memory_space<semaphore_mem>>) src(%dma_wait3A_280 : memref<512xi32, #tpu.memory_space<hbm>>) dst(%dma_wait3A_279 : memref<512xi32, #tpu.memory_space<vmem>>)
    %add3A_281 = arith.constant 245760 : i32
    %add3A_282 = arith.addi %add3A_281, %mul3A_2 : i32
    %dma_wait3A_283 = arith.constant 7680 : i32
    %dma_wait3A_284 = tpu.memref_slice %arg6[%dma_wait3A_283] : memref<10240xi32, #tpu.memory_space<vmem>> -> memref<512xi32, #tpu.memory_space<vmem>>
    %dma_wait3A_285 = tpu.memref_slice %arg3[%add3A_282] : memref<327680xi32, #tpu.memory_space<hbm>> -> memref<512xi32, #tpu.memory_space<hbm>>
    %dma_wait3A_286 = arith.constant 7680 : i32
    %dma_wait3A_287 = tpu.memref_slice %arg6[%dma_wait3A_286] : memref<10240xi32, #tpu.memory_space<vmem>> -> memref<512xi32, #tpu.memory_space<vmem>>
    %dma_wait3A_288 = tpu.memref_slice %arg3[%add3A_282] : memref<327680xi32, #tpu.memory_space<hbm>> -> memref<512xi32, #tpu.memory_space<hbm>>
    tpu.wait_dma2 semaphore(%arg9 : memref<!tpu.dma_semaphore, #tpu.memory_space<semaphore_mem>>) src(%dma_wait3A_288 : memref<512xi32, #tpu.memory_space<hbm>>) dst(%dma_wait3A_287 : memref<512xi32, #tpu.memory_space<vmem>>)
    %add3A_289 = arith.constant 262144 : i32
    %add3A_290 = arith.addi %add3A_289, %mul3A_2 : i32
    %dma_wait3A_291 = arith.constant 8192 : i32
    %dma_wait3A_292 = tpu.memref_slice %arg6[%dma_wait3A_291] : memref<10240xi32, #tpu.memory_space<vmem>> -> memref<512xi32, #tpu.memory_space<vmem>>
    %dma_wait3A_293 = tpu.memref_slice %arg3[%add3A_290] : memref<327680xi32, #tpu.memory_space<hbm>> -> memref<512xi32, #tpu.memory_space<hbm>>
    %dma_wait3A_294 = arith.constant 8192 : i32
    %dma_wait3A_295 = tpu.memref_slice %arg6[%dma_wait3A_294] : memref<10240xi32, #tpu.memory_space<vmem>> -> memref<512xi32, #tpu.memory_space<vmem>>
    %dma_wait3A_296 = tpu.memref_slice %arg3[%add3A_290] : memref<327680xi32, #tpu.memory_space<hbm>> -> memref<512xi32, #tpu.memory_space<hbm>>
    tpu.wait_dma2 semaphore(%arg9 : memref<!tpu.dma_semaphore, #tpu.memory_space<semaphore_mem>>) src(%dma_wait3A_296 : memref<512xi32, #tpu.memory_space<hbm>>) dst(%dma_wait3A_295 : memref<512xi32, #tpu.memory_space<vmem>>)
    %add3A_297 = arith.constant 278528 : i32
    %add3A_298 = arith.addi %add3A_297, %mul3A_2 : i32
    %dma_wait3A_299 = arith.constant 8704 : i32
    %dma_wait3A_300 = tpu.memref_slice %arg6[%dma_wait3A_299] : memref<10240xi32, #tpu.memory_space<vmem>> -> memref<512xi32, #tpu.memory_space<vmem>>
    %dma_wait3A_301 = tpu.memref_slice %arg3[%add3A_298] : memref<327680xi32, #tpu.memory_space<hbm>> -> memref<512xi32, #tpu.memory_space<hbm>>
    %dma_wait3A_302 = arith.constant 8704 : i32
    %dma_wait3A_303 = tpu.memref_slice %arg6[%dma_wait3A_302] : memref<10240xi32, #tpu.memory_space<vmem>> -> memref<512xi32, #tpu.memory_space<vmem>>
    %dma_wait3A_304 = tpu.memref_slice %arg3[%add3A_298] : memref<327680xi32, #tpu.memory_space<hbm>> -> memref<512xi32, #tpu.memory_space<hbm>>
    tpu.wait_dma2 semaphore(%arg9 : memref<!tpu.dma_semaphore, #tpu.memory_space<semaphore_mem>>) src(%dma_wait3A_304 : memref<512xi32, #tpu.memory_space<hbm>>) dst(%dma_wait3A_303 : memref<512xi32, #tpu.memory_space<vmem>>)
    %add3A_305 = arith.constant 294912 : i32
    %add3A_306 = arith.addi %add3A_305, %mul3A_2 : i32
    %dma_wait3A_307 = arith.constant 9216 : i32
    %dma_wait3A_308 = tpu.memref_slice %arg6[%dma_wait3A_307] : memref<10240xi32, #tpu.memory_space<vmem>> -> memref<512xi32, #tpu.memory_space<vmem>>
    %dma_wait3A_309 = tpu.memref_slice %arg3[%add3A_306] : memref<327680xi32, #tpu.memory_space<hbm>> -> memref<512xi32, #tpu.memory_space<hbm>>
    %dma_wait3A_310 = arith.constant 9216 : i32
    %dma_wait3A_311 = tpu.memref_slice %arg6[%dma_wait3A_310] : memref<10240xi32, #tpu.memory_space<vmem>> -> memref<512xi32, #tpu.memory_space<vmem>>
    %dma_wait3A_312 = tpu.memref_slice %arg3[%add3A_306] : memref<327680xi32, #tpu.memory_space<hbm>> -> memref<512xi32, #tpu.memory_space<hbm>>
    tpu.wait_dma2 semaphore(%arg9 : memref<!tpu.dma_semaphore, #tpu.memory_space<semaphore_mem>>) src(%dma_wait3A_312 : memref<512xi32, #tpu.memory_space<hbm>>) dst(%dma_wait3A_311 : memref<512xi32, #tpu.memory_space<vmem>>)
    %add3A_313 = arith.constant 311296 : i32
    %add3A_314 = arith.addi %add3A_313, %mul3A_2 : i32
    %dma_wait3A_315 = arith.constant 9728 : i32
    %dma_wait3A_316 = tpu.memref_slice %arg6[%dma_wait3A_315] : memref<10240xi32, #tpu.memory_space<vmem>> -> memref<512xi32, #tpu.memory_space<vmem>>
    %dma_wait3A_317 = tpu.memref_slice %arg3[%add3A_314] : memref<327680xi32, #tpu.memory_space<hbm>> -> memref<512xi32, #tpu.memory_space<hbm>>
    %dma_wait3A_318 = arith.constant 9728 : i32
    %dma_wait3A_319 = tpu.memref_slice %arg6[%dma_wait3A_318] : memref<10240xi32, #tpu.memory_space<vmem>> -> memref<512xi32, #tpu.memory_space<vmem>>
    %dma_wait3A_320 = tpu.memref_slice %arg3[%add3A_314] : memref<327680xi32, #tpu.memory_space<hbm>> -> memref<512xi32, #tpu.memory_space<hbm>>
    tpu.wait_dma2 semaphore(%arg9 : memref<!tpu.dma_semaphore, #tpu.memory_space<semaphore_mem>>) src(%dma_wait3A_320 : memref<512xi32, #tpu.memory_space<hbm>>) dst(%dma_wait3A_319 : memref<512xi32, #tpu.memory_space<vmem>>)
    %jit3A = arith.constant 128 : i32
    %div3A = arith.divsi %mul3A_2, %jit3A : i32
    %sign3A = arith.constant 0 : i32
    %sign3A_321 = arith.cmpi sgt, %mul3A_2, %sign3A : i32
    %sign3A_322 = arith.extui %sign3A_321 : i1 to i32
    %sign3A_323 = arith.constant 0 : i32
    %sign3A_324 = arith.cmpi slt, %mul3A_2, %sign3A_323 : i32
    %sign3A_325 = arith.extui %sign3A_324 : i1 to i32
    %sign3A_326 = arith.subi %sign3A_322, %sign3A_325 : i32
    %sign3A_327 = arith.constant 0 : i32
    %sign3A_328 = arith.cmpi sgt, %jit3A, %sign3A_327 : i32
    %sign3A_329 = arith.extui %sign3A_328 : i1 to i32
    %sign3A_330 = arith.constant 0 : i32
    %sign3A_331 = arith.cmpi slt, %jit3A, %sign3A_330 : i32
    %sign3A_332 = arith.extui %sign3A_331 : i1 to i32
    %sign3A_333 = arith.subi %sign3A_329, %sign3A_332 : i32
    %ne3A = arith.cmpi ne, %sign3A_326, %sign3A_333 : i32
    %rem3A = arith.remsi %mul3A_2, %jit3A : i32
    %ne3A_334 = arith.constant 0 : i32
    %ne3A_335 = arith.cmpi ne, %rem3A, %ne3A_334 : i32
    %and3A = arith.andi %ne3A, %ne3A_335 : i1
    %sub3A = arith.constant 1 : i32
    %sub3A_336 = arith.subi %div3A, %sub3A : i32
    %select_n3A = arith.select %and3A, %sub3A_336, %div3A : i32
    %iota3A = tpu.iota {dimensions = array<i32: 0>} : vector<16xi32>
    %scan3A = arith.constant 0 : i32
    %scan3A_337 = arith.constant 0 : i32
    %scan3A_338 = arith.constant 40 : i32
    %scan3A_339 = arith.addi %scan3A_337, %scan3A_338 : i32
    %scan3A_340 = arith.constant 1 : i32
    scf.for %scan3A_566 = %scan3A_337 to %scan3A_339 step %scan3A_340  : i32 {
      %mul3A_567 = arith.constant 2 : i32
      %mul3A_568 = arith.muli %scan3A_566, %mul3A_567 : i32
      %jit3A_569 = arith.constant 4 : i32
      %div3A_570 = arith.divsi %mul3A_568, %jit3A_569 : i32
      %sign3A_571 = arith.constant 0 : i32
      %sign3A_572 = arith.cmpi sgt, %mul3A_568, %sign3A_571 : i32
      %sign3A_573 = arith.extui %sign3A_572 : i1 to i32
      %sign3A_574 = arith.constant 0 : i32
      %sign3A_575 = arith.cmpi slt, %mul3A_568, %sign3A_574 : i32
      %sign3A_576 = arith.extui %sign3A_575 : i1 to i32
      %sign3A_577 = arith.subi %sign3A_573, %sign3A_576 : i32
      %sign3A_578 = arith.constant 0 : i32
      %sign3A_579 = arith.cmpi sgt, %jit3A_569, %sign3A_578 : i32
      %sign3A_580 = arith.extui %sign3A_579 : i1 to i32
      %sign3A_581 = arith.constant 0 : i32
      %sign3A_582 = arith.cmpi slt, %jit3A_569, %sign3A_581 : i32
      %sign3A_583 = arith.extui %sign3A_582 : i1 to i32
      %sign3A_584 = arith.subi %sign3A_580, %sign3A_583 : i32
      %ne3A_585 = arith.cmpi ne, %sign3A_577, %sign3A_584 : i32
      %rem3A_586 = arith.remsi %mul3A_568, %jit3A_569 : i32
      %ne3A_587 = arith.constant 0 : i32
      %ne3A_588 = arith.cmpi ne, %rem3A_586, %ne3A_587 : i32
      %and3A_589 = arith.andi %ne3A_585, %ne3A_588 : i1
      %sub3A_590 = arith.constant 1 : i32
      %sub3A_591 = arith.subi %div3A_570, %sub3A_590 : i32
      %select_n3A_592 = arith.select %and3A_589, %sub3A_591, %div3A_570 : i32
      %rem3A_593 = arith.constant 4 : i32
      %rem3A_594 = arith.remsi %mul3A_568, %rem3A_593 : i32
      %add3A_595 = arith.addi %select_n3A, %rem3A_594 : i32
      %add3A_596 = arith.addi %select_n3A, %rem3A_594 : i32
      %add3A_597 = arith.addi %select_n3A, %rem3A_594 : i32
      %add3A_598 = arith.addi %select_n3A, %rem3A_594 : i32
      %add3A_599 = arith.addi %select_n3A, %rem3A_594 : i32
      %add3A_600 = arith.addi %select_n3A, %rem3A_594 : i32
      %add3A_601 = arith.addi %select_n3A, %rem3A_594 : i32
      %add3A_602 = arith.addi %select_n3A, %rem3A_594 : i32
      %ge3A = arith.constant 2 : i32
      %ge3A_603 = arith.cmpi sge, %mul3A_568, %ge3A : i32
      %convert_element_type3A = arith.extui %ge3A_603 : i1 to i32
      %cond3A = arith.constant 0 : i32
      %cond3A_604 = arith.constant 1 : i32
      %cond3A_605 = arith.constant 2 : i32
      %cond3A_606 = arith.constant 3 : i32
      %cond3A_607 = arith.constant 4 : i32
      %cond3A_608 = arith.constant 5 : i32
      %cond3A_609 = arith.constant 6 : i32
      %cond3A_610 = arith.constant 7 : i32
      %cond3A_611 = arith.constant 0 : i32
      %cond3A_612 = arith.cmpi ne, %convert_element_type3A, %cond3A_611 : i32
      scf.if %cond3A_612 {
        %dma_wait3A_862 = arith.constant 0 : i32
        %dma_wait3A_863 = tpu.memref_slice %arg7[%dma_wait3A_862] : memref<8192xf32, #tpu.memory_space<vmem>> -> memref<1024xf32, #tpu.memory_space<vmem>>
        %dma_wait3A_864 = arith.constant 0 : i32
        %dma_wait3A_865 = tpu.memref_slice %arg4[%select_n3A_592, %cond3A, %add3A_595, %dma_wait3A_864] : memref<20x8x128x1024xf32, #tpu.memory_space<hbm>> -> memref<1x1x1x1024xf32, #tpu.memory_space<hbm>>
        %dma_wait3A_866 = tpu.memref_squeeze %dma_wait3A_865 : memref<1x1x1x1024xf32, #tpu.memory_space<hbm>> -> memref<1024xf32, #tpu.memory_space<hbm>>
        %dma_wait3A_867 = arith.constant 0 : i32
        %dma_wait3A_868 = tpu.memref_slice %arg4[%select_n3A_592, %cond3A, %add3A_595, %dma_wait3A_867] : memref<20x8x128x1024xf32, #tpu.memory_space<hbm>> -> memref<1x1x1x1024xf32, #tpu.memory_space<hbm>>
        %dma_wait3A_869 = tpu.memref_squeeze %dma_wait3A_868 : memref<1x1x1x1024xf32, #tpu.memory_space<hbm>> -> memref<1024xf32, #tpu.memory_space<hbm>>
        %dma_wait3A_870 = arith.constant 0 : i32
        %dma_wait3A_871 = tpu.memref_slice %arg7[%dma_wait3A_870] : memref<8192xf32, #tpu.memory_space<vmem>> -> memref<1024xf32, #tpu.memory_space<vmem>>
        tpu.wait_dma2 semaphore(%arg10 : memref<!tpu.dma_semaphore, #tpu.memory_space<semaphore_mem>>) src(%dma_wait3A_871 : memref<1024xf32, #tpu.memory_space<vmem>>) dst(%dma_wait3A_869 : memref<1024xf32, #tpu.memory_space<hbm>>)
        %dma_wait3A_872 = arith.constant 1024 : i32
        %dma_wait3A_873 = tpu.memref_slice %arg7[%dma_wait3A_872] : memref<8192xf32, #tpu.memory_space<vmem>> -> memref<1024xf32, #tpu.memory_space<vmem>>
        %dma_wait3A_874 = arith.constant 0 : i32
        %dma_wait3A_875 = tpu.memref_slice %arg4[%select_n3A_592, %cond3A_604, %add3A_596, %dma_wait3A_874] : memref<20x8x128x1024xf32, #tpu.memory_space<hbm>> -> memref<1x1x1x1024xf32, #tpu.memory_space<hbm>>
        %dma_wait3A_876 = tpu.memref_squeeze %dma_wait3A_875 : memref<1x1x1x1024xf32, #tpu.memory_space<hbm>> -> memref<1024xf32, #tpu.memory_space<hbm>>
        %dma_wait3A_877 = arith.constant 0 : i32
        %dma_wait3A_878 = tpu.memref_slice %arg4[%select_n3A_592, %cond3A_604, %add3A_596, %dma_wait3A_877] : memref<20x8x128x1024xf32, #tpu.memory_space<hbm>> -> memref<1x1x1x1024xf32, #tpu.memory_space<hbm>>
        %dma_wait3A_879 = tpu.memref_squeeze %dma_wait3A_878 : memref<1x1x1x1024xf32, #tpu.memory_space<hbm>> -> memref<1024xf32, #tpu.memory_space<hbm>>
        %dma_wait3A_880 = arith.constant 1024 : i32
        %dma_wait3A_881 = tpu.memref_slice %arg7[%dma_wait3A_880] : memref<8192xf32, #tpu.memory_space<vmem>> -> memref<1024xf32, #tpu.memory_space<vmem>>
        tpu.wait_dma2 semaphore(%arg10 : memref<!tpu.dma_semaphore, #tpu.memory_space<semaphore_mem>>) src(%dma_wait3A_881 : memref<1024xf32, #tpu.memory_space<vmem>>) dst(%dma_wait3A_879 : memref<1024xf32, #tpu.memory_space<hbm>>)
        %dma_wait3A_882 = arith.constant 2048 : i32
        %dma_wait3A_883 = tpu.memref_slice %arg7[%dma_wait3A_882] : memref<8192xf32, #tpu.memory_space<vmem>> -> memref<1024xf32, #tpu.memory_space<vmem>>
        %dma_wait3A_884 = arith.constant 0 : i32
        %dma_wait3A_885 = tpu.memref_slice %arg4[%select_n3A_592, %cond3A_605, %add3A_597, %dma_wait3A_884] : memref<20x8x128x1024xf32, #tpu.memory_space<hbm>> -> memref<1x1x1x1024xf32, #tpu.memory_space<hbm>>
        %dma_wait3A_886 = tpu.memref_squeeze %dma_wait3A_885 : memref<1x1x1x1024xf32, #tpu.memory_space<hbm>> -> memref<1024xf32, #tpu.memory_space<hbm>>
        %dma_wait3A_887 = arith.constant 0 : i32
        %dma_wait3A_888 = tpu.memref_slice %arg4[%select_n3A_592, %cond3A_605, %add3A_597, %dma_wait3A_887] : memref<20x8x128x1024xf32, #tpu.memory_space<hbm>> -> memref<1x1x1x1024xf32, #tpu.memory_space<hbm>>
        %dma_wait3A_889 = tpu.memref_squeeze %dma_wait3A_888 : memref<1x1x1x1024xf32, #tpu.memory_space<hbm>> -> memref<1024xf32, #tpu.memory_space<hbm>>
        %dma_wait3A_890 = arith.constant 2048 : i32
        %dma_wait3A_891 = tpu.memref_slice %arg7[%dma_wait3A_890] : memref<8192xf32, #tpu.memory_space<vmem>> -> memref<1024xf32, #tpu.memory_space<vmem>>
        tpu.wait_dma2 semaphore(%arg10 : memref<!tpu.dma_semaphore, #tpu.memory_space<semaphore_mem>>) src(%dma_wait3A_891 : memref<1024xf32, #tpu.memory_space<vmem>>) dst(%dma_wait3A_889 : memref<1024xf32, #tpu.memory_space<hbm>>)
        %dma_wait3A_892 = arith.constant 3072 : i32
        %dma_wait3A_893 = tpu.memref_slice %arg7[%dma_wait3A_892] : memref<8192xf32, #tpu.memory_space<vmem>> -> memref<1024xf32, #tpu.memory_space<vmem>>
        %dma_wait3A_894 = arith.constant 0 : i32
        %dma_wait3A_895 = tpu.memref_slice %arg4[%select_n3A_592, %cond3A_606, %add3A_598, %dma_wait3A_894] : memref<20x8x128x1024xf32, #tpu.memory_space<hbm>> -> memref<1x1x1x1024xf32, #tpu.memory_space<hbm>>
        %dma_wait3A_896 = tpu.memref_squeeze %dma_wait3A_895 : memref<1x1x1x1024xf32, #tpu.memory_space<hbm>> -> memref<1024xf32, #tpu.memory_space<hbm>>
        %dma_wait3A_897 = arith.constant 0 : i32
        %dma_wait3A_898 = tpu.memref_slice %arg4[%select_n3A_592, %cond3A_606, %add3A_598, %dma_wait3A_897] : memref<20x8x128x1024xf32, #tpu.memory_space<hbm>> -> memref<1x1x1x1024xf32, #tpu.memory_space<hbm>>
        %dma_wait3A_899 = tpu.memref_squeeze %dma_wait3A_898 : memref<1x1x1x1024xf32, #tpu.memory_space<hbm>> -> memref<1024xf32, #tpu.memory_space<hbm>>
        %dma_wait3A_900 = arith.constant 3072 : i32
        %dma_wait3A_901 = tpu.memref_slice %arg7[%dma_wait3A_900] : memref<8192xf32, #tpu.memory_space<vmem>> -> memref<1024xf32, #tpu.memory_space<vmem>>
        tpu.wait_dma2 semaphore(%arg10 : memref<!tpu.dma_semaphore, #tpu.memory_space<semaphore_mem>>) src(%dma_wait3A_901 : memref<1024xf32, #tpu.memory_space<vmem>>) dst(%dma_wait3A_899 : memref<1024xf32, #tpu.memory_space<hbm>>)
        %dma_wait3A_902 = arith.constant 4096 : i32
        %dma_wait3A_903 = tpu.memref_slice %arg7[%dma_wait3A_902] : memref<8192xf32, #tpu.memory_space<vmem>> -> memref<1024xf32, #tpu.memory_space<vmem>>
        %dma_wait3A_904 = arith.constant 0 : i32
        %dma_wait3A_905 = tpu.memref_slice %arg4[%select_n3A_592, %cond3A_607, %add3A_599, %dma_wait3A_904] : memref<20x8x128x1024xf32, #tpu.memory_space<hbm>> -> memref<1x1x1x1024xf32, #tpu.memory_space<hbm>>
        %dma_wait3A_906 = tpu.memref_squeeze %dma_wait3A_905 : memref<1x1x1x1024xf32, #tpu.memory_space<hbm>> -> memref<1024xf32, #tpu.memory_space<hbm>>
        %dma_wait3A_907 = arith.constant 0 : i32
        %dma_wait3A_908 = tpu.memref_slice %arg4[%select_n3A_592, %cond3A_607, %add3A_599, %dma_wait3A_907] : memref<20x8x128x1024xf32, #tpu.memory_space<hbm>> -> memref<1x1x1x1024xf32, #tpu.memory_space<hbm>>
        %dma_wait3A_909 = tpu.memref_squeeze %dma_wait3A_908 : memref<1x1x1x1024xf32, #tpu.memory_space<hbm>> -> memref<1024xf32, #tpu.memory_space<hbm>>
        %dma_wait3A_910 = arith.constant 4096 : i32
        %dma_wait3A_911 = tpu.memref_slice %arg7[%dma_wait3A_910] : memref<8192xf32, #tpu.memory_space<vmem>> -> memref<1024xf32, #tpu.memory_space<vmem>>
        tpu.wait_dma2 semaphore(%arg10 : memref<!tpu.dma_semaphore, #tpu.memory_space<semaphore_mem>>) src(%dma_wait3A_911 : memref<1024xf32, #tpu.memory_space<vmem>>) dst(%dma_wait3A_909 : memref<1024xf32, #tpu.memory_space<hbm>>)
        %dma_wait3A_912 = arith.constant 5120 : i32
        %dma_wait3A_913 = tpu.memref_slice %arg7[%dma_wait3A_912] : memref<8192xf32, #tpu.memory_space<vmem>> -> memref<1024xf32, #tpu.memory_space<vmem>>
        %dma_wait3A_914 = arith.constant 0 : i32
        %dma_wait3A_915 = tpu.memref_slice %arg4[%select_n3A_592, %cond3A_608, %add3A_600, %dma_wait3A_914] : memref<20x8x128x1024xf32, #tpu.memory_space<hbm>> -> memref<1x1x1x1024xf32, #tpu.memory_space<hbm>>
        %dma_wait3A_916 = tpu.memref_squeeze %dma_wait3A_915 : memref<1x1x1x1024xf32, #tpu.memory_space<hbm>> -> memref<1024xf32, #tpu.memory_space<hbm>>
        %dma_wait3A_917 = arith.constant 0 : i32
        %dma_wait3A_918 = tpu.memref_slice %arg4[%select_n3A_592, %cond3A_608, %add3A_600, %dma_wait3A_917] : memref<20x8x128x1024xf32, #tpu.memory_space<hbm>> -> memref<1x1x1x1024xf32, #tpu.memory_space<hbm>>
        %dma_wait3A_919 = tpu.memref_squeeze %dma_wait3A_918 : memref<1x1x1x1024xf32, #tpu.memory_space<hbm>> -> memref<1024xf32, #tpu.memory_space<hbm>>
        %dma_wait3A_920 = arith.constant 5120 : i32
        %dma_wait3A_921 = tpu.memref_slice %arg7[%dma_wait3A_920] : memref<8192xf32, #tpu.memory_space<vmem>> -> memref<1024xf32, #tpu.memory_space<vmem>>
        tpu.wait_dma2 semaphore(%arg10 : memref<!tpu.dma_semaphore, #tpu.memory_space<semaphore_mem>>) src(%dma_wait3A_921 : memref<1024xf32, #tpu.memory_space<vmem>>) dst(%dma_wait3A_919 : memref<1024xf32, #tpu.memory_space<hbm>>)
        %dma_wait3A_922 = arith.constant 6144 : i32
        %dma_wait3A_923 = tpu.memref_slice %arg7[%dma_wait3A_922] : memref<8192xf32, #tpu.memory_space<vmem>> -> memref<1024xf32, #tpu.memory_space<vmem>>
        %dma_wait3A_924 = arith.constant 0 : i32
        %dma_wait3A_925 = tpu.memref_slice %arg4[%select_n3A_592, %cond3A_609, %add3A_601, %dma_wait3A_924] : memref<20x8x128x1024xf32, #tpu.memory_space<hbm>> -> memref<1x1x1x1024xf32, #tpu.memory_space<hbm>>
        %dma_wait3A_926 = tpu.memref_squeeze %dma_wait3A_925 : memref<1x1x1x1024xf32, #tpu.memory_space<hbm>> -> memref<1024xf32, #tpu.memory_space<hbm>>
        %dma_wait3A_927 = arith.constant 0 : i32
        %dma_wait3A_928 = tpu.memref_slice %arg4[%select_n3A_592, %cond3A_609, %add3A_601, %dma_wait3A_927] : memref<20x8x128x1024xf32, #tpu.memory_space<hbm>> -> memref<1x1x1x1024xf32, #tpu.memory_space<hbm>>
        %dma_wait3A_929 = tpu.memref_squeeze %dma_wait3A_928 : memref<1x1x1x1024xf32, #tpu.memory_space<hbm>> -> memref<1024xf32, #tpu.memory_space<hbm>>
        %dma_wait3A_930 = arith.constant 6144 : i32
        %dma_wait3A_931 = tpu.memref_slice %arg7[%dma_wait3A_930] : memref<8192xf32, #tpu.memory_space<vmem>> -> memref<1024xf32, #tpu.memory_space<vmem>>
        tpu.wait_dma2 semaphore(%arg10 : memref<!tpu.dma_semaphore, #tpu.memory_space<semaphore_mem>>) src(%dma_wait3A_931 : memref<1024xf32, #tpu.memory_space<vmem>>) dst(%dma_wait3A_929 : memref<1024xf32, #tpu.memory_space<hbm>>)
        %dma_wait3A_932 = arith.constant 7168 : i32
        %dma_wait3A_933 = tpu.memref_slice %arg7[%dma_wait3A_932] : memref<8192xf32, #tpu.memory_space<vmem>> -> memref<1024xf32, #tpu.memory_space<vmem>>
        %dma_wait3A_934 = arith.constant 0 : i32
        %dma_wait3A_935 = tpu.memref_slice %arg4[%select_n3A_592, %cond3A_610, %add3A_602, %dma_wait3A_934] : memref<20x8x128x1024xf32, #tpu.memory_space<hbm>> -> memref<1x1x1x1024xf32, #tpu.memory_space<hbm>>
        %dma_wait3A_936 = tpu.memref_squeeze %dma_wait3A_935 : memref<1x1x1x1024xf32, #tpu.memory_space<hbm>> -> memref<1024xf32, #tpu.memory_space<hbm>>
        %dma_wait3A_937 = arith.constant 0 : i32
        %dma_wait3A_938 = tpu.memref_slice %arg4[%select_n3A_592, %cond3A_610, %add3A_602, %dma_wait3A_937] : memref<20x8x128x1024xf32, #tpu.memory_space<hbm>> -> memref<1x1x1x1024xf32, #tpu.memory_space<hbm>>
        %dma_wait3A_939 = tpu.memref_squeeze %dma_wait3A_938 : memref<1x1x1x1024xf32, #tpu.memory_space<hbm>> -> memref<1024xf32, #tpu.memory_space<hbm>>
        %dma_wait3A_940 = arith.constant 7168 : i32
        %dma_wait3A_941 = tpu.memref_slice %arg7[%dma_wait3A_940] : memref<8192xf32, #tpu.memory_space<vmem>> -> memref<1024xf32, #tpu.memory_space<vmem>>
        tpu.wait_dma2 semaphore(%arg10 : memref<!tpu.dma_semaphore, #tpu.memory_space<semaphore_mem>>) src(%dma_wait3A_941 : memref<1024xf32, #tpu.memory_space<vmem>>) dst(%dma_wait3A_939 : memref<1024xf32, #tpu.memory_space<hbm>>)
      } else {
      }
      %mul3A_613 = arith.constant 512 : i32
      %mul3A_614 = arith.muli %select_n3A_592, %mul3A_613 : i32
      %mul3A_615 = arith.constant 128 : i32
      %mul3A_616 = arith.muli %rem3A_594, %mul3A_615 : i32
      %add3A_617 = arith.addi %mul3A_614, %mul3A_616 : i32
      %scan3A_618 = arith.constant 0 : i32
      %scan3A_619 = arith.constant 0 : i32
      %scan3A_620 = arith.constant 16 : i32
      %scan3A_621 = arith.addi %scan3A_619, %scan3A_620 : i32
      %scan3A_622 = arith.constant 1 : i32
      scf.for %scan3A_862 = %scan3A_619 to %scan3A_621 step %scan3A_622  : i32 {
        %add3A_863 = vector.broadcast %scan3A_862 : i32 to vector<16xi32>
        %add3A_864 = arith.addi %iota3A, %add3A_863 : vector<16xi32>
        %and3A_865 = arith.constant 15 : i32
        %and3A_866 = vector.broadcast %and3A_865 : i32 to vector<16xi32>
        %and3A_867 = arith.andi %add3A_864, %and3A_866 : vector<16xi32>
        %mul3A_868 = arith.constant 128 : i32
        %mul3A_869 = vector.broadcast %mul3A_868 : i32 to vector<16xi32>
        %mul3A_870 = arith.muli %and3A_867, %mul3A_869 : vector<16xi32>
        %add3A_871 = arith.addi %mul3A_870, %iota3A : vector<16xi32>
        %add3A_872 = arith.constant 0 : i32
        %add3A_873 = arith.addi %add3A_617, %add3A_872 : i32
        %get3A = arith.index_cast %add3A_873 : i32 to index
        %get3A_874 = tpu.vector_load %arg6[%get3A] {strides = array<i32>} : memref<10240xi32, #tpu.memory_space<vmem>>, vector<16xi32>,
        %add3A_875 = arith.constant 16 : i32
        %add3A_876 = arith.addi %add3A_617, %add3A_875 : i32
        %get3A_877 = arith.index_cast %add3A_876 : i32 to index
        %get3A_878 = tpu.vector_load %arg6[%get3A_877] {strides = array<i32>} : memref<10240xi32, #tpu.memory_space<vmem>>, vector<16xi32>,
        %add3A_879 = arith.constant 32 : i32
        %add3A_880 = arith.addi %add3A_617, %add3A_879 : i32
        %get3A_881 = arith.index_cast %add3A_880 : i32 to index
        %get3A_882 = tpu.vector_load %arg6[%get3A_881] {strides = array<i32>} : memref<10240xi32, #tpu.memory_space<vmem>>, vector<16xi32>,
        %add3A_883 = arith.constant 48 : i32
        %add3A_884 = arith.addi %add3A_617, %add3A_883 : i32
        %get3A_885 = arith.index_cast %add3A_884 : i32 to index
        %get3A_886 = tpu.vector_load %arg6[%get3A_885] {strides = array<i32>} : memref<10240xi32, #tpu.memory_space<vmem>>, vector<16xi32>,
        %add3A_887 = arith.constant 64 : i32
        %add3A_888 = arith.addi %add3A_617, %add3A_887 : i32
        %get3A_889 = arith.index_cast %add3A_888 : i32 to index
        %get3A_890 = tpu.vector_load %arg6[%get3A_889] {strides = array<i32>} : memref<10240xi32, #tpu.memory_space<vmem>>, vector<16xi32>,
        %add3A_891 = arith.constant 80 : i32
        %add3A_892 = arith.addi %add3A_617, %add3A_891 : i32
        %get3A_893 = arith.index_cast %add3A_892 : i32 to index
        %get3A_894 = tpu.vector_load %arg6[%get3A_893] {strides = array<i32>} : memref<10240xi32, #tpu.memory_space<vmem>>, vector<16xi32>,
        %add3A_895 = arith.constant 96 : i32
        %add3A_896 = arith.addi %add3A_617, %add3A_895 : i32
        %get3A_897 = arith.index_cast %add3A_896 : i32 to index
        %get3A_898 = tpu.vector_load %arg6[%get3A_897] {strides = array<i32>} : memref<10240xi32, #tpu.memory_space<vmem>>, vector<16xi32>,
        %add3A_899 = arith.constant 112 : i32
        %add3A_900 = arith.addi %add3A_617, %add3A_899 : i32
        %get3A_901 = arith.index_cast %add3A_900 : i32 to index
        %get3A_902 = tpu.vector_load %arg6[%get3A_901] {strides = array<i32>} : memref<10240xi32, #tpu.memory_space<vmem>>, vector<16xi32>,
        %mul3A_903 = arith.constant 64 : i32
        %mul3A_904 = vector.broadcast %mul3A_903 : i32 to vector<16xi32>
        %mul3A_905 = arith.muli %get3A_874, %mul3A_904 : vector<16xi32>
        %add3A_906 = arith.addi %mul3A_905, %and3A_867 : vector<16xi32>
        %mul3A_907 = arith.constant 64 : i32
        %mul3A_908 = vector.broadcast %mul3A_907 : i32 to vector<16xi32>
        %mul3A_909 = arith.muli %get3A_878, %mul3A_908 : vector<16xi32>
        %add3A_910 = arith.addi %mul3A_909, %and3A_867 : vector<16xi32>
        %mul3A_911 = arith.constant 64 : i32
        %mul3A_912 = vector.broadcast %mul3A_911 : i32 to vector<16xi32>
        %mul3A_913 = arith.muli %get3A_882, %mul3A_912 : vector<16xi32>
        %add3A_914 = arith.addi %mul3A_913, %and3A_867 : vector<16xi32>
        %mul3A_915 = arith.constant 64 : i32
        %mul3A_916 = vector.broadcast %mul3A_915 : i32 to vector<16xi32>
        %mul3A_917 = arith.muli %get3A_886, %mul3A_916 : vector<16xi32>
        %add3A_918 = arith.addi %mul3A_917, %and3A_867 : vector<16xi32>
        %mul3A_919 = arith.constant 64 : i32
        %mul3A_920 = vector.broadcast %mul3A_919 : i32 to vector<16xi32>
        %mul3A_921 = arith.muli %get3A_890, %mul3A_920 : vector<16xi32>
        %add3A_922 = arith.addi %mul3A_921, %and3A_867 : vector<16xi32>
        %mul3A_923 = arith.constant 64 : i32
        %mul3A_924 = vector.broadcast %mul3A_923 : i32 to vector<16xi32>
        %mul3A_925 = arith.muli %get3A_894, %mul3A_924 : vector<16xi32>
        %add3A_926 = arith.addi %mul3A_925, %and3A_867 : vector<16xi32>
        %mul3A_927 = arith.constant 64 : i32
        %mul3A_928 = vector.broadcast %mul3A_927 : i32 to vector<16xi32>
        %mul3A_929 = arith.muli %get3A_898, %mul3A_928 : vector<16xi32>
        %add3A_930 = arith.addi %mul3A_929, %and3A_867 : vector<16xi32>
        %mul3A_931 = arith.constant 64 : i32
        %mul3A_932 = vector.broadcast %mul3A_931 : i32 to vector<16xi32>
        %mul3A_933 = arith.muli %get3A_902, %mul3A_932 : vector<16xi32>
        %add3A_934 = arith.addi %mul3A_933, %and3A_867 : vector<16xi32>
        %add3A_935 = arith.constant 16 : i32
        %add3A_936 = vector.broadcast %add3A_935 : i32 to vector<16xi32>
        %add3A_937 = arith.addi %add3A_871, %add3A_936 : vector<16xi32>
        %add3A_938 = arith.constant 32 : i32
        %add3A_939 = vector.broadcast %add3A_938 : i32 to vector<16xi32>
        %add3A_940 = arith.addi %add3A_871, %add3A_939 : vector<16xi32>
        %add3A_941 = arith.constant 48 : i32
        %add3A_942 = vector.broadcast %add3A_941 : i32 to vector<16xi32>
        %add3A_943 = arith.addi %add3A_871, %add3A_942 : vector<16xi32>
        %add3A_944 = arith.constant 64 : i32
        %add3A_945 = vector.broadcast %add3A_944 : i32 to vector<16xi32>
        %add3A_946 = arith.addi %add3A_871, %add3A_945 : vector<16xi32>
        %add3A_947 = arith.constant 80 : i32
        %add3A_948 = vector.broadcast %add3A_947 : i32 to vector<16xi32>
        %add3A_949 = arith.addi %add3A_871, %add3A_948 : vector<16xi32>
        %add3A_950 = arith.constant 96 : i32
        %add3A_951 = vector.broadcast %add3A_950 : i32 to vector<16xi32>
        %add3A_952 = arith.addi %add3A_871, %add3A_951 : vector<16xi32>
        %add3A_953 = arith.constant 112 : i32
        %add3A_954 = vector.broadcast %add3A_953 : i32 to vector<16xi32>
        %add3A_955 = arith.addi %add3A_871, %add3A_954 : vector<16xi32>
        %gather3A = tpu.vector_load_idx %arg5[%add3A_906] : memref<64000xf32, #tpu.memory_space<vmem>>[vector<16xi32>], vector<16xf32>,
        %add3A_956 = arith.constant 16 : i32
        %add3A_957 = vector.broadcast %add3A_956 : i32 to vector<16xi32>
        %add3A_958 = arith.addi %add3A_906, %add3A_957 : vector<16xi32>
        %gather3A_959 = tpu.vector_load_idx %arg5[%add3A_958] : memref<64000xf32, #tpu.memory_space<vmem>>[vector<16xi32>], vector<16xf32>,
        %add3A_960 = arith.constant 32 : i32
        %add3A_961 = vector.broadcast %add3A_960 : i32 to vector<16xi32>
        %add3A_962 = arith.addi %add3A_906, %add3A_961 : vector<16xi32>
        %gather3A_963 = tpu.vector_load_idx %arg5[%add3A_962] : memref<64000xf32, #tpu.memory_space<vmem>>[vector<16xi32>], vector<16xf32>,
        %add3A_964 = arith.constant 48 : i32
        %add3A_965 = vector.broadcast %add3A_964 : i32 to vector<16xi32>
        %add3A_966 = arith.addi %add3A_906, %add3A_965 : vector<16xi32>
        %gather3A_967 = tpu.vector_load_idx %arg5[%add3A_966] : memref<64000xf32, #tpu.memory_space<vmem>>[vector<16xi32>], vector<16xf32>,
        %gather3A_968 = tpu.vector_load_idx %arg5[%add3A_910] : memref<64000xf32, #tpu.memory_space<vmem>>[vector<16xi32>], vector<16xf32>,
        %add3A_969 = arith.constant 16 : i32
        %add3A_970 = vector.broadcast %add3A_969 : i32 to vector<16xi32>
        %add3A_971 = arith.addi %add3A_910, %add3A_970 : vector<16xi32>
        %gather3A_972 = tpu.vector_load_idx %arg5[%add3A_971] : memref<64000xf32, #tpu.memory_space<vmem>>[vector<16xi32>], vector<16xf32>,
        %add3A_973 = arith.constant 32 : i32
        %add3A_974 = vector.broadcast %add3A_973 : i32 to vector<16xi32>
        %add3A_975 = arith.addi %add3A_910, %add3A_974 : vector<16xi32>
        %gather3A_976 = tpu.vector_load_idx %arg5[%add3A_975] : memref<64000xf32, #tpu.memory_space<vmem>>[vector<16xi32>], vector<16xf32>,
        %add3A_977 = arith.constant 48 : i32
        %add3A_978 = vector.broadcast %add3A_977 : i32 to vector<16xi32>
        %add3A_979 = arith.addi %add3A_910, %add3A_978 : vector<16xi32>
        %gather3A_980 = tpu.vector_load_idx %arg5[%add3A_979] : memref<64000xf32, #tpu.memory_space<vmem>>[vector<16xi32>], vector<16xf32>,
        %gather3A_981 = tpu.vector_load_idx %arg5[%add3A_914] : memref<64000xf32, #tpu.memory_space<vmem>>[vector<16xi32>], vector<16xf32>,
        %add3A_982 = arith.constant 16 : i32
        %add3A_983 = vector.broadcast %add3A_982 : i32 to vector<16xi32>
        %add3A_984 = arith.addi %add3A_914, %add3A_983 : vector<16xi32>
        %gather3A_985 = tpu.vector_load_idx %arg5[%add3A_984] : memref<64000xf32, #tpu.memory_space<vmem>>[vector<16xi32>], vector<16xf32>,
        %add3A_986 = arith.constant 32 : i32
        %add3A_987 = vector.broadcast %add3A_986 : i32 to vector<16xi32>
        %add3A_988 = arith.addi %add3A_914, %add3A_987 : vector<16xi32>
        %gather3A_989 = tpu.vector_load_idx %arg5[%add3A_988] : memref<64000xf32, #tpu.memory_space<vmem>>[vector<16xi32>], vector<16xf32>,
        %add3A_990 = arith.constant 48 : i32
        %add3A_991 = vector.broadcast %add3A_990 : i32 to vector<16xi32>
        %add3A_992 = arith.addi %add3A_914, %add3A_991 : vector<16xi32>
        %gather3A_993 = tpu.vector_load_idx %arg5[%add3A_992] : memref<64000xf32, #tpu.memory_space<vmem>>[vector<16xi32>], vector<16xf32>,
        %gather3A_994 = tpu.vector_load_idx %arg5[%add3A_918] : memref<64000xf32, #tpu.memory_space<vmem>>[vector<16xi32>], vector<16xf32>,
        %add3A_995 = arith.constant 16 : i32
        %add3A_996 = vector.broadcast %add3A_995 : i32 to vector<16xi32>
        %add3A_997 = arith.addi %add3A_918, %add3A_996 : vector<16xi32>
        %gather3A_998 = tpu.vector_load_idx %arg5[%add3A_997] : memref<64000xf32, #tpu.memory_space<vmem>>[vector<16xi32>], vector<16xf32>,
        %add3A_999 = arith.constant 32 : i32
        %add3A_1000 = vector.broadcast %add3A_999 : i32 to vector<16xi32>
        %add3A_1001 = arith.addi %add3A_918, %add3A_1000 : vector<16xi32>
        %gather3A_1002 = tpu.vector_load_idx %arg5[%add3A_1001] : memref<64000xf32, #tpu.memory_space<vmem>>[vector<16xi32>], vector<16xf32>,
        %add3A_1003 = arith.constant 48 : i32
        %add3A_1004 = vector.broadcast %add3A_1003 : i32 to vector<16xi32>
        %add3A_1005 = arith.addi %add3A_918, %add3A_1004 : vector<16xi32>
        %gather3A_1006 = tpu.vector_load_idx %arg5[%add3A_1005] : memref<64000xf32, #tpu.memory_space<vmem>>[vector<16xi32>], vector<16xf32>,
        %gather3A_1007 = tpu.vector_load_idx %arg5[%add3A_922] : memref<64000xf32, #tpu.memory_space<vmem>>[vector<16xi32>], vector<16xf32>,
        %add3A_1008 = arith.constant 16 : i32
        %add3A_1009 = vector.broadcast %add3A_1008 : i32 to vector<16xi32>
        %add3A_1010 = arith.addi %add3A_922, %add3A_1009 : vector<16xi32>
        %gather3A_1011 = tpu.vector_load_idx %arg5[%add3A_1010] : memref<64000xf32, #tpu.memory_space<vmem>>[vector<16xi32>], vector<16xf32>,
        %add3A_1012 = arith.constant 32 : i32
        %add3A_1013 = vector.broadcast %add3A_1012 : i32 to vector<16xi32>
        %add3A_1014 = arith.addi %add3A_922, %add3A_1013 : vector<16xi32>
        %gather3A_1015 = tpu.vector_load_idx %arg5[%add3A_1014] : memref<64000xf32, #tpu.memory_space<vmem>>[vector<16xi32>], vector<16xf32>,
        %add3A_1016 = arith.constant 48 : i32
        %add3A_1017 = vector.broadcast %add3A_1016 : i32 to vector<16xi32>
        %add3A_1018 = arith.addi %add3A_922, %add3A_1017 : vector<16xi32>
        %gather3A_1019 = tpu.vector_load_idx %arg5[%add3A_1018] : memref<64000xf32, #tpu.memory_space<vmem>>[vector<16xi32>], vector<16xf32>,
        %gather3A_1020 = tpu.vector_load_idx %arg5[%add3A_926] : memref<64000xf32, #tpu.memory_space<vmem>>[vector<16xi32>], vector<16xf32>,
        %add3A_1021 = arith.constant 16 : i32
        %add3A_1022 = vector.broadcast %add3A_1021 : i32 to vector<16xi32>
        %add3A_1023 = arith.addi %add3A_926, %add3A_1022 : vector<16xi32>
        %gather3A_1024 = tpu.vector_load_idx %arg5[%add3A_1023] : memref<64000xf32, #tpu.memory_space<vmem>>[vector<16xi32>], vector<16xf32>,
        %add3A_1025 = arith.constant 32 : i32
        %add3A_1026 = vector.broadcast %add3A_1025 : i32 to vector<16xi32>
        %add3A_1027 = arith.addi %add3A_926, %add3A_1026 : vector<16xi32>
        %gather3A_1028 = tpu.vector_load_idx %arg5[%add3A_1027] : memref<64000xf32, #tpu.memory_space<vmem>>[vector<16xi32>], vector<16xf32>,
        %add3A_1029 = arith.constant 48 : i32
        %add3A_1030 = vector.broadcast %add3A_1029 : i32 to vector<16xi32>
        %add3A_1031 = arith.addi %add3A_926, %add3A_1030 : vector<16xi32>
        %gather3A_1032 = tpu.vector_load_idx %arg5[%add3A_1031] : memref<64000xf32, #tpu.memory_space<vmem>>[vector<16xi32>], vector<16xf32>,
        %gather3A_1033 = tpu.vector_load_idx %arg5[%add3A_930] : memref<64000xf32, #tpu.memory_space<vmem>>[vector<16xi32>], vector<16xf32>,
        %add3A_1034 = arith.constant 16 : i32
        %add3A_1035 = vector.broadcast %add3A_1034 : i32 to vector<16xi32>
        %add3A_1036 = arith.addi %add3A_930, %add3A_1035 : vector<16xi32>
        %gather3A_1037 = tpu.vector_load_idx %arg5[%add3A_1036] : memref<64000xf32, #tpu.memory_space<vmem>>[vector<16xi32>], vector<16xf32>,
        %add3A_1038 = arith.constant 32 : i32
        %add3A_1039 = vector.broadcast %add3A_1038 : i32 to vector<16xi32>
        %add3A_1040 = arith.addi %add3A_930, %add3A_1039 : vector<16xi32>
        %gather3A_1041 = tpu.vector_load_idx %arg5[%add3A_1040] : memref<64000xf32, #tpu.memory_space<vmem>>[vector<16xi32>], vector<16xf32>,
        %add3A_1042 = arith.constant 48 : i32
        %add3A_1043 = vector.broadcast %add3A_1042 : i32 to vector<16xi32>
        %add3A_1044 = arith.addi %add3A_930, %add3A_1043 : vector<16xi32>
        %gather3A_1045 = tpu.vector_load_idx %arg5[%add3A_1044] : memref<64000xf32, #tpu.memory_space<vmem>>[vector<16xi32>], vector<16xf32>,
        %gather3A_1046 = tpu.vector_load_idx %arg5[%add3A_934] : memref<64000xf32, #tpu.memory_space<vmem>>[vector<16xi32>], vector<16xf32>,
        %add3A_1047 = arith.constant 16 : i32
        %add3A_1048 = vector.broadcast %add3A_1047 : i32 to vector<16xi32>
        %add3A_1049 = arith.addi %add3A_934, %add3A_1048 : vector<16xi32>
        %gather3A_1050 = tpu.vector_load_idx %arg5[%add3A_1049] : memref<64000xf32, #tpu.memory_space<vmem>>[vector<16xi32>], vector<16xf32>,
        %add3A_1051 = arith.constant 32 : i32
        %add3A_1052 = vector.broadcast %add3A_1051 : i32 to vector<16xi32>
        %add3A_1053 = arith.addi %add3A_934, %add3A_1052 : vector<16xi32>
        %gather3A_1054 = tpu.vector_load_idx %arg5[%add3A_1053] : memref<64000xf32, #tpu.memory_space<vmem>>[vector<16xi32>], vector<16xf32>,
        %add3A_1055 = arith.constant 48 : i32
        %add3A_1056 = vector.broadcast %add3A_1055 : i32 to vector<16xi32>
        %add3A_1057 = arith.addi %add3A_934, %add3A_1056 : vector<16xi32>
        %gather3A_1058 = tpu.vector_load_idx %arg5[%add3A_1057] : memref<64000xf32, #tpu.memory_space<vmem>>[vector<16xi32>], vector<16xf32>,
        %scatter3A = arith.constant 0 : i32
        %scatter3A_1059 = tpu.memref_slice %arg7[%scatter3A] : memref<8192xf32, #tpu.memory_space<vmem>> -> memref<2048xf32, #tpu.memory_space<vmem>>
        tpu.vector_store_idx %scatter3A_1059[%add3A_871], %gather3A : memref<2048xf32, #tpu.memory_space<vmem>>[vector<16xi32>], vector<16xf32>,
        %scatter3A_1060 = arith.constant 0 : i32
        %scatter3A_1061 = tpu.memref_slice %arg7[%scatter3A_1060] : memref<8192xf32, #tpu.memory_space<vmem>> -> memref<2048xf32, #tpu.memory_space<vmem>>
        tpu.vector_store_idx %scatter3A_1061[%add3A_937], %gather3A_968 : memref<2048xf32, #tpu.memory_space<vmem>>[vector<16xi32>], vector<16xf32>,
        %scatter3A_1062 = arith.constant 0 : i32
        %scatter3A_1063 = tpu.memref_slice %arg7[%scatter3A_1062] : memref<8192xf32, #tpu.memory_space<vmem>> -> memref<2048xf32, #tpu.memory_space<vmem>>
        tpu.vector_store_idx %scatter3A_1063[%add3A_940], %gather3A_981 : memref<2048xf32, #tpu.memory_space<vmem>>[vector<16xi32>], vector<16xf32>,
        %scatter3A_1064 = arith.constant 0 : i32
        %scatter3A_1065 = tpu.memref_slice %arg7[%scatter3A_1064] : memref<8192xf32, #tpu.memory_space<vmem>> -> memref<2048xf32, #tpu.memory_space<vmem>>
        tpu.vector_store_idx %scatter3A_1065[%add3A_943], %gather3A_994 : memref<2048xf32, #tpu.memory_space<vmem>>[vector<16xi32>], vector<16xf32>,
        %scatter3A_1066 = arith.constant 0 : i32
        %scatter3A_1067 = tpu.memref_slice %arg7[%scatter3A_1066] : memref<8192xf32, #tpu.memory_space<vmem>> -> memref<2048xf32, #tpu.memory_space<vmem>>
        tpu.vector_store_idx %scatter3A_1067[%add3A_946], %gather3A_1007 : memref<2048xf32, #tpu.memory_space<vmem>>[vector<16xi32>], vector<16xf32>,
        %scatter3A_1068 = arith.constant 0 : i32
        %scatter3A_1069 = tpu.memref_slice %arg7[%scatter3A_1068] : memref<8192xf32, #tpu.memory_space<vmem>> -> memref<2048xf32, #tpu.memory_space<vmem>>
        tpu.vector_store_idx %scatter3A_1069[%add3A_949], %gather3A_1020 : memref<2048xf32, #tpu.memory_space<vmem>>[vector<16xi32>], vector<16xf32>,
        %scatter3A_1070 = arith.constant 0 : i32
        %scatter3A_1071 = tpu.memref_slice %arg7[%scatter3A_1070] : memref<8192xf32, #tpu.memory_space<vmem>> -> memref<2048xf32, #tpu.memory_space<vmem>>
        tpu.vector_store_idx %scatter3A_1071[%add3A_952], %gather3A_1033 : memref<2048xf32, #tpu.memory_space<vmem>>[vector<16xi32>], vector<16xf32>,
        %scatter3A_1072 = arith.constant 0 : i32
        %scatter3A_1073 = tpu.memref_slice %arg7[%scatter3A_1072] : memref<8192xf32, #tpu.memory_space<vmem>> -> memref<2048xf32, #tpu.memory_space<vmem>>
        tpu.vector_store_idx %scatter3A_1073[%add3A_955], %gather3A_1046 : memref<2048xf32, #tpu.memory_space<vmem>>[vector<16xi32>], vector<16xf32>,
        %scatter3A_1074 = arith.constant 2048 : i32
        %scatter3A_1075 = tpu.memref_slice %arg7[%scatter3A_1074] : memref<8192xf32, #tpu.memory_space<vmem>> -> memref<2048xf32, #tpu.memory_space<vmem>>
        tpu.vector_store_idx %scatter3A_1075[%add3A_871], %gather3A_959 : memref<2048xf32, #tpu.memory_space<vmem>>[vector<16xi32>], vector<16xf32>,
        %scatter3A_1076 = arith.constant 2048 : i32
        %scatter3A_1077 = tpu.memref_slice %arg7[%scatter3A_1076] : memref<8192xf32, #tpu.memory_space<vmem>> -> memref<2048xf32, #tpu.memory_space<vmem>>
        tpu.vector_store_idx %scatter3A_1077[%add3A_937], %gather3A_972 : memref<2048xf32, #tpu.memory_space<vmem>>[vector<16xi32>], vector<16xf32>,
        %scatter3A_1078 = arith.constant 2048 : i32
        %scatter3A_1079 = tpu.memref_slice %arg7[%scatter3A_1078] : memref<8192xf32, #tpu.memory_space<vmem>> -> memref<2048xf32, #tpu.memory_space<vmem>>
        tpu.vector_store_idx %scatter3A_1079[%add3A_940], %gather3A_985 : memref<2048xf32, #tpu.memory_space<vmem>>[vector<16xi32>], vector<16xf32>,
        %scatter3A_1080 = arith.constant 2048 : i32
        %scatter3A_1081 = tpu.memref_slice %arg7[%scatter3A_1080] : memref<8192xf32, #tpu.memory_space<vmem>> -> memref<2048xf32, #tpu.memory_space<vmem>>
        tpu.vector_store_idx %scatter3A_1081[%add3A_943], %gather3A_998 : memref<2048xf32, #tpu.memory_space<vmem>>[vector<16xi32>], vector<16xf32>,
        %scatter3A_1082 = arith.constant 2048 : i32
        %scatter3A_1083 = tpu.memref_slice %arg7[%scatter3A_1082] : memref<8192xf32, #tpu.memory_space<vmem>> -> memref<2048xf32, #tpu.memory_space<vmem>>
        tpu.vector_store_idx %scatter3A_1083[%add3A_946], %gather3A_1011 : memref<2048xf32, #tpu.memory_space<vmem>>[vector<16xi32>], vector<16xf32>,
        %scatter3A_1084 = arith.constant 2048 : i32
        %scatter3A_1085 = tpu.memref_slice %arg7[%scatter3A_1084] : memref<8192xf32, #tpu.memory_space<vmem>> -> memref<2048xf32, #tpu.memory_space<vmem>>
        tpu.vector_store_idx %scatter3A_1085[%add3A_949], %gather3A_1024 : memref<2048xf32, #tpu.memory_space<vmem>>[vector<16xi32>], vector<16xf32>,
        %scatter3A_1086 = arith.constant 2048 : i32
        %scatter3A_1087 = tpu.memref_slice %arg7[%scatter3A_1086] : memref<8192xf32, #tpu.memory_space<vmem>> -> memref<2048xf32, #tpu.memory_space<vmem>>
        tpu.vector_store_idx %scatter3A_1087[%add3A_952], %gather3A_1037 : memref<2048xf32, #tpu.memory_space<vmem>>[vector<16xi32>], vector<16xf32>,
        %scatter3A_1088 = arith.constant 2048 : i32
        %scatter3A_1089 = tpu.memref_slice %arg7[%scatter3A_1088] : memref<8192xf32, #tpu.memory_space<vmem>> -> memref<2048xf32, #tpu.memory_space<vmem>>
        tpu.vector_store_idx %scatter3A_1089[%add3A_955], %gather3A_1050 : memref<2048xf32, #tpu.memory_space<vmem>>[vector<16xi32>], vector<16xf32>,
        %scatter3A_1090 = arith.constant 4096 : i32
        %scatter3A_1091 = tpu.memref_slice %arg7[%scatter3A_1090] : memref<8192xf32, #tpu.memory_space<vmem>> -> memref<2048xf32, #tpu.memory_space<vmem>>
        tpu.vector_store_idx %scatter3A_1091[%add3A_871], %gather3A_963 : memref<2048xf32, #tpu.memory_space<vmem>>[vector<16xi32>], vector<16xf32>,
        %scatter3A_1092 = arith.constant 4096 : i32
        %scatter3A_1093 = tpu.memref_slice %arg7[%scatter3A_1092] : memref<8192xf32, #tpu.memory_space<vmem>> -> memref<2048xf32, #tpu.memory_space<vmem>>
        tpu.vector_store_idx %scatter3A_1093[%add3A_937], %gather3A_976 : memref<2048xf32, #tpu.memory_space<vmem>>[vector<16xi32>], vector<16xf32>,
        %scatter3A_1094 = arith.constant 4096 : i32
        %scatter3A_1095 = tpu.memref_slice %arg7[%scatter3A_1094] : memref<8192xf32, #tpu.memory_space<vmem>> -> memref<2048xf32, #tpu.memory_space<vmem>>
        tpu.vector_store_idx %scatter3A_1095[%add3A_940], %gather3A_989 : memref<2048xf32, #tpu.memory_space<vmem>>[vector<16xi32>], vector<16xf32>,
        %scatter3A_1096 = arith.constant 4096 : i32
        %scatter3A_1097 = tpu.memref_slice %arg7[%scatter3A_1096] : memref<8192xf32, #tpu.memory_space<vmem>> -> memref<2048xf32, #tpu.memory_space<vmem>>
        tpu.vector_store_idx %scatter3A_1097[%add3A_943], %gather3A_1002 : memref<2048xf32, #tpu.memory_space<vmem>>[vector<16xi32>], vector<16xf32>,
        %scatter3A_1098 = arith.constant 4096 : i32
        %scatter3A_1099 = tpu.memref_slice %arg7[%scatter3A_1098] : memref<8192xf32, #tpu.memory_space<vmem>> -> memref<2048xf32, #tpu.memory_space<vmem>>
        tpu.vector_store_idx %scatter3A_1099[%add3A_946], %gather3A_1015 : memref<2048xf32, #tpu.memory_space<vmem>>[vector<16xi32>], vector<16xf32>,
        %scatter3A_1100 = arith.constant 4096 : i32
        %scatter3A_1101 = tpu.memref_slice %arg7[%scatter3A_1100] : memref<8192xf32, #tpu.memory_space<vmem>> -> memref<2048xf32, #tpu.memory_space<vmem>>
        tpu.vector_store_idx %scatter3A_1101[%add3A_949], %gather3A_1028 : memref<2048xf32, #tpu.memory_space<vmem>>[vector<16xi32>], vector<16xf32>,
        %scatter3A_1102 = arith.constant 4096 : i32
        %scatter3A_1103 = tpu.memref_slice %arg7[%scatter3A_1102] : memref<8192xf32, #tpu.memory_space<vmem>> -> memref<2048xf32, #tpu.memory_space<vmem>>
        tpu.vector_store_idx %scatter3A_1103[%add3A_952], %gather3A_1041 : memref<2048xf32, #tpu.memory_space<vmem>>[vector<16xi32>], vector<16xf32>,
        %scatter3A_1104 = arith.constant 4096 : i32
        %scatter3A_1105 = tpu.memref_slice %arg7[%scatter3A_1104] : memref<8192xf32, #tpu.memory_space<vmem>> -> memref<2048xf32, #tpu.memory_space<vmem>>
        tpu.vector_store_idx %scatter3A_1105[%add3A_955], %gather3A_1054 : memref<2048xf32, #tpu.memory_space<vmem>>[vector<16xi32>], vector<16xf32>,
        %scatter3A_1106 = arith.constant 6144 : i32
        %scatter3A_1107 = tpu.memref_slice %arg7[%scatter3A_1106] : memref<8192xf32, #tpu.memory_space<vmem>> -> memref<2048xf32, #tpu.memory_space<vmem>>
        tpu.vector_store_idx %scatter3A_1107[%add3A_871], %gather3A_967 : memref<2048xf32, #tpu.memory_space<vmem>>[vector<16xi32>], vector<16xf32>,
        %scatter3A_1108 = arith.constant 6144 : i32
        %scatter3A_1109 = tpu.memref_slice %arg7[%scatter3A_1108] : memref<8192xf32, #tpu.memory_space<vmem>> -> memref<2048xf32, #tpu.memory_space<vmem>>
        tpu.vector_store_idx %scatter3A_1109[%add3A_937], %gather3A_980 : memref<2048xf32, #tpu.memory_space<vmem>>[vector<16xi32>], vector<16xf32>,
        %scatter3A_1110 = arith.constant 6144 : i32
        %scatter3A_1111 = tpu.memref_slice %arg7[%scatter3A_1110] : memref<8192xf32, #tpu.memory_space<vmem>> -> memref<2048xf32, #tpu.memory_space<vmem>>
        tpu.vector_store_idx %scatter3A_1111[%add3A_940], %gather3A_993 : memref<2048xf32, #tpu.memory_space<vmem>>[vector<16xi32>], vector<16xf32>,
        %scatter3A_1112 = arith.constant 6144 : i32
        %scatter3A_1113 = tpu.memref_slice %arg7[%scatter3A_1112] : memref<8192xf32, #tpu.memory_space<vmem>> -> memref<2048xf32, #tpu.memory_space<vmem>>
        tpu.vector_store_idx %scatter3A_1113[%add3A_943], %gather3A_1006 : memref<2048xf32, #tpu.memory_space<vmem>>[vector<16xi32>], vector<16xf32>,
        %scatter3A_1114 = arith.constant 6144 : i32
        %scatter3A_1115 = tpu.memref_slice %arg7[%scatter3A_1114] : memref<8192xf32, #tpu.memory_space<vmem>> -> memref<2048xf32, #tpu.memory_space<vmem>>
        tpu.vector_store_idx %scatter3A_1115[%add3A_946], %gather3A_1019 : memref<2048xf32, #tpu.memory_space<vmem>>[vector<16xi32>], vector<16xf32>,
        %scatter3A_1116 = arith.constant 6144 : i32
        %scatter3A_1117 = tpu.memref_slice %arg7[%scatter3A_1116] : memref<8192xf32, #tpu.memory_space<vmem>> -> memref<2048xf32, #tpu.memory_space<vmem>>
        tpu.vector_store_idx %scatter3A_1117[%add3A_949], %gather3A_1032 : memref<2048xf32, #tpu.memory_space<vmem>>[vector<16xi32>], vector<16xf32>,
        %scatter3A_1118 = arith.constant 6144 : i32
        %scatter3A_1119 = tpu.memref_slice %arg7[%scatter3A_1118] : memref<8192xf32, #tpu.memory_space<vmem>> -> memref<2048xf32, #tpu.memory_space<vmem>>
        tpu.vector_store_idx %scatter3A_1119[%add3A_952], %gather3A_1045 : memref<2048xf32, #tpu.memory_space<vmem>>[vector<16xi32>], vector<16xf32>,
        %scatter3A_1120 = arith.constant 6144 : i32
        %scatter3A_1121 = tpu.memref_slice %arg7[%scatter3A_1120] : memref<8192xf32, #tpu.memory_space<vmem>> -> memref<2048xf32, #tpu.memory_space<vmem>>
        tpu.vector_store_idx %scatter3A_1121[%add3A_955], %gather3A_1058 : memref<2048xf32, #tpu.memory_space<vmem>>[vector<16xi32>], vector<16xf32>,
      }
      %scan3A_623 = arith.constant 16 : i32
      %dma_start3A_624 = arith.constant 0 : i32
      %dma_start3A_625 = arith.constant 0 : i32
      %dma_start3A_626 = tpu.memref_slice %arg7[%dma_start3A_625] : memref<8192xf32, #tpu.memory_space<vmem>> -> memref<1024xf32, #tpu.memory_space<vmem>>
      %dma_start3A_627 = arith.constant 0 : i32
      %dma_start3A_628 = tpu.memref_slice %arg4[%select_n3A_592, %dma_start3A_624, %add3A_595, %dma_start3A_627] : memref<20x8x128x1024xf32, #tpu.memory_space<hbm>> -> memref<1x1x1x1024xf32, #tpu.memory_space<hbm>>
      %dma_start3A_629 = tpu.memref_squeeze %dma_start3A_628 : memref<1x1x1x1024xf32, #tpu.memory_space<hbm>> -> memref<1024xf32, #tpu.memory_space<hbm>>
      %dma_start3A_630 = arith.constant 0 : i32
      %dma_start3A_631 = tpu.memref_slice %arg4[%select_n3A_592, %dma_start3A_624, %add3A_595, %dma_start3A_630] : memref<20x8x128x1024xf32, #tpu.memory_space<hbm>> -> memref<1x1x1x1024xf32, #tpu.memory_space<hbm>>
      %dma_start3A_632 = tpu.memref_squeeze %dma_start3A_631 : memref<1x1x1x1024xf32, #tpu.memory_space<hbm>> -> memref<1024xf32, #tpu.memory_space<hbm>>
      %dma_start3A_633 = arith.constant 0 : i32
      %dma_start3A_634 = tpu.memref_slice %arg7[%dma_start3A_633] : memref<8192xf32, #tpu.memory_space<vmem>> -> memref<1024xf32, #tpu.memory_space<vmem>>
      tpu.enqueue_dma source(%dma_start3A_634 : memref<1024xf32, #tpu.memory_space<vmem>>) target(%dma_start3A_632 : memref<1024xf32, #tpu.memory_space<hbm>>) target_semaphore(%arg10 : memref<!tpu.dma_semaphore, #tpu.memory_space<semaphore_mem>>)
      %dma_start3A_635 = arith.constant 1 : i32
      %dma_start3A_636 = arith.constant 1024 : i32
      %dma_start3A_637 = tpu.memref_slice %arg7[%dma_start3A_636] : memref<8192xf32, #tpu.memory_space<vmem>> -> memref<1024xf32, #tpu.memory_space<vmem>>
      %dma_start3A_638 = arith.constant 0 : i32
      %dma_start3A_639 = tpu.memref_slice %arg4[%select_n3A_592, %dma_start3A_635, %add3A_596, %dma_start3A_638] : memref<20x8x128x1024xf32, #tpu.memory_space<hbm>> -> memref<1x1x1x1024xf32, #tpu.memory_space<hbm>>
      %dma_start3A_640 = tpu.memref_squeeze %dma_start3A_639 : memref<1x1x1x1024xf32, #tpu.memory_space<hbm>> -> memref<1024xf32, #tpu.memory_space<hbm>>
      %dma_start3A_641 = arith.constant 0 : i32
      %dma_start3A_642 = tpu.memref_slice %arg4[%select_n3A_592, %dma_start3A_635, %add3A_596, %dma_start3A_641] : memref<20x8x128x1024xf32, #tpu.memory_space<hbm>> -> memref<1x1x1x1024xf32, #tpu.memory_space<hbm>>
      %dma_start3A_643 = tpu.memref_squeeze %dma_start3A_642 : memref<1x1x1x1024xf32, #tpu.memory_space<hbm>> -> memref<1024xf32, #tpu.memory_space<hbm>>
      %dma_start3A_644 = arith.constant 1024 : i32
      %dma_start3A_645 = tpu.memref_slice %arg7[%dma_start3A_644] : memref<8192xf32, #tpu.memory_space<vmem>> -> memref<1024xf32, #tpu.memory_space<vmem>>
      tpu.enqueue_dma source(%dma_start3A_645 : memref<1024xf32, #tpu.memory_space<vmem>>) target(%dma_start3A_643 : memref<1024xf32, #tpu.memory_space<hbm>>) target_semaphore(%arg10 : memref<!tpu.dma_semaphore, #tpu.memory_space<semaphore_mem>>)
      %dma_start3A_646 = arith.constant 2 : i32
      %dma_start3A_647 = arith.constant 2048 : i32
      %dma_start3A_648 = tpu.memref_slice %arg7[%dma_start3A_647] : memref<8192xf32, #tpu.memory_space<vmem>> -> memref<1024xf32, #tpu.memory_space<vmem>>
      %dma_start3A_649 = arith.constant 0 : i32
      %dma_start3A_650 = tpu.memref_slice %arg4[%select_n3A_592, %dma_start3A_646, %add3A_597, %dma_start3A_649] : memref<20x8x128x1024xf32, #tpu.memory_space<hbm>> -> memref<1x1x1x1024xf32, #tpu.memory_space<hbm>>
      %dma_start3A_651 = tpu.memref_squeeze %dma_start3A_650 : memref<1x1x1x1024xf32, #tpu.memory_space<hbm>> -> memref<1024xf32, #tpu.memory_space<hbm>>
      %dma_start3A_652 = arith.constant 0 : i32
      %dma_start3A_653 = tpu.memref_slice %arg4[%select_n3A_592, %dma_start3A_646, %add3A_597, %dma_start3A_652] : memref<20x8x128x1024xf32, #tpu.memory_space<hbm>> -> memref<1x1x1x1024xf32, #tpu.memory_space<hbm>>
      %dma_start3A_654 = tpu.memref_squeeze %dma_start3A_653 : memref<1x1x1x1024xf32, #tpu.memory_space<hbm>> -> memref<1024xf32, #tpu.memory_space<hbm>>
      %dma_start3A_655 = arith.constant 2048 : i32
      %dma_start3A_656 = tpu.memref_slice %arg7[%dma_start3A_655] : memref<8192xf32, #tpu.memory_space<vmem>> -> memref<1024xf32, #tpu.memory_space<vmem>>
      tpu.enqueue_dma source(%dma_start3A_656 : memref<1024xf32, #tpu.memory_space<vmem>>) target(%dma_start3A_654 : memref<1024xf32, #tpu.memory_space<hbm>>) target_semaphore(%arg10 : memref<!tpu.dma_semaphore, #tpu.memory_space<semaphore_mem>>)
      %dma_start3A_657 = arith.constant 3 : i32
      %dma_start3A_658 = arith.constant 3072 : i32
      %dma_start3A_659 = tpu.memref_slice %arg7[%dma_start3A_658] : memref<8192xf32, #tpu.memory_space<vmem>> -> memref<1024xf32, #tpu.memory_space<vmem>>
      %dma_start3A_660 = arith.constant 0 : i32
      %dma_start3A_661 = tpu.memref_slice %arg4[%select_n3A_592, %dma_start3A_657, %add3A_598, %dma_start3A_660] : memref<20x8x128x1024xf32, #tpu.memory_space<hbm>> -> memref<1x1x1x1024xf32, #tpu.memory_space<hbm>>
      %dma_start3A_662 = tpu.memref_squeeze %dma_start3A_661 : memref<1x1x1x1024xf32, #tpu.memory_space<hbm>> -> memref<1024xf32, #tpu.memory_space<hbm>>
      %dma_start3A_663 = arith.constant 0 : i32
      %dma_start3A_664 = tpu.memref_slice %arg4[%select_n3A_592, %dma_start3A_657, %add3A_598, %dma_start3A_663] : memref<20x8x128x1024xf32, #tpu.memory_space<hbm>> -> memref<1x1x1x1024xf32, #tpu.memory_space<hbm>>
      %dma_start3A_665 = tpu.memref_squeeze %dma_start3A_664 : memref<1x1x1x1024xf32, #tpu.memory_space<hbm>> -> memref<1024xf32, #tpu.memory_space<hbm>>
      %dma_start3A_666 = arith.constant 3072 : i32
      %dma_start3A_667 = tpu.memref_slice %arg7[%dma_start3A_666] : memref<8192xf32, #tpu.memory_space<vmem>> -> memref<1024xf32, #tpu.memory_space<vmem>>
      tpu.enqueue_dma source(%dma_start3A_667 : memref<1024xf32, #tpu.memory_space<vmem>>) target(%dma_start3A_665 : memref<1024xf32, #tpu.memory_space<hbm>>) target_semaphore(%arg10 : memref<!tpu.dma_semaphore, #tpu.memory_space<semaphore_mem>>)
      %dma_start3A_668 = arith.constant 4 : i32
      %dma_start3A_669 = arith.constant 4096 : i32
      %dma_start3A_670 = tpu.memref_slice %arg7[%dma_start3A_669] : memref<8192xf32, #tpu.memory_space<vmem>> -> memref<1024xf32, #tpu.memory_space<vmem>>
      %dma_start3A_671 = arith.constant 0 : i32
      %dma_start3A_672 = tpu.memref_slice %arg4[%select_n3A_592, %dma_start3A_668, %add3A_599, %dma_start3A_671] : memref<20x8x128x1024xf32, #tpu.memory_space<hbm>> -> memref<1x1x1x1024xf32, #tpu.memory_space<hbm>>
      %dma_start3A_673 = tpu.memref_squeeze %dma_start3A_672 : memref<1x1x1x1024xf32, #tpu.memory_space<hbm>> -> memref<1024xf32, #tpu.memory_space<hbm>>
      %dma_start3A_674 = arith.constant 0 : i32
      %dma_start3A_675 = tpu.memref_slice %arg4[%select_n3A_592, %dma_start3A_668, %add3A_599, %dma_start3A_674] : memref<20x8x128x1024xf32, #tpu.memory_space<hbm>> -> memref<1x1x1x1024xf32, #tpu.memory_space<hbm>>
      %dma_start3A_676 = tpu.memref_squeeze %dma_start3A_675 : memref<1x1x1x1024xf32, #tpu.memory_space<hbm>> -> memref<1024xf32, #tpu.memory_space<hbm>>
      %dma_start3A_677 = arith.constant 4096 : i32
      %dma_start3A_678 = tpu.memref_slice %arg7[%dma_start3A_677] : memref<8192xf32, #tpu.memory_space<vmem>> -> memref<1024xf32, #tpu.memory_space<vmem>>
      tpu.enqueue_dma source(%dma_start3A_678 : memref<1024xf32, #tpu.memory_space<vmem>>) target(%dma_start3A_676 : memref<1024xf32, #tpu.memory_space<hbm>>) target_semaphore(%arg10 : memref<!tpu.dma_semaphore, #tpu.memory_space<semaphore_mem>>)
      %dma_start3A_679 = arith.constant 5 : i32
      %dma_start3A_680 = arith.constant 5120 : i32
      %dma_start3A_681 = tpu.memref_slice %arg7[%dma_start3A_680] : memref<8192xf32, #tpu.memory_space<vmem>> -> memref<1024xf32, #tpu.memory_space<vmem>>
      %dma_start3A_682 = arith.constant 0 : i32
      %dma_start3A_683 = tpu.memref_slice %arg4[%select_n3A_592, %dma_start3A_679, %add3A_600, %dma_start3A_682] : memref<20x8x128x1024xf32, #tpu.memory_space<hbm>> -> memref<1x1x1x1024xf32, #tpu.memory_space<hbm>>
      %dma_start3A_684 = tpu.memref_squeeze %dma_start3A_683 : memref<1x1x1x1024xf32, #tpu.memory_space<hbm>> -> memref<1024xf32, #tpu.memory_space<hbm>>
      %dma_start3A_685 = arith.constant 0 : i32
      %dma_start3A_686 = tpu.memref_slice %arg4[%select_n3A_592, %dma_start3A_679, %add3A_600, %dma_start3A_685] : memref<20x8x128x1024xf32, #tpu.memory_space<hbm>> -> memref<1x1x1x1024xf32, #tpu.memory_space<hbm>>
      %dma_start3A_687 = tpu.memref_squeeze %dma_start3A_686 : memref<1x1x1x1024xf32, #tpu.memory_space<hbm>> -> memref<1024xf32, #tpu.memory_space<hbm>>
      %dma_start3A_688 = arith.constant 5120 : i32
      %dma_start3A_689 = tpu.memref_slice %arg7[%dma_start3A_688] : memref<8192xf32, #tpu.memory_space<vmem>> -> memref<1024xf32, #tpu.memory_space<vmem>>
      tpu.enqueue_dma source(%dma_start3A_689 : memref<1024xf32, #tpu.memory_space<vmem>>) target(%dma_start3A_687 : memref<1024xf32, #tpu.memory_space<hbm>>) target_semaphore(%arg10 : memref<!tpu.dma_semaphore, #tpu.memory_space<semaphore_mem>>)
      %dma_start3A_690 = arith.constant 6 : i32
      %dma_start3A_691 = arith.constant 6144 : i32
      %dma_start3A_692 = tpu.memref_slice %arg7[%dma_start3A_691] : memref<8192xf32, #tpu.memory_space<vmem>> -> memref<1024xf32, #tpu.memory_space<vmem>>
      %dma_start3A_693 = arith.constant 0 : i32
      %dma_start3A_694 = tpu.memref_slice %arg4[%select_n3A_592, %dma_start3A_690, %add3A_601, %dma_start3A_693] : memref<20x8x128x1024xf32, #tpu.memory_space<hbm>> -> memref<1x1x1x1024xf32, #tpu.memory_space<hbm>>
      %dma_start3A_695 = tpu.memref_squeeze %dma_start3A_694 : memref<1x1x1x1024xf32, #tpu.memory_space<hbm>> -> memref<1024xf32, #tpu.memory_space<hbm>>
      %dma_start3A_696 = arith.constant 0 : i32
      %dma_start3A_697 = tpu.memref_slice %arg4[%select_n3A_592, %dma_start3A_690, %add3A_601, %dma_start3A_696] : memref<20x8x128x1024xf32, #tpu.memory_space<hbm>> -> memref<1x1x1x1024xf32, #tpu.memory_space<hbm>>
      %dma_start3A_698 = tpu.memref_squeeze %dma_start3A_697 : memref<1x1x1x1024xf32, #tpu.memory_space<hbm>> -> memref<1024xf32, #tpu.memory_space<hbm>>
      %dma_start3A_699 = arith.constant 6144 : i32
      %dma_start3A_700 = tpu.memref_slice %arg7[%dma_start3A_699] : memref<8192xf32, #tpu.memory_space<vmem>> -> memref<1024xf32, #tpu.memory_space<vmem>>
      tpu.enqueue_dma source(%dma_start3A_700 : memref<1024xf32, #tpu.memory_space<vmem>>) target(%dma_start3A_698 : memref<1024xf32, #tpu.memory_space<hbm>>) target_semaphore(%arg10 : memref<!tpu.dma_semaphore, #tpu.memory_space<semaphore_mem>>)
      %dma_start3A_701 = arith.constant 7 : i32
      %dma_start3A_702 = arith.constant 7168 : i32
      %dma_start3A_703 = tpu.memref_slice %arg7[%dma_start3A_702] : memref<8192xf32, #tpu.memory_space<vmem>> -> memref<1024xf32, #tpu.memory_space<vmem>>
      %dma_start3A_704 = arith.constant 0 : i32
      %dma_start3A_705 = tpu.memref_slice %arg4[%select_n3A_592, %dma_start3A_701, %add3A_602, %dma_start3A_704] : memref<20x8x128x1024xf32, #tpu.memory_space<hbm>> -> memref<1x1x1x1024xf32, #tpu.memory_space<hbm>>
      %dma_start3A_706 = tpu.memref_squeeze %dma_start3A_705 : memref<1x1x1x1024xf32, #tpu.memory_space<hbm>> -> memref<1024xf32, #tpu.memory_space<hbm>>
      %dma_start3A_707 = arith.constant 0 : i32
      %dma_start3A_708 = tpu.memref_slice %arg4[%select_n3A_592, %dma_start3A_701, %add3A_602, %dma_start3A_707] : memref<20x8x128x1024xf32, #tpu.memory_space<hbm>> -> memref<1x1x1x1024xf32, #tpu.memory_space<hbm>>
      %dma_start3A_709 = tpu.memref_squeeze %dma_start3A_708 : memref<1x1x1x1024xf32, #tpu.memory_space<hbm>> -> memref<1024xf32, #tpu.memory_space<hbm>>
      %dma_start3A_710 = arith.constant 7168 : i32
      %dma_start3A_711 = tpu.memref_slice %arg7[%dma_start3A_710] : memref<8192xf32, #tpu.memory_space<vmem>> -> memref<1024xf32, #tpu.memory_space<vmem>>
      tpu.enqueue_dma source(%dma_start3A_711 : memref<1024xf32, #tpu.memory_space<vmem>>) target(%dma_start3A_709 : memref<1024xf32, #tpu.memory_space<hbm>>) target_semaphore(%arg10 : memref<!tpu.dma_semaphore, #tpu.memory_space<semaphore_mem>>)
      %mul3A_712 = arith.constant 2 : i32
      %mul3A_713 = arith.muli %scan3A_566, %mul3A_712 : i32
      %add3A_714 = arith.constant 1 : i32
      %add3A_715 = arith.addi %mul3A_713, %add3A_714 : i32
      %jit3A_716 = arith.constant 4 : i32
      %div3A_717 = arith.divsi %add3A_715, %jit3A_716 : i32
      %sign3A_718 = arith.constant 0 : i32
      %sign3A_719 = arith.cmpi sgt, %add3A_715, %sign3A_718 : i32
      %sign3A_720 = arith.extui %sign3A_719 : i1 to i32
      %sign3A_721 = arith.constant 0 : i32
      %sign3A_722 = arith.cmpi slt, %add3A_715, %sign3A_721 : i32
      %sign3A_723 = arith.extui %sign3A_722 : i1 to i32
      %sign3A_724 = arith.subi %sign3A_720, %sign3A_723 : i32
      %sign3A_725 = arith.constant 0 : i32
      %sign3A_726 = arith.cmpi sgt, %jit3A_716, %sign3A_725 : i32
      %sign3A_727 = arith.extui %sign3A_726 : i1 to i32
      %sign3A_728 = arith.constant 0 : i32
      %sign3A_729 = arith.cmpi slt, %jit3A_716, %sign3A_728 : i32
      %sign3A_730 = arith.extui %sign3A_729 : i1 to i32
      %sign3A_731 = arith.subi %sign3A_727, %sign3A_730 : i32
      %ne3A_732 = arith.cmpi ne, %sign3A_724, %sign3A_731 : i32
      %rem3A_733 = arith.remsi %add3A_715, %jit3A_716 : i32
      %ne3A_734 = arith.constant 0 : i32
      %ne3A_735 = arith.cmpi ne, %rem3A_733, %ne3A_734 : i32
      %and3A_736 = arith.andi %ne3A_732, %ne3A_735 : i1
      %sub3A_737 = arith.constant 1 : i32
      %sub3A_738 = arith.subi %div3A_717, %sub3A_737 : i32
      %select_n3A_739 = arith.select %and3A_736, %sub3A_738, %div3A_717 : i32
      %rem3A_740 = arith.constant 4 : i32
      %rem3A_741 = arith.remsi %add3A_715, %rem3A_740 : i32
      %add3A_742 = arith.addi %select_n3A, %rem3A_741 : i32
      %add3A_743 = arith.addi %select_n3A, %rem3A_741 : i32
      %add3A_744 = arith.addi %select_n3A, %rem3A_741 : i32
      %add3A_745 = arith.addi %select_n3A, %rem3A_741 : i32
      %add3A_746 = arith.addi %select_n3A, %rem3A_741 : i32
      %add3A_747 = arith.addi %select_n3A, %rem3A_741 : i32
      %add3A_748 = arith.addi %select_n3A, %rem3A_741 : i32
      %add3A_749 = arith.addi %select_n3A, %rem3A_741 : i32
      %ge3A_750 = arith.constant 2 : i32
      %ge3A_751 = arith.cmpi sge, %add3A_715, %ge3A_750 : i32
      %convert_element_type3A_752 = arith.extui %ge3A_751 : i1 to i32
      %cond3A_753 = arith.constant 0 : i32
      %cond3A_754 = arith.constant 1 : i32
      %cond3A_755 = arith.constant 2 : i32
      %cond3A_756 = arith.constant 3 : i32
      %cond3A_757 = arith.constant 4 : i32
      %cond3A_758 = arith.constant 5 : i32
      %cond3A_759 = arith.constant 6 : i32
      %cond3A_760 = arith.constant 7 : i32
      %cond3A_761 = arith.constant 0 : i32
      %cond3A_762 = arith.cmpi ne, %convert_element_type3A_752, %cond3A_761 : i32
      scf.if %cond3A_762 {
        %dma_wait3A_862 = arith.constant 0 : i32
        %dma_wait3A_863 = tpu.memref_slice %arg8[%dma_wait3A_862] : memref<8192xf32, #tpu.memory_space<vmem>> -> memref<1024xf32, #tpu.memory_space<vmem>>
        %dma_wait3A_864 = arith.constant 0 : i32
        %dma_wait3A_865 = tpu.memref_slice %arg4[%select_n3A_739, %cond3A_753, %add3A_742, %dma_wait3A_864] : memref<20x8x128x1024xf32, #tpu.memory_space<hbm>> -> memref<1x1x1x1024xf32, #tpu.memory_space<hbm>>
        %dma_wait3A_866 = tpu.memref_squeeze %dma_wait3A_865 : memref<1x1x1x1024xf32, #tpu.memory_space<hbm>> -> memref<1024xf32, #tpu.memory_space<hbm>>
        %dma_wait3A_867 = arith.constant 0 : i32
        %dma_wait3A_868 = tpu.memref_slice %arg4[%select_n3A_739, %cond3A_753, %add3A_742, %dma_wait3A_867] : memref<20x8x128x1024xf32, #tpu.memory_space<hbm>> -> memref<1x1x1x1024xf32, #tpu.memory_space<hbm>>
        %dma_wait3A_869 = tpu.memref_squeeze %dma_wait3A_868 : memref<1x1x1x1024xf32, #tpu.memory_space<hbm>> -> memref<1024xf32, #tpu.memory_space<hbm>>
        %dma_wait3A_870 = arith.constant 0 : i32
        %dma_wait3A_871 = tpu.memref_slice %arg8[%dma_wait3A_870] : memref<8192xf32, #tpu.memory_space<vmem>> -> memref<1024xf32, #tpu.memory_space<vmem>>
        tpu.wait_dma2 semaphore(%arg11 : memref<!tpu.dma_semaphore, #tpu.memory_space<semaphore_mem>>) src(%dma_wait3A_871 : memref<1024xf32, #tpu.memory_space<vmem>>) dst(%dma_wait3A_869 : memref<1024xf32, #tpu.memory_space<hbm>>)
        %dma_wait3A_872 = arith.constant 1024 : i32
        %dma_wait3A_873 = tpu.memref_slice %arg8[%dma_wait3A_872] : memref<8192xf32, #tpu.memory_space<vmem>> -> memref<1024xf32, #tpu.memory_space<vmem>>
        %dma_wait3A_874 = arith.constant 0 : i32
        %dma_wait3A_875 = tpu.memref_slice %arg4[%select_n3A_739, %cond3A_754, %add3A_743, %dma_wait3A_874] : memref<20x8x128x1024xf32, #tpu.memory_space<hbm>> -> memref<1x1x1x1024xf32, #tpu.memory_space<hbm>>
        %dma_wait3A_876 = tpu.memref_squeeze %dma_wait3A_875 : memref<1x1x1x1024xf32, #tpu.memory_space<hbm>> -> memref<1024xf32, #tpu.memory_space<hbm>>
        %dma_wait3A_877 = arith.constant 0 : i32
        %dma_wait3A_878 = tpu.memref_slice %arg4[%select_n3A_739, %cond3A_754, %add3A_743, %dma_wait3A_877] : memref<20x8x128x1024xf32, #tpu.memory_space<hbm>> -> memref<1x1x1x1024xf32, #tpu.memory_space<hbm>>
        %dma_wait3A_879 = tpu.memref_squeeze %dma_wait3A_878 : memref<1x1x1x1024xf32, #tpu.memory_space<hbm>> -> memref<1024xf32, #tpu.memory_space<hbm>>
        %dma_wait3A_880 = arith.constant 1024 : i32
        %dma_wait3A_881 = tpu.memref_slice %arg8[%dma_wait3A_880] : memref<8192xf32, #tpu.memory_space<vmem>> -> memref<1024xf32, #tpu.memory_space<vmem>>
        tpu.wait_dma2 semaphore(%arg11 : memref<!tpu.dma_semaphore, #tpu.memory_space<semaphore_mem>>) src(%dma_wait3A_881 : memref<1024xf32, #tpu.memory_space<vmem>>) dst(%dma_wait3A_879 : memref<1024xf32, #tpu.memory_space<hbm>>)
        %dma_wait3A_882 = arith.constant 2048 : i32
        %dma_wait3A_883 = tpu.memref_slice %arg8[%dma_wait3A_882] : memref<8192xf32, #tpu.memory_space<vmem>> -> memref<1024xf32, #tpu.memory_space<vmem>>
        %dma_wait3A_884 = arith.constant 0 : i32
        %dma_wait3A_885 = tpu.memref_slice %arg4[%select_n3A_739, %cond3A_755, %add3A_744, %dma_wait3A_884] : memref<20x8x128x1024xf32, #tpu.memory_space<hbm>> -> memref<1x1x1x1024xf32, #tpu.memory_space<hbm>>
        %dma_wait3A_886 = tpu.memref_squeeze %dma_wait3A_885 : memref<1x1x1x1024xf32, #tpu.memory_space<hbm>> -> memref<1024xf32, #tpu.memory_space<hbm>>
        %dma_wait3A_887 = arith.constant 0 : i32
        %dma_wait3A_888 = tpu.memref_slice %arg4[%select_n3A_739, %cond3A_755, %add3A_744, %dma_wait3A_887] : memref<20x8x128x1024xf32, #tpu.memory_space<hbm>> -> memref<1x1x1x1024xf32, #tpu.memory_space<hbm>>
        %dma_wait3A_889 = tpu.memref_squeeze %dma_wait3A_888 : memref<1x1x1x1024xf32, #tpu.memory_space<hbm>> -> memref<1024xf32, #tpu.memory_space<hbm>>
        %dma_wait3A_890 = arith.constant 2048 : i32
        %dma_wait3A_891 = tpu.memref_slice %arg8[%dma_wait3A_890] : memref<8192xf32, #tpu.memory_space<vmem>> -> memref<1024xf32, #tpu.memory_space<vmem>>
        tpu.wait_dma2 semaphore(%arg11 : memref<!tpu.dma_semaphore, #tpu.memory_space<semaphore_mem>>) src(%dma_wait3A_891 : memref<1024xf32, #tpu.memory_space<vmem>>) dst(%dma_wait3A_889 : memref<1024xf32, #tpu.memory_space<hbm>>)
        %dma_wait3A_892 = arith.constant 3072 : i32
        %dma_wait3A_893 = tpu.memref_slice %arg8[%dma_wait3A_892] : memref<8192xf32, #tpu.memory_space<vmem>> -> memref<1024xf32, #tpu.memory_space<vmem>>
        %dma_wait3A_894 = arith.constant 0 : i32
        %dma_wait3A_895 = tpu.memref_slice %arg4[%select_n3A_739, %cond3A_756, %add3A_745, %dma_wait3A_894] : memref<20x8x128x1024xf32, #tpu.memory_space<hbm>> -> memref<1x1x1x1024xf32, #tpu.memory_space<hbm>>
        %dma_wait3A_896 = tpu.memref_squeeze %dma_wait3A_895 : memref<1x1x1x1024xf32, #tpu.memory_space<hbm>> -> memref<1024xf32, #tpu.memory_space<hbm>>
        %dma_wait3A_897 = arith.constant 0 : i32
        %dma_wait3A_898 = tpu.memref_slice %arg4[%select_n3A_739, %cond3A_756, %add3A_745, %dma_wait3A_897] : memref<20x8x128x1024xf32, #tpu.memory_space<hbm>> -> memref<1x1x1x1024xf32, #tpu.memory_space<hbm>>
        %dma_wait3A_899 = tpu.memref_squeeze %dma_wait3A_898 : memref<1x1x1x1024xf32, #tpu.memory_space<hbm>> -> memref<1024xf32, #tpu.memory_space<hbm>>
        %dma_wait3A_900 = arith.constant 3072 : i32
        %dma_wait3A_901 = tpu.memref_slice %arg8[%dma_wait3A_900] : memref<8192xf32, #tpu.memory_space<vmem>> -> memref<1024xf32, #tpu.memory_space<vmem>>
        tpu.wait_dma2 semaphore(%arg11 : memref<!tpu.dma_semaphore, #tpu.memory_space<semaphore_mem>>) src(%dma_wait3A_901 : memref<1024xf32, #tpu.memory_space<vmem>>) dst(%dma_wait3A_899 : memref<1024xf32, #tpu.memory_space<hbm>>)
        %dma_wait3A_902 = arith.constant 4096 : i32
        %dma_wait3A_903 = tpu.memref_slice %arg8[%dma_wait3A_902] : memref<8192xf32, #tpu.memory_space<vmem>> -> memref<1024xf32, #tpu.memory_space<vmem>>
        %dma_wait3A_904 = arith.constant 0 : i32
        %dma_wait3A_905 = tpu.memref_slice %arg4[%select_n3A_739, %cond3A_757, %add3A_746, %dma_wait3A_904] : memref<20x8x128x1024xf32, #tpu.memory_space<hbm>> -> memref<1x1x1x1024xf32, #tpu.memory_space<hbm>>
        %dma_wait3A_906 = tpu.memref_squeeze %dma_wait3A_905 : memref<1x1x1x1024xf32, #tpu.memory_space<hbm>> -> memref<1024xf32, #tpu.memory_space<hbm>>
        %dma_wait3A_907 = arith.constant 0 : i32
        %dma_wait3A_908 = tpu.memref_slice %arg4[%select_n3A_739, %cond3A_757, %add3A_746, %dma_wait3A_907] : memref<20x8x128x1024xf32, #tpu.memory_space<hbm>> -> memref<1x1x1x1024xf32, #tpu.memory_space<hbm>>
        %dma_wait3A_909 = tpu.memref_squeeze %dma_wait3A_908 : memref<1x1x1x1024xf32, #tpu.memory_space<hbm>> -> memref<1024xf32, #tpu.memory_space<hbm>>
        %dma_wait3A_910 = arith.constant 4096 : i32
        %dma_wait3A_911 = tpu.memref_slice %arg8[%dma_wait3A_910] : memref<8192xf32, #tpu.memory_space<vmem>> -> memref<1024xf32, #tpu.memory_space<vmem>>
        tpu.wait_dma2 semaphore(%arg11 : memref<!tpu.dma_semaphore, #tpu.memory_space<semaphore_mem>>) src(%dma_wait3A_911 : memref<1024xf32, #tpu.memory_space<vmem>>) dst(%dma_wait3A_909 : memref<1024xf32, #tpu.memory_space<hbm>>)
        %dma_wait3A_912 = arith.constant 5120 : i32
        %dma_wait3A_913 = tpu.memref_slice %arg8[%dma_wait3A_912] : memref<8192xf32, #tpu.memory_space<vmem>> -> memref<1024xf32, #tpu.memory_space<vmem>>
        %dma_wait3A_914 = arith.constant 0 : i32
        %dma_wait3A_915 = tpu.memref_slice %arg4[%select_n3A_739, %cond3A_758, %add3A_747, %dma_wait3A_914] : memref<20x8x128x1024xf32, #tpu.memory_space<hbm>> -> memref<1x1x1x1024xf32, #tpu.memory_space<hbm>>
        %dma_wait3A_916 = tpu.memref_squeeze %dma_wait3A_915 : memref<1x1x1x1024xf32, #tpu.memory_space<hbm>> -> memref<1024xf32, #tpu.memory_space<hbm>>
        %dma_wait3A_917 = arith.constant 0 : i32
        %dma_wait3A_918 = tpu.memref_slice %arg4[%select_n3A_739, %cond3A_758, %add3A_747, %dma_wait3A_917] : memref<20x8x128x1024xf32, #tpu.memory_space<hbm>> -> memref<1x1x1x1024xf32, #tpu.memory_space<hbm>>
        %dma_wait3A_919 = tpu.memref_squeeze %dma_wait3A_918 : memref<1x1x1x1024xf32, #tpu.memory_space<hbm>> -> memref<1024xf32, #tpu.memory_space<hbm>>
        %dma_wait3A_920 = arith.constant 5120 : i32
        %dma_wait3A_921 = tpu.memref_slice %arg8[%dma_wait3A_920] : memref<8192xf32, #tpu.memory_space<vmem>> -> memref<1024xf32, #tpu.memory_space<vmem>>
        tpu.wait_dma2 semaphore(%arg11 : memref<!tpu.dma_semaphore, #tpu.memory_space<semaphore_mem>>) src(%dma_wait3A_921 : memref<1024xf32, #tpu.memory_space<vmem>>) dst(%dma_wait3A_919 : memref<1024xf32, #tpu.memory_space<hbm>>)
        %dma_wait3A_922 = arith.constant 6144 : i32
        %dma_wait3A_923 = tpu.memref_slice %arg8[%dma_wait3A_922] : memref<8192xf32, #tpu.memory_space<vmem>> -> memref<1024xf32, #tpu.memory_space<vmem>>
        %dma_wait3A_924 = arith.constant 0 : i32
        %dma_wait3A_925 = tpu.memref_slice %arg4[%select_n3A_739, %cond3A_759, %add3A_748, %dma_wait3A_924] : memref<20x8x128x1024xf32, #tpu.memory_space<hbm>> -> memref<1x1x1x1024xf32, #tpu.memory_space<hbm>>
        %dma_wait3A_926 = tpu.memref_squeeze %dma_wait3A_925 : memref<1x1x1x1024xf32, #tpu.memory_space<hbm>> -> memref<1024xf32, #tpu.memory_space<hbm>>
        %dma_wait3A_927 = arith.constant 0 : i32
        %dma_wait3A_928 = tpu.memref_slice %arg4[%select_n3A_739, %cond3A_759, %add3A_748, %dma_wait3A_927] : memref<20x8x128x1024xf32, #tpu.memory_space<hbm>> -> memref<1x1x1x1024xf32, #tpu.memory_space<hbm>>
        %dma_wait3A_929 = tpu.memref_squeeze %dma_wait3A_928 : memref<1x1x1x1024xf32, #tpu.memory_space<hbm>> -> memref<1024xf32, #tpu.memory_space<hbm>>
        %dma_wait3A_930 = arith.constant 6144 : i32
        %dma_wait3A_931 = tpu.memref_slice %arg8[%dma_wait3A_930] : memref<8192xf32, #tpu.memory_space<vmem>> -> memref<1024xf32, #tpu.memory_space<vmem>>
        tpu.wait_dma2 semaphore(%arg11 : memref<!tpu.dma_semaphore, #tpu.memory_space<semaphore_mem>>) src(%dma_wait3A_931 : memref<1024xf32, #tpu.memory_space<vmem>>) dst(%dma_wait3A_929 : memref<1024xf32, #tpu.memory_space<hbm>>)
        %dma_wait3A_932 = arith.constant 7168 : i32
        %dma_wait3A_933 = tpu.memref_slice %arg8[%dma_wait3A_932] : memref<8192xf32, #tpu.memory_space<vmem>> -> memref<1024xf32, #tpu.memory_space<vmem>>
        %dma_wait3A_934 = arith.constant 0 : i32
        %dma_wait3A_935 = tpu.memref_slice %arg4[%select_n3A_739, %cond3A_760, %add3A_749, %dma_wait3A_934] : memref<20x8x128x1024xf32, #tpu.memory_space<hbm>> -> memref<1x1x1x1024xf32, #tpu.memory_space<hbm>>
        %dma_wait3A_936 = tpu.memref_squeeze %dma_wait3A_935 : memref<1x1x1x1024xf32, #tpu.memory_space<hbm>> -> memref<1024xf32, #tpu.memory_space<hbm>>
        %dma_wait3A_937 = arith.constant 0 : i32
        %dma_wait3A_938 = tpu.memref_slice %arg4[%select_n3A_739, %cond3A_760, %add3A_749, %dma_wait3A_937] : memref<20x8x128x1024xf32, #tpu.memory_space<hbm>> -> memref<1x1x1x1024xf32, #tpu.memory_space<hbm>>
        %dma_wait3A_939 = tpu.memref_squeeze %dma_wait3A_938 : memref<1x1x1x1024xf32, #tpu.memory_space<hbm>> -> memref<1024xf32, #tpu.memory_space<hbm>>
        %dma_wait3A_940 = arith.constant 7168 : i32
        %dma_wait3A_941 = tpu.memref_slice %arg8[%dma_wait3A_940] : memref<8192xf32, #tpu.memory_space<vmem>> -> memref<1024xf32, #tpu.memory_space<vmem>>
        tpu.wait_dma2 semaphore(%arg11 : memref<!tpu.dma_semaphore, #tpu.memory_space<semaphore_mem>>) src(%dma_wait3A_941 : memref<1024xf32, #tpu.memory_space<vmem>>) dst(%dma_wait3A_939 : memref<1024xf32, #tpu.memory_space<hbm>>)
      } else {
      }
      %mul3A_763 = arith.constant 512 : i32
      %mul3A_764 = arith.muli %select_n3A_739, %mul3A_763 : i32
      %mul3A_765 = arith.constant 128 : i32
      %mul3A_766 = arith.muli %rem3A_741, %mul3A_765 : i32
      %add3A_767 = arith.addi %mul3A_764, %mul3A_766 : i32
      %scan3A_768 = arith.constant 0 : i32
      %scan3A_769 = arith.constant 0 : i32
      %scan3A_770 = arith.constant 16 : i32
      %scan3A_771 = arith.addi %scan3A_769, %scan3A_770 : i32
      %scan3A_772 = arith.constant 1 : i32
      scf.for %scan3A_862 = %scan3A_769 to %scan3A_771 step %scan3A_772  : i32 {
        %add3A_863 = vector.broadcast %scan3A_862 : i32 to vector<16xi32>
        %add3A_864 = arith.addi %iota3A, %add3A_863 : vector<16xi32>
        %and3A_865 = arith.constant 15 : i32
        %and3A_866 = vector.broadcast %and3A_865 : i32 to vector<16xi32>
        %and3A_867 = arith.andi %add3A_864, %and3A_866 : vector<16xi32>
        %mul3A_868 = arith.constant 128 : i32
        %mul3A_869 = vector.broadcast %mul3A_868 : i32 to vector<16xi32>
        %mul3A_870 = arith.muli %and3A_867, %mul3A_869 : vector<16xi32>
        %add3A_871 = arith.addi %mul3A_870, %iota3A : vector<16xi32>
        %add3A_872 = arith.constant 0 : i32
        %add3A_873 = arith.addi %add3A_767, %add3A_872 : i32
        %get3A = arith.index_cast %add3A_873 : i32 to index
        %get3A_874 = tpu.vector_load %arg6[%get3A] {strides = array<i32>} : memref<10240xi32, #tpu.memory_space<vmem>>, vector<16xi32>,
        %add3A_875 = arith.constant 16 : i32
        %add3A_876 = arith.addi %add3A_767, %add3A_875 : i32
        %get3A_877 = arith.index_cast %add3A_876 : i32 to index
        %get3A_878 = tpu.vector_load %arg6[%get3A_877] {strides = array<i32>} : memref<10240xi32, #tpu.memory_space<vmem>>, vector<16xi32>,
        %add3A_879 = arith.constant 32 : i32
        %add3A_880 = arith.addi %add3A_767, %add3A_879 : i32
        %get3A_881 = arith.index_cast %add3A_880 : i32 to index
        %get3A_882 = tpu.vector_load %arg6[%get3A_881] {strides = array<i32>} : memref<10240xi32, #tpu.memory_space<vmem>>, vector<16xi32>,
        %add3A_883 = arith.constant 48 : i32
        %add3A_884 = arith.addi %add3A_767, %add3A_883 : i32
        %get3A_885 = arith.index_cast %add3A_884 : i32 to index
        %get3A_886 = tpu.vector_load %arg6[%get3A_885] {strides = array<i32>} : memref<10240xi32, #tpu.memory_space<vmem>>, vector<16xi32>,
        %add3A_887 = arith.constant 64 : i32
        %add3A_888 = arith.addi %add3A_767, %add3A_887 : i32
        %get3A_889 = arith.index_cast %add3A_888 : i32 to index
        %get3A_890 = tpu.vector_load %arg6[%get3A_889] {strides = array<i32>} : memref<10240xi32, #tpu.memory_space<vmem>>, vector<16xi32>,
        %add3A_891 = arith.constant 80 : i32
        %add3A_892 = arith.addi %add3A_767, %add3A_891 : i32
        %get3A_893 = arith.index_cast %add3A_892 : i32 to index
        %get3A_894 = tpu.vector_load %arg6[%get3A_893] {strides = array<i32>} : memref<10240xi32, #tpu.memory_space<vmem>>, vector<16xi32>,
        %add3A_895 = arith.constant 96 : i32
        %add3A_896 = arith.addi %add3A_767, %add3A_895 : i32
        %get3A_897 = arith.index_cast %add3A_896 : i32 to index
        %get3A_898 = tpu.vector_load %arg6[%get3A_897] {strides = array<i32>} : memref<10240xi32, #tpu.memory_space<vmem>>, vector<16xi32>,
        %add3A_899 = arith.constant 112 : i32
        %add3A_900 = arith.addi %add3A_767, %add3A_899 : i32
        %get3A_901 = arith.index_cast %add3A_900 : i32 to index
        %get3A_902 = tpu.vector_load %arg6[%get3A_901] {strides = array<i32>} : memref<10240xi32, #tpu.memory_space<vmem>>, vector<16xi32>,
        %mul3A_903 = arith.constant 64 : i32
        %mul3A_904 = vector.broadcast %mul3A_903 : i32 to vector<16xi32>
        %mul3A_905 = arith.muli %get3A_874, %mul3A_904 : vector<16xi32>
        %add3A_906 = arith.addi %mul3A_905, %and3A_867 : vector<16xi32>
        %mul3A_907 = arith.constant 64 : i32
        %mul3A_908 = vector.broadcast %mul3A_907 : i32 to vector<16xi32>
        %mul3A_909 = arith.muli %get3A_878, %mul3A_908 : vector<16xi32>
        %add3A_910 = arith.addi %mul3A_909, %and3A_867 : vector<16xi32>
        %mul3A_911 = arith.constant 64 : i32
        %mul3A_912 = vector.broadcast %mul3A_911 : i32 to vector<16xi32>
        %mul3A_913 = arith.muli %get3A_882, %mul3A_912 : vector<16xi32>
        %add3A_914 = arith.addi %mul3A_913, %and3A_867 : vector<16xi32>
        %mul3A_915 = arith.constant 64 : i32
        %mul3A_916 = vector.broadcast %mul3A_915 : i32 to vector<16xi32>
        %mul3A_917 = arith.muli %get3A_886, %mul3A_916 : vector<16xi32>
        %add3A_918 = arith.addi %mul3A_917, %and3A_867 : vector<16xi32>
        %mul3A_919 = arith.constant 64 : i32
        %mul3A_920 = vector.broadcast %mul3A_919 : i32 to vector<16xi32>
        %mul3A_921 = arith.muli %get3A_890, %mul3A_920 : vector<16xi32>
        %add3A_922 = arith.addi %mul3A_921, %and3A_867 : vector<16xi32>
        %mul3A_923 = arith.constant 64 : i32
        %mul3A_924 = vector.broadcast %mul3A_923 : i32 to vector<16xi32>
        %mul3A_925 = arith.muli %get3A_894, %mul3A_924 : vector<16xi32>
        %add3A_926 = arith.addi %mul3A_925, %and3A_867 : vector<16xi32>
        %mul3A_927 = arith.constant 64 : i32
        %mul3A_928 = vector.broadcast %mul3A_927 : i32 to vector<16xi32>
        %mul3A_929 = arith.muli %get3A_898, %mul3A_928 : vector<16xi32>
        %add3A_930 = arith.addi %mul3A_929, %and3A_867 : vector<16xi32>
        %mul3A_931 = arith.constant 64 : i32
        %mul3A_932 = vector.broadcast %mul3A_931 : i32 to vector<16xi32>
        %mul3A_933 = arith.muli %get3A_902, %mul3A_932 : vector<16xi32>
        %add3A_934 = arith.addi %mul3A_933, %and3A_867 : vector<16xi32>
        %add3A_935 = arith.constant 16 : i32
        %add3A_936 = vector.broadcast %add3A_935 : i32 to vector<16xi32>
        %add3A_937 = arith.addi %add3A_871, %add3A_936 : vector<16xi32>
        %add3A_938 = arith.constant 32 : i32
        %add3A_939 = vector.broadcast %add3A_938 : i32 to vector<16xi32>
        %add3A_940 = arith.addi %add3A_871, %add3A_939 : vector<16xi32>
        %add3A_941 = arith.constant 48 : i32
        %add3A_942 = vector.broadcast %add3A_941 : i32 to vector<16xi32>
        %add3A_943 = arith.addi %add3A_871, %add3A_942 : vector<16xi32>
        %add3A_944 = arith.constant 64 : i32
        %add3A_945 = vector.broadcast %add3A_944 : i32 to vector<16xi32>
        %add3A_946 = arith.addi %add3A_871, %add3A_945 : vector<16xi32>
        %add3A_947 = arith.constant 80 : i32
        %add3A_948 = vector.broadcast %add3A_947 : i32 to vector<16xi32>
        %add3A_949 = arith.addi %add3A_871, %add3A_948 : vector<16xi32>
        %add3A_950 = arith.constant 96 : i32
        %add3A_951 = vector.broadcast %add3A_950 : i32 to vector<16xi32>
        %add3A_952 = arith.addi %add3A_871, %add3A_951 : vector<16xi32>
        %add3A_953 = arith.constant 112 : i32
        %add3A_954 = vector.broadcast %add3A_953 : i32 to vector<16xi32>
        %add3A_955 = arith.addi %add3A_871, %add3A_954 : vector<16xi32>
        %gather3A = tpu.vector_load_idx %arg5[%add3A_906] : memref<64000xf32, #tpu.memory_space<vmem>>[vector<16xi32>], vector<16xf32>,
        %add3A_956 = arith.constant 16 : i32
        %add3A_957 = vector.broadcast %add3A_956 : i32 to vector<16xi32>
        %add3A_958 = arith.addi %add3A_906, %add3A_957 : vector<16xi32>
        %gather3A_959 = tpu.vector_load_idx %arg5[%add3A_958] : memref<64000xf32, #tpu.memory_space<vmem>>[vector<16xi32>], vector<16xf32>,
        %add3A_960 = arith.constant 32 : i32
        %add3A_961 = vector.broadcast %add3A_960 : i32 to vector<16xi32>
        %add3A_962 = arith.addi %add3A_906, %add3A_961 : vector<16xi32>
        %gather3A_963 = tpu.vector_load_idx %arg5[%add3A_962] : memref<64000xf32, #tpu.memory_space<vmem>>[vector<16xi32>], vector<16xf32>,
        %add3A_964 = arith.constant 48 : i32
        %add3A_965 = vector.broadcast %add3A_964 : i32 to vector<16xi32>
        %add3A_966 = arith.addi %add3A_906, %add3A_965 : vector<16xi32>
        %gather3A_967 = tpu.vector_load_idx %arg5[%add3A_966] : memref<64000xf32, #tpu.memory_space<vmem>>[vector<16xi32>], vector<16xf32>,
        %gather3A_968 = tpu.vector_load_idx %arg5[%add3A_910] : memref<64000xf32, #tpu.memory_space<vmem>>[vector<16xi32>], vector<16xf32>,
        %add3A_969 = arith.constant 16 : i32
        %add3A_970 = vector.broadcast %add3A_969 : i32 to vector<16xi32>
        %add3A_971 = arith.addi %add3A_910, %add3A_970 : vector<16xi32>
        %gather3A_972 = tpu.vector_load_idx %arg5[%add3A_971] : memref<64000xf32, #tpu.memory_space<vmem>>[vector<16xi32>], vector<16xf32>,
        %add3A_973 = arith.constant 32 : i32
        %add3A_974 = vector.broadcast %add3A_973 : i32 to vector<16xi32>
        %add3A_975 = arith.addi %add3A_910, %add3A_974 : vector<16xi32>
        %gather3A_976 = tpu.vector_load_idx %arg5[%add3A_975] : memref<64000xf32, #tpu.memory_space<vmem>>[vector<16xi32>], vector<16xf32>,
        %add3A_977 = arith.constant 48 : i32
        %add3A_978 = vector.broadcast %add3A_977 : i32 to vector<16xi32>
        %add3A_979 = arith.addi %add3A_910, %add3A_978 : vector<16xi32>
        %gather3A_980 = tpu.vector_load_idx %arg5[%add3A_979] : memref<64000xf32, #tpu.memory_space<vmem>>[vector<16xi32>], vector<16xf32>,
        %gather3A_981 = tpu.vector_load_idx %arg5[%add3A_914] : memref<64000xf32, #tpu.memory_space<vmem>>[vector<16xi32>], vector<16xf32>,
        %add3A_982 = arith.constant 16 : i32
        %add3A_983 = vector.broadcast %add3A_982 : i32 to vector<16xi32>
        %add3A_984 = arith.addi %add3A_914, %add3A_983 : vector<16xi32>
        %gather3A_985 = tpu.vector_load_idx %arg5[%add3A_984] : memref<64000xf32, #tpu.memory_space<vmem>>[vector<16xi32>], vector<16xf32>,
        %add3A_986 = arith.constant 32 : i32
        %add3A_987 = vector.broadcast %add3A_986 : i32 to vector<16xi32>
        %add3A_988 = arith.addi %add3A_914, %add3A_987 : vector<16xi32>
        %gather3A_989 = tpu.vector_load_idx %arg5[%add3A_988] : memref<64000xf32, #tpu.memory_space<vmem>>[vector<16xi32>], vector<16xf32>,
        %add3A_990 = arith.constant 48 : i32
        %add3A_991 = vector.broadcast %add3A_990 : i32 to vector<16xi32>
        %add3A_992 = arith.addi %add3A_914, %add3A_991 : vector<16xi32>
        %gather3A_993 = tpu.vector_load_idx %arg5[%add3A_992] : memref<64000xf32, #tpu.memory_space<vmem>>[vector<16xi32>], vector<16xf32>,
        %gather3A_994 = tpu.vector_load_idx %arg5[%add3A_918] : memref<64000xf32, #tpu.memory_space<vmem>>[vector<16xi32>], vector<16xf32>,
        %add3A_995 = arith.constant 16 : i32
        %add3A_996 = vector.broadcast %add3A_995 : i32 to vector<16xi32>
        %add3A_997 = arith.addi %add3A_918, %add3A_996 : vector<16xi32>
        %gather3A_998 = tpu.vector_load_idx %arg5[%add3A_997] : memref<64000xf32, #tpu.memory_space<vmem>>[vector<16xi32>], vector<16xf32>,
        %add3A_999 = arith.constant 32 : i32
        %add3A_1000 = vector.broadcast %add3A_999 : i32 to vector<16xi32>
        %add3A_1001 = arith.addi %add3A_918, %add3A_1000 : vector<16xi32>
        %gather3A_1002 = tpu.vector_load_idx %arg5[%add3A_1001] : memref<64000xf32, #tpu.memory_space<vmem>>[vector<16xi32>], vector<16xf32>,
        %add3A_1003 = arith.constant 48 : i32
        %add3A_1004 = vector.broadcast %add3A_1003 : i32 to vector<16xi32>
        %add3A_1005 = arith.addi %add3A_918, %add3A_1004 : vector<16xi32>
        %gather3A_1006 = tpu.vector_load_idx %arg5[%add3A_1005] : memref<64000xf32, #tpu.memory_space<vmem>>[vector<16xi32>], vector<16xf32>,
        %gather3A_1007 = tpu.vector_load_idx %arg5[%add3A_922] : memref<64000xf32, #tpu.memory_space<vmem>>[vector<16xi32>], vector<16xf32>,
        %add3A_1008 = arith.constant 16 : i32
        %add3A_1009 = vector.broadcast %add3A_1008 : i32 to vector<16xi32>
        %add3A_1010 = arith.addi %add3A_922, %add3A_1009 : vector<16xi32>
        %gather3A_1011 = tpu.vector_load_idx %arg5[%add3A_1010] : memref<64000xf32, #tpu.memory_space<vmem>>[vector<16xi32>], vector<16xf32>,
        %add3A_1012 = arith.constant 32 : i32
        %add3A_1013 = vector.broadcast %add3A_1012 : i32 to vector<16xi32>
        %add3A_1014 = arith.addi %add3A_922, %add3A_1013 : vector<16xi32>
        %gather3A_1015 = tpu.vector_load_idx %arg5[%add3A_1014] : memref<64000xf32, #tpu.memory_space<vmem>>[vector<16xi32>], vector<16xf32>,
        %add3A_1016 = arith.constant 48 : i32
        %add3A_1017 = vector.broadcast %add3A_1016 : i32 to vector<16xi32>
        %add3A_1018 = arith.addi %add3A_922, %add3A_1017 : vector<16xi32>
        %gather3A_1019 = tpu.vector_load_idx %arg5[%add3A_1018] : memref<64000xf32, #tpu.memory_space<vmem>>[vector<16xi32>], vector<16xf32>,
        %gather3A_1020 = tpu.vector_load_idx %arg5[%add3A_926] : memref<64000xf32, #tpu.memory_space<vmem>>[vector<16xi32>], vector<16xf32>,
        %add3A_1021 = arith.constant 16 : i32
        %add3A_1022 = vector.broadcast %add3A_1021 : i32 to vector<16xi32>
        %add3A_1023 = arith.addi %add3A_926, %add3A_1022 : vector<16xi32>
        %gather3A_1024 = tpu.vector_load_idx %arg5[%add3A_1023] : memref<64000xf32, #tpu.memory_space<vmem>>[vector<16xi32>], vector<16xf32>,
        %add3A_1025 = arith.constant 32 : i32
        %add3A_1026 = vector.broadcast %add3A_1025 : i32 to vector<16xi32>
        %add3A_1027 = arith.addi %add3A_926, %add3A_1026 : vector<16xi32>
        %gather3A_1028 = tpu.vector_load_idx %arg5[%add3A_1027] : memref<64000xf32, #tpu.memory_space<vmem>>[vector<16xi32>], vector<16xf32>,
        %add3A_1029 = arith.constant 48 : i32
        %add3A_1030 = vector.broadcast %add3A_1029 : i32 to vector<16xi32>
        %add3A_1031 = arith.addi %add3A_926, %add3A_1030 : vector<16xi32>
        %gather3A_1032 = tpu.vector_load_idx %arg5[%add3A_1031] : memref<64000xf32, #tpu.memory_space<vmem>>[vector<16xi32>], vector<16xf32>,
        %gather3A_1033 = tpu.vector_load_idx %arg5[%add3A_930] : memref<64000xf32, #tpu.memory_space<vmem>>[vector<16xi32>], vector<16xf32>,
        %add3A_1034 = arith.constant 16 : i32
        %add3A_1035 = vector.broadcast %add3A_1034 : i32 to vector<16xi32>
        %add3A_1036 = arith.addi %add3A_930, %add3A_1035 : vector<16xi32>
        %gather3A_1037 = tpu.vector_load_idx %arg5[%add3A_1036] : memref<64000xf32, #tpu.memory_space<vmem>>[vector<16xi32>], vector<16xf32>,
        %add3A_1038 = arith.constant 32 : i32
        %add3A_1039 = vector.broadcast %add3A_1038 : i32 to vector<16xi32>
        %add3A_1040 = arith.addi %add3A_930, %add3A_1039 : vector<16xi32>
        %gather3A_1041 = tpu.vector_load_idx %arg5[%add3A_1040] : memref<64000xf32, #tpu.memory_space<vmem>>[vector<16xi32>], vector<16xf32>,
        %add3A_1042 = arith.constant 48 : i32
        %add3A_1043 = vector.broadcast %add3A_1042 : i32 to vector<16xi32>
        %add3A_1044 = arith.addi %add3A_930, %add3A_1043 : vector<16xi32>
        %gather3A_1045 = tpu.vector_load_idx %arg5[%add3A_1044] : memref<64000xf32, #tpu.memory_space<vmem>>[vector<16xi32>], vector<16xf32>,
        %gather3A_1046 = tpu.vector_load_idx %arg5[%add3A_934] : memref<64000xf32, #tpu.memory_space<vmem>>[vector<16xi32>], vector<16xf32>,
        %add3A_1047 = arith.constant 16 : i32
        %add3A_1048 = vector.broadcast %add3A_1047 : i32 to vector<16xi32>
        %add3A_1049 = arith.addi %add3A_934, %add3A_1048 : vector<16xi32>
        %gather3A_1050 = tpu.vector_load_idx %arg5[%add3A_1049] : memref<64000xf32, #tpu.memory_space<vmem>>[vector<16xi32>], vector<16xf32>,
        %add3A_1051 = arith.constant 32 : i32
        %add3A_1052 = vector.broadcast %add3A_1051 : i32 to vector<16xi32>
        %add3A_1053 = arith.addi %add3A_934, %add3A_1052 : vector<16xi32>
        %gather3A_1054 = tpu.vector_load_idx %arg5[%add3A_1053] : memref<64000xf32, #tpu.memory_space<vmem>>[vector<16xi32>], vector<16xf32>,
        %add3A_1055 = arith.constant 48 : i32
        %add3A_1056 = vector.broadcast %add3A_1055 : i32 to vector<16xi32>
        %add3A_1057 = arith.addi %add3A_934, %add3A_1056 : vector<16xi32>
        %gather3A_1058 = tpu.vector_load_idx %arg5[%add3A_1057] : memref<64000xf32, #tpu.memory_space<vmem>>[vector<16xi32>], vector<16xf32>,
        %scatter3A = arith.constant 0 : i32
        %scatter3A_1059 = tpu.memref_slice %arg8[%scatter3A] : memref<8192xf32, #tpu.memory_space<vmem>> -> memref<2048xf32, #tpu.memory_space<vmem>>
        tpu.vector_store_idx %scatter3A_1059[%add3A_871], %gather3A : memref<2048xf32, #tpu.memory_space<vmem>>[vector<16xi32>], vector<16xf32>,
        %scatter3A_1060 = arith.constant 0 : i32
        %scatter3A_1061 = tpu.memref_slice %arg8[%scatter3A_1060] : memref<8192xf32, #tpu.memory_space<vmem>> -> memref<2048xf32, #tpu.memory_space<vmem>>
        tpu.vector_store_idx %scatter3A_1061[%add3A_937], %gather3A_968 : memref<2048xf32, #tpu.memory_space<vmem>>[vector<16xi32>], vector<16xf32>,
        %scatter3A_1062 = arith.constant 0 : i32
        %scatter3A_1063 = tpu.memref_slice %arg8[%scatter3A_1062] : memref<8192xf32, #tpu.memory_space<vmem>> -> memref<2048xf32, #tpu.memory_space<vmem>>
        tpu.vector_store_idx %scatter3A_1063[%add3A_940], %gather3A_981 : memref<2048xf32, #tpu.memory_space<vmem>>[vector<16xi32>], vector<16xf32>,
        %scatter3A_1064 = arith.constant 0 : i32
        %scatter3A_1065 = tpu.memref_slice %arg8[%scatter3A_1064] : memref<8192xf32, #tpu.memory_space<vmem>> -> memref<2048xf32, #tpu.memory_space<vmem>>
        tpu.vector_store_idx %scatter3A_1065[%add3A_943], %gather3A_994 : memref<2048xf32, #tpu.memory_space<vmem>>[vector<16xi32>], vector<16xf32>,
        %scatter3A_1066 = arith.constant 0 : i32
        %scatter3A_1067 = tpu.memref_slice %arg8[%scatter3A_1066] : memref<8192xf32, #tpu.memory_space<vmem>> -> memref<2048xf32, #tpu.memory_space<vmem>>
        tpu.vector_store_idx %scatter3A_1067[%add3A_946], %gather3A_1007 : memref<2048xf32, #tpu.memory_space<vmem>>[vector<16xi32>], vector<16xf32>,
        %scatter3A_1068 = arith.constant 0 : i32
        %scatter3A_1069 = tpu.memref_slice %arg8[%scatter3A_1068] : memref<8192xf32, #tpu.memory_space<vmem>> -> memref<2048xf32, #tpu.memory_space<vmem>>
        tpu.vector_store_idx %scatter3A_1069[%add3A_949], %gather3A_1020 : memref<2048xf32, #tpu.memory_space<vmem>>[vector<16xi32>], vector<16xf32>,
        %scatter3A_1070 = arith.constant 0 : i32
        %scatter3A_1071 = tpu.memref_slice %arg8[%scatter3A_1070] : memref<8192xf32, #tpu.memory_space<vmem>> -> memref<2048xf32, #tpu.memory_space<vmem>>
        tpu.vector_store_idx %scatter3A_1071[%add3A_952], %gather3A_1033 : memref<2048xf32, #tpu.memory_space<vmem>>[vector<16xi32>], vector<16xf32>,
        %scatter3A_1072 = arith.constant 0 : i32
        %scatter3A_1073 = tpu.memref_slice %arg8[%scatter3A_1072] : memref<8192xf32, #tpu.memory_space<vmem>> -> memref<2048xf32, #tpu.memory_space<vmem>>
        tpu.vector_store_idx %scatter3A_1073[%add3A_955], %gather3A_1046 : memref<2048xf32, #tpu.memory_space<vmem>>[vector<16xi32>], vector<16xf32>,
        %scatter3A_1074 = arith.constant 2048 : i32
        %scatter3A_1075 = tpu.memref_slice %arg8[%scatter3A_1074] : memref<8192xf32, #tpu.memory_space<vmem>> -> memref<2048xf32, #tpu.memory_space<vmem>>
        tpu.vector_store_idx %scatter3A_1075[%add3A_871], %gather3A_959 : memref<2048xf32, #tpu.memory_space<vmem>>[vector<16xi32>], vector<16xf32>,
        %scatter3A_1076 = arith.constant 2048 : i32
        %scatter3A_1077 = tpu.memref_slice %arg8[%scatter3A_1076] : memref<8192xf32, #tpu.memory_space<vmem>> -> memref<2048xf32, #tpu.memory_space<vmem>>
        tpu.vector_store_idx %scatter3A_1077[%add3A_937], %gather3A_972 : memref<2048xf32, #tpu.memory_space<vmem>>[vector<16xi32>], vector<16xf32>,
        %scatter3A_1078 = arith.constant 2048 : i32
        %scatter3A_1079 = tpu.memref_slice %arg8[%scatter3A_1078] : memref<8192xf32, #tpu.memory_space<vmem>> -> memref<2048xf32, #tpu.memory_space<vmem>>
        tpu.vector_store_idx %scatter3A_1079[%add3A_940], %gather3A_985 : memref<2048xf32, #tpu.memory_space<vmem>>[vector<16xi32>], vector<16xf32>,
        %scatter3A_1080 = arith.constant 2048 : i32
        %scatter3A_1081 = tpu.memref_slice %arg8[%scatter3A_1080] : memref<8192xf32, #tpu.memory_space<vmem>> -> memref<2048xf32, #tpu.memory_space<vmem>>
        tpu.vector_store_idx %scatter3A_1081[%add3A_943], %gather3A_998 : memref<2048xf32, #tpu.memory_space<vmem>>[vector<16xi32>], vector<16xf32>,
        %scatter3A_1082 = arith.constant 2048 : i32
        %scatter3A_1083 = tpu.memref_slice %arg8[%scatter3A_1082] : memref<8192xf32, #tpu.memory_space<vmem>> -> memref<2048xf32, #tpu.memory_space<vmem>>
        tpu.vector_store_idx %scatter3A_1083[%add3A_946], %gather3A_1011 : memref<2048xf32, #tpu.memory_space<vmem>>[vector<16xi32>], vector<16xf32>,
        %scatter3A_1084 = arith.constant 2048 : i32
        %scatter3A_1085 = tpu.memref_slice %arg8[%scatter3A_1084] : memref<8192xf32, #tpu.memory_space<vmem>> -> memref<2048xf32, #tpu.memory_space<vmem>>
        tpu.vector_store_idx %scatter3A_1085[%add3A_949], %gather3A_1024 : memref<2048xf32, #tpu.memory_space<vmem>>[vector<16xi32>], vector<16xf32>,
        %scatter3A_1086 = arith.constant 2048 : i32
        %scatter3A_1087 = tpu.memref_slice %arg8[%scatter3A_1086] : memref<8192xf32, #tpu.memory_space<vmem>> -> memref<2048xf32, #tpu.memory_space<vmem>>
        tpu.vector_store_idx %scatter3A_1087[%add3A_952], %gather3A_1037 : memref<2048xf32, #tpu.memory_space<vmem>>[vector<16xi32>], vector<16xf32>,
        %scatter3A_1088 = arith.constant 2048 : i32
        %scatter3A_1089 = tpu.memref_slice %arg8[%scatter3A_1088] : memref<8192xf32, #tpu.memory_space<vmem>> -> memref<2048xf32, #tpu.memory_space<vmem>>
        tpu.vector_store_idx %scatter3A_1089[%add3A_955], %gather3A_1050 : memref<2048xf32, #tpu.memory_space<vmem>>[vector<16xi32>], vector<16xf32>,
        %scatter3A_1090 = arith.constant 4096 : i32
        %scatter3A_1091 = tpu.memref_slice %arg8[%scatter3A_1090] : memref<8192xf32, #tpu.memory_space<vmem>> -> memref<2048xf32, #tpu.memory_space<vmem>>
        tpu.vector_store_idx %scatter3A_1091[%add3A_871], %gather3A_963 : memref<2048xf32, #tpu.memory_space<vmem>>[vector<16xi32>], vector<16xf32>,
        %scatter3A_1092 = arith.constant 4096 : i32
        %scatter3A_1093 = tpu.memref_slice %arg8[%scatter3A_1092] : memref<8192xf32, #tpu.memory_space<vmem>> -> memref<2048xf32, #tpu.memory_space<vmem>>
        tpu.vector_store_idx %scatter3A_1093[%add3A_937], %gather3A_976 : memref<2048xf32, #tpu.memory_space<vmem>>[vector<16xi32>], vector<16xf32>,
        %scatter3A_1094 = arith.constant 4096 : i32
        %scatter3A_1095 = tpu.memref_slice %arg8[%scatter3A_1094] : memref<8192xf32, #tpu.memory_space<vmem>> -> memref<2048xf32, #tpu.memory_space<vmem>>
        tpu.vector_store_idx %scatter3A_1095[%add3A_940], %gather3A_989 : memref<2048xf32, #tpu.memory_space<vmem>>[vector<16xi32>], vector<16xf32>,
        %scatter3A_1096 = arith.constant 4096 : i32
        %scatter3A_1097 = tpu.memref_slice %arg8[%scatter3A_1096] : memref<8192xf32, #tpu.memory_space<vmem>> -> memref<2048xf32, #tpu.memory_space<vmem>>
        tpu.vector_store_idx %scatter3A_1097[%add3A_943], %gather3A_1002 : memref<2048xf32, #tpu.memory_space<vmem>>[vector<16xi32>], vector<16xf32>,
        %scatter3A_1098 = arith.constant 4096 : i32
        %scatter3A_1099 = tpu.memref_slice %arg8[%scatter3A_1098] : memref<8192xf32, #tpu.memory_space<vmem>> -> memref<2048xf32, #tpu.memory_space<vmem>>
        tpu.vector_store_idx %scatter3A_1099[%add3A_946], %gather3A_1015 : memref<2048xf32, #tpu.memory_space<vmem>>[vector<16xi32>], vector<16xf32>,
        %scatter3A_1100 = arith.constant 4096 : i32
        %scatter3A_1101 = tpu.memref_slice %arg8[%scatter3A_1100] : memref<8192xf32, #tpu.memory_space<vmem>> -> memref<2048xf32, #tpu.memory_space<vmem>>
        tpu.vector_store_idx %scatter3A_1101[%add3A_949], %gather3A_1028 : memref<2048xf32, #tpu.memory_space<vmem>>[vector<16xi32>], vector<16xf32>,
        %scatter3A_1102 = arith.constant 4096 : i32
        %scatter3A_1103 = tpu.memref_slice %arg8[%scatter3A_1102] : memref<8192xf32, #tpu.memory_space<vmem>> -> memref<2048xf32, #tpu.memory_space<vmem>>
        tpu.vector_store_idx %scatter3A_1103[%add3A_952], %gather3A_1041 : memref<2048xf32, #tpu.memory_space<vmem>>[vector<16xi32>], vector<16xf32>,
        %scatter3A_1104 = arith.constant 4096 : i32
        %scatter3A_1105 = tpu.memref_slice %arg8[%scatter3A_1104] : memref<8192xf32, #tpu.memory_space<vmem>> -> memref<2048xf32, #tpu.memory_space<vmem>>
        tpu.vector_store_idx %scatter3A_1105[%add3A_955], %gather3A_1054 : memref<2048xf32, #tpu.memory_space<vmem>>[vector<16xi32>], vector<16xf32>,
        %scatter3A_1106 = arith.constant 6144 : i32
        %scatter3A_1107 = tpu.memref_slice %arg8[%scatter3A_1106] : memref<8192xf32, #tpu.memory_space<vmem>> -> memref<2048xf32, #tpu.memory_space<vmem>>
        tpu.vector_store_idx %scatter3A_1107[%add3A_871], %gather3A_967 : memref<2048xf32, #tpu.memory_space<vmem>>[vector<16xi32>], vector<16xf32>,
        %scatter3A_1108 = arith.constant 6144 : i32
        %scatter3A_1109 = tpu.memref_slice %arg8[%scatter3A_1108] : memref<8192xf32, #tpu.memory_space<vmem>> -> memref<2048xf32, #tpu.memory_space<vmem>>
        tpu.vector_store_idx %scatter3A_1109[%add3A_937], %gather3A_980 : memref<2048xf32, #tpu.memory_space<vmem>>[vector<16xi32>], vector<16xf32>,
        %scatter3A_1110 = arith.constant 6144 : i32
        %scatter3A_1111 = tpu.memref_slice %arg8[%scatter3A_1110] : memref<8192xf32, #tpu.memory_space<vmem>> -> memref<2048xf32, #tpu.memory_space<vmem>>
        tpu.vector_store_idx %scatter3A_1111[%add3A_940], %gather3A_993 : memref<2048xf32, #tpu.memory_space<vmem>>[vector<16xi32>], vector<16xf32>,
        %scatter3A_1112 = arith.constant 6144 : i32
        %scatter3A_1113 = tpu.memref_slice %arg8[%scatter3A_1112] : memref<8192xf32, #tpu.memory_space<vmem>> -> memref<2048xf32, #tpu.memory_space<vmem>>
        tpu.vector_store_idx %scatter3A_1113[%add3A_943], %gather3A_1006 : memref<2048xf32, #tpu.memory_space<vmem>>[vector<16xi32>], vector<16xf32>,
        %scatter3A_1114 = arith.constant 6144 : i32
        %scatter3A_1115 = tpu.memref_slice %arg8[%scatter3A_1114] : memref<8192xf32, #tpu.memory_space<vmem>> -> memref<2048xf32, #tpu.memory_space<vmem>>
        tpu.vector_store_idx %scatter3A_1115[%add3A_946], %gather3A_1019 : memref<2048xf32, #tpu.memory_space<vmem>>[vector<16xi32>], vector<16xf32>,
        %scatter3A_1116 = arith.constant 6144 : i32
        %scatter3A_1117 = tpu.memref_slice %arg8[%scatter3A_1116] : memref<8192xf32, #tpu.memory_space<vmem>> -> memref<2048xf32, #tpu.memory_space<vmem>>
        tpu.vector_store_idx %scatter3A_1117[%add3A_949], %gather3A_1032 : memref<2048xf32, #tpu.memory_space<vmem>>[vector<16xi32>], vector<16xf32>,
        %scatter3A_1118 = arith.constant 6144 : i32
        %scatter3A_1119 = tpu.memref_slice %arg8[%scatter3A_1118] : memref<8192xf32, #tpu.memory_space<vmem>> -> memref<2048xf32, #tpu.memory_space<vmem>>
        tpu.vector_store_idx %scatter3A_1119[%add3A_952], %gather3A_1045 : memref<2048xf32, #tpu.memory_space<vmem>>[vector<16xi32>], vector<16xf32>,
        %scatter3A_1120 = arith.constant 6144 : i32
        %scatter3A_1121 = tpu.memref_slice %arg8[%scatter3A_1120] : memref<8192xf32, #tpu.memory_space<vmem>> -> memref<2048xf32, #tpu.memory_space<vmem>>
        tpu.vector_store_idx %scatter3A_1121[%add3A_955], %gather3A_1058 : memref<2048xf32, #tpu.memory_space<vmem>>[vector<16xi32>], vector<16xf32>,
      }
      %scan3A_773 = arith.constant 16 : i32
      %dma_start3A_774 = arith.constant 0 : i32
      %dma_start3A_775 = arith.constant 0 : i32
      %dma_start3A_776 = tpu.memref_slice %arg8[%dma_start3A_775] : memref<8192xf32, #tpu.memory_space<vmem>> -> memref<1024xf32, #tpu.memory_space<vmem>>
      %dma_start3A_777 = arith.constant 0 : i32
      %dma_start3A_778 = tpu.memref_slice %arg4[%select_n3A_739, %dma_start3A_774, %add3A_742, %dma_start3A_777] : memref<20x8x128x1024xf32, #tpu.memory_space<hbm>> -> memref<1x1x1x1024xf32, #tpu.memory_space<hbm>>
      %dma_start3A_779 = tpu.memref_squeeze %dma_start3A_778 : memref<1x1x1x1024xf32, #tpu.memory_space<hbm>> -> memref<1024xf32, #tpu.memory_space<hbm>>
      %dma_start3A_780 = arith.constant 0 : i32
      %dma_start3A_781 = tpu.memref_slice %arg4[%select_n3A_739, %dma_start3A_774, %add3A_742, %dma_start3A_780] : memref<20x8x128x1024xf32, #tpu.memory_space<hbm>> -> memref<1x1x1x1024xf32, #tpu.memory_space<hbm>>
      %dma_start3A_782 = tpu.memref_squeeze %dma_start3A_781 : memref<1x1x1x1024xf32, #tpu.memory_space<hbm>> -> memref<1024xf32, #tpu.memory_space<hbm>>
      %dma_start3A_783 = arith.constant 0 : i32
      %dma_start3A_784 = tpu.memref_slice %arg8[%dma_start3A_783] : memref<8192xf32, #tpu.memory_space<vmem>> -> memref<1024xf32, #tpu.memory_space<vmem>>
      tpu.enqueue_dma source(%dma_start3A_784 : memref<1024xf32, #tpu.memory_space<vmem>>) target(%dma_start3A_782 : memref<1024xf32, #tpu.memory_space<hbm>>) target_semaphore(%arg11 : memref<!tpu.dma_semaphore, #tpu.memory_space<semaphore_mem>>)
      %dma_start3A_785 = arith.constant 1 : i32
      %dma_start3A_786 = arith.constant 1024 : i32
      %dma_start3A_787 = tpu.memref_slice %arg8[%dma_start3A_786] : memref<8192xf32, #tpu.memory_space<vmem>> -> memref<1024xf32, #tpu.memory_space<vmem>>
      %dma_start3A_788 = arith.constant 0 : i32
      %dma_start3A_789 = tpu.memref_slice %arg4[%select_n3A_739, %dma_start3A_785, %add3A_743, %dma_start3A_788] : memref<20x8x128x1024xf32, #tpu.memory_space<hbm>> -> memref<1x1x1x1024xf32, #tpu.memory_space<hbm>>
      %dma_start3A_790 = tpu.memref_squeeze %dma_start3A_789 : memref<1x1x1x1024xf32, #tpu.memory_space<hbm>> -> memref<1024xf32, #tpu.memory_space<hbm>>
      %dma_start3A_791 = arith.constant 0 : i32
      %dma_start3A_792 = tpu.memref_slice %arg4[%select_n3A_739, %dma_start3A_785, %add3A_743, %dma_start3A_791] : memref<20x8x128x1024xf32, #tpu.memory_space<hbm>> -> memref<1x1x1x1024xf32, #tpu.memory_space<hbm>>
      %dma_start3A_793 = tpu.memref_squeeze %dma_start3A_792 : memref<1x1x1x1024xf32, #tpu.memory_space<hbm>> -> memref<1024xf32, #tpu.memory_space<hbm>>
      %dma_start3A_794 = arith.constant 1024 : i32
      %dma_start3A_795 = tpu.memref_slice %arg8[%dma_start3A_794] : memref<8192xf32, #tpu.memory_space<vmem>> -> memref<1024xf32, #tpu.memory_space<vmem>>
      tpu.enqueue_dma source(%dma_start3A_795 : memref<1024xf32, #tpu.memory_space<vmem>>) target(%dma_start3A_793 : memref<1024xf32, #tpu.memory_space<hbm>>) target_semaphore(%arg11 : memref<!tpu.dma_semaphore, #tpu.memory_space<semaphore_mem>>)
      %dma_start3A_796 = arith.constant 2 : i32
      %dma_start3A_797 = arith.constant 2048 : i32
      %dma_start3A_798 = tpu.memref_slice %arg8[%dma_start3A_797] : memref<8192xf32, #tpu.memory_space<vmem>> -> memref<1024xf32, #tpu.memory_space<vmem>>
      %dma_start3A_799 = arith.constant 0 : i32
      %dma_start3A_800 = tpu.memref_slice %arg4[%select_n3A_739, %dma_start3A_796, %add3A_744, %dma_start3A_799] : memref<20x8x128x1024xf32, #tpu.memory_space<hbm>> -> memref<1x1x1x1024xf32, #tpu.memory_space<hbm>>
      %dma_start3A_801 = tpu.memref_squeeze %dma_start3A_800 : memref<1x1x1x1024xf32, #tpu.memory_space<hbm>> -> memref<1024xf32, #tpu.memory_space<hbm>>
      %dma_start3A_802 = arith.constant 0 : i32
      %dma_start3A_803 = tpu.memref_slice %arg4[%select_n3A_739, %dma_start3A_796, %add3A_744, %dma_start3A_802] : memref<20x8x128x1024xf32, #tpu.memory_space<hbm>> -> memref<1x1x1x1024xf32, #tpu.memory_space<hbm>>
      %dma_start3A_804 = tpu.memref_squeeze %dma_start3A_803 : memref<1x1x1x1024xf32, #tpu.memory_space<hbm>> -> memref<1024xf32, #tpu.memory_space<hbm>>
      %dma_start3A_805 = arith.constant 2048 : i32
      %dma_start3A_806 = tpu.memref_slice %arg8[%dma_start3A_805] : memref<8192xf32, #tpu.memory_space<vmem>> -> memref<1024xf32, #tpu.memory_space<vmem>>
      tpu.enqueue_dma source(%dma_start3A_806 : memref<1024xf32, #tpu.memory_space<vmem>>) target(%dma_start3A_804 : memref<1024xf32, #tpu.memory_space<hbm>>) target_semaphore(%arg11 : memref<!tpu.dma_semaphore, #tpu.memory_space<semaphore_mem>>)
      %dma_start3A_807 = arith.constant 3 : i32
      %dma_start3A_808 = arith.constant 3072 : i32
      %dma_start3A_809 = tpu.memref_slice %arg8[%dma_start3A_808] : memref<8192xf32, #tpu.memory_space<vmem>> -> memref<1024xf32, #tpu.memory_space<vmem>>
      %dma_start3A_810 = arith.constant 0 : i32
      %dma_start3A_811 = tpu.memref_slice %arg4[%select_n3A_739, %dma_start3A_807, %add3A_745, %dma_start3A_810] : memref<20x8x128x1024xf32, #tpu.memory_space<hbm>> -> memref<1x1x1x1024xf32, #tpu.memory_space<hbm>>
      %dma_start3A_812 = tpu.memref_squeeze %dma_start3A_811 : memref<1x1x1x1024xf32, #tpu.memory_space<hbm>> -> memref<1024xf32, #tpu.memory_space<hbm>>
      %dma_start3A_813 = arith.constant 0 : i32
      %dma_start3A_814 = tpu.memref_slice %arg4[%select_n3A_739, %dma_start3A_807, %add3A_745, %dma_start3A_813] : memref<20x8x128x1024xf32, #tpu.memory_space<hbm>> -> memref<1x1x1x1024xf32, #tpu.memory_space<hbm>>
      %dma_start3A_815 = tpu.memref_squeeze %dma_start3A_814 : memref<1x1x1x1024xf32, #tpu.memory_space<hbm>> -> memref<1024xf32, #tpu.memory_space<hbm>>
      %dma_start3A_816 = arith.constant 3072 : i32
      %dma_start3A_817 = tpu.memref_slice %arg8[%dma_start3A_816] : memref<8192xf32, #tpu.memory_space<vmem>> -> memref<1024xf32, #tpu.memory_space<vmem>>
      tpu.enqueue_dma source(%dma_start3A_817 : memref<1024xf32, #tpu.memory_space<vmem>>) target(%dma_start3A_815 : memref<1024xf32, #tpu.memory_space<hbm>>) target_semaphore(%arg11 : memref<!tpu.dma_semaphore, #tpu.memory_space<semaphore_mem>>)
      %dma_start3A_818 = arith.constant 4 : i32
      %dma_start3A_819 = arith.constant 4096 : i32
      %dma_start3A_820 = tpu.memref_slice %arg8[%dma_start3A_819] : memref<8192xf32, #tpu.memory_space<vmem>> -> memref<1024xf32, #tpu.memory_space<vmem>>
      %dma_start3A_821 = arith.constant 0 : i32
      %dma_start3A_822 = tpu.memref_slice %arg4[%select_n3A_739, %dma_start3A_818, %add3A_746, %dma_start3A_821] : memref<20x8x128x1024xf32, #tpu.memory_space<hbm>> -> memref<1x1x1x1024xf32, #tpu.memory_space<hbm>>
      %dma_start3A_823 = tpu.memref_squeeze %dma_start3A_822 : memref<1x1x1x1024xf32, #tpu.memory_space<hbm>> -> memref<1024xf32, #tpu.memory_space<hbm>>
      %dma_start3A_824 = arith.constant 0 : i32
      %dma_start3A_825 = tpu.memref_slice %arg4[%select_n3A_739, %dma_start3A_818, %add3A_746, %dma_start3A_824] : memref<20x8x128x1024xf32, #tpu.memory_space<hbm>> -> memref<1x1x1x1024xf32, #tpu.memory_space<hbm>>
      %dma_start3A_826 = tpu.memref_squeeze %dma_start3A_825 : memref<1x1x1x1024xf32, #tpu.memory_space<hbm>> -> memref<1024xf32, #tpu.memory_space<hbm>>
      %dma_start3A_827 = arith.constant 4096 : i32
      %dma_start3A_828 = tpu.memref_slice %arg8[%dma_start3A_827] : memref<8192xf32, #tpu.memory_space<vmem>> -> memref<1024xf32, #tpu.memory_space<vmem>>
      tpu.enqueue_dma source(%dma_start3A_828 : memref<1024xf32, #tpu.memory_space<vmem>>) target(%dma_start3A_826 : memref<1024xf32, #tpu.memory_space<hbm>>) target_semaphore(%arg11 : memref<!tpu.dma_semaphore, #tpu.memory_space<semaphore_mem>>)
      %dma_start3A_829 = arith.constant 5 : i32
      %dma_start3A_830 = arith.constant 5120 : i32
      %dma_start3A_831 = tpu.memref_slice %arg8[%dma_start3A_830] : memref<8192xf32, #tpu.memory_space<vmem>> -> memref<1024xf32, #tpu.memory_space<vmem>>
      %dma_start3A_832 = arith.constant 0 : i32
      %dma_start3A_833 = tpu.memref_slice %arg4[%select_n3A_739, %dma_start3A_829, %add3A_747, %dma_start3A_832] : memref<20x8x128x1024xf32, #tpu.memory_space<hbm>> -> memref<1x1x1x1024xf32, #tpu.memory_space<hbm>>
      %dma_start3A_834 = tpu.memref_squeeze %dma_start3A_833 : memref<1x1x1x1024xf32, #tpu.memory_space<hbm>> -> memref<1024xf32, #tpu.memory_space<hbm>>
      %dma_start3A_835 = arith.constant 0 : i32
      %dma_start3A_836 = tpu.memref_slice %arg4[%select_n3A_739, %dma_start3A_829, %add3A_747, %dma_start3A_835] : memref<20x8x128x1024xf32, #tpu.memory_space<hbm>> -> memref<1x1x1x1024xf32, #tpu.memory_space<hbm>>
      %dma_start3A_837 = tpu.memref_squeeze %dma_start3A_836 : memref<1x1x1x1024xf32, #tpu.memory_space<hbm>> -> memref<1024xf32, #tpu.memory_space<hbm>>
      %dma_start3A_838 = arith.constant 5120 : i32
      %dma_start3A_839 = tpu.memref_slice %arg8[%dma_start3A_838] : memref<8192xf32, #tpu.memory_space<vmem>> -> memref<1024xf32, #tpu.memory_space<vmem>>
      tpu.enqueue_dma source(%dma_start3A_839 : memref<1024xf32, #tpu.memory_space<vmem>>) target(%dma_start3A_837 : memref<1024xf32, #tpu.memory_space<hbm>>) target_semaphore(%arg11 : memref<!tpu.dma_semaphore, #tpu.memory_space<semaphore_mem>>)
      %dma_start3A_840 = arith.constant 6 : i32
      %dma_start3A_841 = arith.constant 6144 : i32
      %dma_start3A_842 = tpu.memref_slice %arg8[%dma_start3A_841] : memref<8192xf32, #tpu.memory_space<vmem>> -> memref<1024xf32, #tpu.memory_space<vmem>>
      %dma_start3A_843 = arith.constant 0 : i32
      %dma_start3A_844 = tpu.memref_slice %arg4[%select_n3A_739, %dma_start3A_840, %add3A_748, %dma_start3A_843] : memref<20x8x128x1024xf32, #tpu.memory_space<hbm>> -> memref<1x1x1x1024xf32, #tpu.memory_space<hbm>>
      %dma_start3A_845 = tpu.memref_squeeze %dma_start3A_844 : memref<1x1x1x1024xf32, #tpu.memory_space<hbm>> -> memref<1024xf32, #tpu.memory_space<hbm>>
      %dma_start3A_846 = arith.constant 0 : i32
      %dma_start3A_847 = tpu.memref_slice %arg4[%select_n3A_739, %dma_start3A_840, %add3A_748, %dma_start3A_846] : memref<20x8x128x1024xf32, #tpu.memory_space<hbm>> -> memref<1x1x1x1024xf32, #tpu.memory_space<hbm>>
      %dma_start3A_848 = tpu.memref_squeeze %dma_start3A_847 : memref<1x1x1x1024xf32, #tpu.memory_space<hbm>> -> memref<1024xf32, #tpu.memory_space<hbm>>
      %dma_start3A_849 = arith.constant 6144 : i32
      %dma_start3A_850 = tpu.memref_slice %arg8[%dma_start3A_849] : memref<8192xf32, #tpu.memory_space<vmem>> -> memref<1024xf32, #tpu.memory_space<vmem>>
      tpu.enqueue_dma source(%dma_start3A_850 : memref<1024xf32, #tpu.memory_space<vmem>>) target(%dma_start3A_848 : memref<1024xf32, #tpu.memory_space<hbm>>) target_semaphore(%arg11 : memref<!tpu.dma_semaphore, #tpu.memory_space<semaphore_mem>>)
      %dma_start3A_851 = arith.constant 7 : i32
      %dma_start3A_852 = arith.constant 7168 : i32
      %dma_start3A_853 = tpu.memref_slice %arg8[%dma_start3A_852] : memref<8192xf32, #tpu.memory_space<vmem>> -> memref<1024xf32, #tpu.memory_space<vmem>>
      %dma_start3A_854 = arith.constant 0 : i32
      %dma_start3A_855 = tpu.memref_slice %arg4[%select_n3A_739, %dma_start3A_851, %add3A_749, %dma_start3A_854] : memref<20x8x128x1024xf32, #tpu.memory_space<hbm>> -> memref<1x1x1x1024xf32, #tpu.memory_space<hbm>>
      %dma_start3A_856 = tpu.memref_squeeze %dma_start3A_855 : memref<1x1x1x1024xf32, #tpu.memory_space<hbm>> -> memref<1024xf32, #tpu.memory_space<hbm>>
      %dma_start3A_857 = arith.constant 0 : i32
      %dma_start3A_858 = tpu.memref_slice %arg4[%select_n3A_739, %dma_start3A_851, %add3A_749, %dma_start3A_857] : memref<20x8x128x1024xf32, #tpu.memory_space<hbm>> -> memref<1x1x1x1024xf32, #tpu.memory_space<hbm>>
      %dma_start3A_859 = tpu.memref_squeeze %dma_start3A_858 : memref<1x1x1x1024xf32, #tpu.memory_space<hbm>> -> memref<1024xf32, #tpu.memory_space<hbm>>
      %dma_start3A_860 = arith.constant 7168 : i32
      %dma_start3A_861 = tpu.memref_slice %arg8[%dma_start3A_860] : memref<8192xf32, #tpu.memory_space<vmem>> -> memref<1024xf32, #tpu.memory_space<vmem>>
      tpu.enqueue_dma source(%dma_start3A_861 : memref<1024xf32, #tpu.memory_space<vmem>>) target(%dma_start3A_859 : memref<1024xf32, #tpu.memory_space<hbm>>) target_semaphore(%arg11 : memref<!tpu.dma_semaphore, #tpu.memory_space<semaphore_mem>>)
    }
    %scan3A_341 = arith.constant 40 : i32
    %add3A_342 = arith.constant 0 : i32
    %add3A_343 = arith.addi %select_n3A, %add3A_342 : i32
    %add3A_344 = arith.constant 0 : i32
    %add3A_345 = arith.addi %select_n3A, %add3A_344 : i32
    %add3A_346 = arith.constant 0 : i32
    %add3A_347 = arith.addi %select_n3A, %add3A_346 : i32
    %add3A_348 = arith.constant 0 : i32
    %add3A_349 = arith.addi %select_n3A, %add3A_348 : i32
    %add3A_350 = arith.constant 0 : i32
    %add3A_351 = arith.addi %select_n3A, %add3A_350 : i32
    %add3A_352 = arith.constant 0 : i32
    %add3A_353 = arith.addi %select_n3A, %add3A_352 : i32
    %add3A_354 = arith.constant 0 : i32
    %add3A_355 = arith.addi %select_n3A, %add3A_354 : i32
    %add3A_356 = arith.constant 0 : i32
    %add3A_357 = arith.addi %select_n3A, %add3A_356 : i32
    %dma_wait3A_358 = arith.constant 19 : i32
    %dma_wait3A_359 = arith.constant 0 : i32
    %dma_wait3A_360 = arith.constant 0 : i32
    %dma_wait3A_361 = tpu.memref_slice %arg7[%dma_wait3A_360] : memref<8192xf32, #tpu.memory_space<vmem>> -> memref<1024xf32, #tpu.memory_space<vmem>>
    %dma_wait3A_362 = arith.constant 0 : i32
    %dma_wait3A_363 = tpu.memref_slice %arg4[%dma_wait3A_358, %dma_wait3A_359, %add3A_343, %dma_wait3A_362] : memref<20x8x128x1024xf32, #tpu.memory_space<hbm>> -> memref<1x1x1x1024xf32, #tpu.memory_space<hbm>>
    %dma_wait3A_364 = tpu.memref_squeeze %dma_wait3A_363 : memref<1x1x1x1024xf32, #tpu.memory_space<hbm>> -> memref<1024xf32, #tpu.memory_space<hbm>>
    %dma_wait3A_365 = arith.constant 0 : i32
    %dma_wait3A_366 = tpu.memref_slice %arg4[%dma_wait3A_358, %dma_wait3A_359, %add3A_343, %dma_wait3A_365] : memref<20x8x128x1024xf32, #tpu.memory_space<hbm>> -> memref<1x1x1x1024xf32, #tpu.memory_space<hbm>>
    %dma_wait3A_367 = tpu.memref_squeeze %dma_wait3A_366 : memref<1x1x1x1024xf32, #tpu.memory_space<hbm>> -> memref<1024xf32, #tpu.memory_space<hbm>>
    %dma_wait3A_368 = arith.constant 0 : i32
    %dma_wait3A_369 = tpu.memref_slice %arg7[%dma_wait3A_368] : memref<8192xf32, #tpu.memory_space<vmem>> -> memref<1024xf32, #tpu.memory_space<vmem>>
    tpu.wait_dma2 semaphore(%arg10 : memref<!tpu.dma_semaphore, #tpu.memory_space<semaphore_mem>>) src(%dma_wait3A_369 : memref<1024xf32, #tpu.memory_space<vmem>>) dst(%dma_wait3A_367 : memref<1024xf32, #tpu.memory_space<hbm>>)
    %dma_wait3A_370 = arith.constant 19 : i32
    %dma_wait3A_371 = arith.constant 1 : i32
    %dma_wait3A_372 = arith.constant 1024 : i32
    %dma_wait3A_373 = tpu.memref_slice %arg7[%dma_wait3A_372] : memref<8192xf32, #tpu.memory_space<vmem>> -> memref<1024xf32, #tpu.memory_space<vmem>>
    %dma_wait3A_374 = arith.constant 0 : i32
    %dma_wait3A_375 = tpu.memref_slice %arg4[%dma_wait3A_370, %dma_wait3A_371, %add3A_345, %dma_wait3A_374] : memref<20x8x128x1024xf32, #tpu.memory_space<hbm>> -> memref<1x1x1x1024xf32, #tpu.memory_space<hbm>>
    %dma_wait3A_376 = tpu.memref_squeeze %dma_wait3A_375 : memref<1x1x1x1024xf32, #tpu.memory_space<hbm>> -> memref<1024xf32, #tpu.memory_space<hbm>>
    %dma_wait3A_377 = arith.constant 0 : i32
    %dma_wait3A_378 = tpu.memref_slice %arg4[%dma_wait3A_370, %dma_wait3A_371, %add3A_345, %dma_wait3A_377] : memref<20x8x128x1024xf32, #tpu.memory_space<hbm>> -> memref<1x1x1x1024xf32, #tpu.memory_space<hbm>>
    %dma_wait3A_379 = tpu.memref_squeeze %dma_wait3A_378 : memref<1x1x1x1024xf32, #tpu.memory_space<hbm>> -> memref<1024xf32, #tpu.memory_space<hbm>>
    %dma_wait3A_380 = arith.constant 1024 : i32
    %dma_wait3A_381 = tpu.memref_slice %arg7[%dma_wait3A_380] : memref<8192xf32, #tpu.memory_space<vmem>> -> memref<1024xf32, #tpu.memory_space<vmem>>
    tpu.wait_dma2 semaphore(%arg10 : memref<!tpu.dma_semaphore, #tpu.memory_space<semaphore_mem>>) src(%dma_wait3A_381 : memref<1024xf32, #tpu.memory_space<vmem>>) dst(%dma_wait3A_379 : memref<1024xf32, #tpu.memory_space<hbm>>)
    %dma_wait3A_382 = arith.constant 19 : i32
    %dma_wait3A_383 = arith.constant 2 : i32
    %dma_wait3A_384 = arith.constant 2048 : i32
    %dma_wait3A_385 = tpu.memref_slice %arg7[%dma_wait3A_384] : memref<8192xf32, #tpu.memory_space<vmem>> -> memref<1024xf32, #tpu.memory_space<vmem>>
    %dma_wait3A_386 = arith.constant 0 : i32
    %dma_wait3A_387 = tpu.memref_slice %arg4[%dma_wait3A_382, %dma_wait3A_383, %add3A_347, %dma_wait3A_386] : memref<20x8x128x1024xf32, #tpu.memory_space<hbm>> -> memref<1x1x1x1024xf32, #tpu.memory_space<hbm>>
    %dma_wait3A_388 = tpu.memref_squeeze %dma_wait3A_387 : memref<1x1x1x1024xf32, #tpu.memory_space<hbm>> -> memref<1024xf32, #tpu.memory_space<hbm>>
    %dma_wait3A_389 = arith.constant 0 : i32
    %dma_wait3A_390 = tpu.memref_slice %arg4[%dma_wait3A_382, %dma_wait3A_383, %add3A_347, %dma_wait3A_389] : memref<20x8x128x1024xf32, #tpu.memory_space<hbm>> -> memref<1x1x1x1024xf32, #tpu.memory_space<hbm>>
    %dma_wait3A_391 = tpu.memref_squeeze %dma_wait3A_390 : memref<1x1x1x1024xf32, #tpu.memory_space<hbm>> -> memref<1024xf32, #tpu.memory_space<hbm>>
    %dma_wait3A_392 = arith.constant 2048 : i32
    %dma_wait3A_393 = tpu.memref_slice %arg7[%dma_wait3A_392] : memref<8192xf32, #tpu.memory_space<vmem>> -> memref<1024xf32, #tpu.memory_space<vmem>>
    tpu.wait_dma2 semaphore(%arg10 : memref<!tpu.dma_semaphore, #tpu.memory_space<semaphore_mem>>) src(%dma_wait3A_393 : memref<1024xf32, #tpu.memory_space<vmem>>) dst(%dma_wait3A_391 : memref<1024xf32, #tpu.memory_space<hbm>>)
    %dma_wait3A_394 = arith.constant 19 : i32
    %dma_wait3A_395 = arith.constant 3 : i32
    %dma_wait3A_396 = arith.constant 3072 : i32
    %dma_wait3A_397 = tpu.memref_slice %arg7[%dma_wait3A_396] : memref<8192xf32, #tpu.memory_space<vmem>> -> memref<1024xf32, #tpu.memory_space<vmem>>
    %dma_wait3A_398 = arith.constant 0 : i32
    %dma_wait3A_399 = tpu.memref_slice %arg4[%dma_wait3A_394, %dma_wait3A_395, %add3A_349, %dma_wait3A_398] : memref<20x8x128x1024xf32, #tpu.memory_space<hbm>> -> memref<1x1x1x1024xf32, #tpu.memory_space<hbm>>
    %dma_wait3A_400 = tpu.memref_squeeze %dma_wait3A_399 : memref<1x1x1x1024xf32, #tpu.memory_space<hbm>> -> memref<1024xf32, #tpu.memory_space<hbm>>
    %dma_wait3A_401 = arith.constant 0 : i32
    %dma_wait3A_402 = tpu.memref_slice %arg4[%dma_wait3A_394, %dma_wait3A_395, %add3A_349, %dma_wait3A_401] : memref<20x8x128x1024xf32, #tpu.memory_space<hbm>> -> memref<1x1x1x1024xf32, #tpu.memory_space<hbm>>
    %dma_wait3A_403 = tpu.memref_squeeze %dma_wait3A_402 : memref<1x1x1x1024xf32, #tpu.memory_space<hbm>> -> memref<1024xf32, #tpu.memory_space<hbm>>
    %dma_wait3A_404 = arith.constant 3072 : i32
    %dma_wait3A_405 = tpu.memref_slice %arg7[%dma_wait3A_404] : memref<8192xf32, #tpu.memory_space<vmem>> -> memref<1024xf32, #tpu.memory_space<vmem>>
    tpu.wait_dma2 semaphore(%arg10 : memref<!tpu.dma_semaphore, #tpu.memory_space<semaphore_mem>>) src(%dma_wait3A_405 : memref<1024xf32, #tpu.memory_space<vmem>>) dst(%dma_wait3A_403 : memref<1024xf32, #tpu.memory_space<hbm>>)
    %dma_wait3A_406 = arith.constant 19 : i32
    %dma_wait3A_407 = arith.constant 4 : i32
    %dma_wait3A_408 = arith.constant 4096 : i32
    %dma_wait3A_409 = tpu.memref_slice %arg7[%dma_wait3A_408] : memref<8192xf32, #tpu.memory_space<vmem>> -> memref<1024xf32, #tpu.memory_space<vmem>>
    %dma_wait3A_410 = arith.constant 0 : i32
    %dma_wait3A_411 = tpu.memref_slice %arg4[%dma_wait3A_406, %dma_wait3A_407, %add3A_351, %dma_wait3A_410] : memref<20x8x128x1024xf32, #tpu.memory_space<hbm>> -> memref<1x1x1x1024xf32, #tpu.memory_space<hbm>>
    %dma_wait3A_412 = tpu.memref_squeeze %dma_wait3A_411 : memref<1x1x1x1024xf32, #tpu.memory_space<hbm>> -> memref<1024xf32, #tpu.memory_space<hbm>>
    %dma_wait3A_413 = arith.constant 0 : i32
    %dma_wait3A_414 = tpu.memref_slice %arg4[%dma_wait3A_406, %dma_wait3A_407, %add3A_351, %dma_wait3A_413] : memref<20x8x128x1024xf32, #tpu.memory_space<hbm>> -> memref<1x1x1x1024xf32, #tpu.memory_space<hbm>>
    %dma_wait3A_415 = tpu.memref_squeeze %dma_wait3A_414 : memref<1x1x1x1024xf32, #tpu.memory_space<hbm>> -> memref<1024xf32, #tpu.memory_space<hbm>>
    %dma_wait3A_416 = arith.constant 4096 : i32
    %dma_wait3A_417 = tpu.memref_slice %arg7[%dma_wait3A_416] : memref<8192xf32, #tpu.memory_space<vmem>> -> memref<1024xf32, #tpu.memory_space<vmem>>
    tpu.wait_dma2 semaphore(%arg10 : memref<!tpu.dma_semaphore, #tpu.memory_space<semaphore_mem>>) src(%dma_wait3A_417 : memref<1024xf32, #tpu.memory_space<vmem>>) dst(%dma_wait3A_415 : memref<1024xf32, #tpu.memory_space<hbm>>)
    %dma_wait3A_418 = arith.constant 19 : i32
    %dma_wait3A_419 = arith.constant 5 : i32
    %dma_wait3A_420 = arith.constant 5120 : i32
    %dma_wait3A_421 = tpu.memref_slice %arg7[%dma_wait3A_420] : memref<8192xf32, #tpu.memory_space<vmem>> -> memref<1024xf32, #tpu.memory_space<vmem>>
    %dma_wait3A_422 = arith.constant 0 : i32
    %dma_wait3A_423 = tpu.memref_slice %arg4[%dma_wait3A_418, %dma_wait3A_419, %add3A_353, %dma_wait3A_422] : memref<20x8x128x1024xf32, #tpu.memory_space<hbm>> -> memref<1x1x1x1024xf32, #tpu.memory_space<hbm>>
    %dma_wait3A_424 = tpu.memref_squeeze %dma_wait3A_423 : memref<1x1x1x1024xf32, #tpu.memory_space<hbm>> -> memref<1024xf32, #tpu.memory_space<hbm>>
    %dma_wait3A_425 = arith.constant 0 : i32
    %dma_wait3A_426 = tpu.memref_slice %arg4[%dma_wait3A_418, %dma_wait3A_419, %add3A_353, %dma_wait3A_425] : memref<20x8x128x1024xf32, #tpu.memory_space<hbm>> -> memref<1x1x1x1024xf32, #tpu.memory_space<hbm>>
    %dma_wait3A_427 = tpu.memref_squeeze %dma_wait3A_426 : memref<1x1x1x1024xf32, #tpu.memory_space<hbm>> -> memref<1024xf32, #tpu.memory_space<hbm>>
    %dma_wait3A_428 = arith.constant 5120 : i32
    %dma_wait3A_429 = tpu.memref_slice %arg7[%dma_wait3A_428] : memref<8192xf32, #tpu.memory_space<vmem>> -> memref<1024xf32, #tpu.memory_space<vmem>>
    tpu.wait_dma2 semaphore(%arg10 : memref<!tpu.dma_semaphore, #tpu.memory_space<semaphore_mem>>) src(%dma_wait3A_429 : memref<1024xf32, #tpu.memory_space<vmem>>) dst(%dma_wait3A_427 : memref<1024xf32, #tpu.memory_space<hbm>>)
    %dma_wait3A_430 = arith.constant 19 : i32
    %dma_wait3A_431 = arith.constant 6 : i32
    %dma_wait3A_432 = arith.constant 6144 : i32
    %dma_wait3A_433 = tpu.memref_slice %arg7[%dma_wait3A_432] : memref<8192xf32, #tpu.memory_space<vmem>> -> memref<1024xf32, #tpu.memory_space<vmem>>
    %dma_wait3A_434 = arith.constant 0 : i32
    %dma_wait3A_435 = tpu.memref_slice %arg4[%dma_wait3A_430, %dma_wait3A_431, %add3A_355, %dma_wait3A_434] : memref<20x8x128x1024xf32, #tpu.memory_space<hbm>> -> memref<1x1x1x1024xf32, #tpu.memory_space<hbm>>
    %dma_wait3A_436 = tpu.memref_squeeze %dma_wait3A_435 : memref<1x1x1x1024xf32, #tpu.memory_space<hbm>> -> memref<1024xf32, #tpu.memory_space<hbm>>
    %dma_wait3A_437 = arith.constant 0 : i32
    %dma_wait3A_438 = tpu.memref_slice %arg4[%dma_wait3A_430, %dma_wait3A_431, %add3A_355, %dma_wait3A_437] : memref<20x8x128x1024xf32, #tpu.memory_space<hbm>> -> memref<1x1x1x1024xf32, #tpu.memory_space<hbm>>
    %dma_wait3A_439 = tpu.memref_squeeze %dma_wait3A_438 : memref<1x1x1x1024xf32, #tpu.memory_space<hbm>> -> memref<1024xf32, #tpu.memory_space<hbm>>
    %dma_wait3A_440 = arith.constant 6144 : i32
    %dma_wait3A_441 = tpu.memref_slice %arg7[%dma_wait3A_440] : memref<8192xf32, #tpu.memory_space<vmem>> -> memref<1024xf32, #tpu.memory_space<vmem>>
    tpu.wait_dma2 semaphore(%arg10 : memref<!tpu.dma_semaphore, #tpu.memory_space<semaphore_mem>>) src(%dma_wait3A_441 : memref<1024xf32, #tpu.memory_space<vmem>>) dst(%dma_wait3A_439 : memref<1024xf32, #tpu.memory_space<hbm>>)
    %dma_wait3A_442 = arith.constant 19 : i32
    %dma_wait3A_443 = arith.constant 7 : i32
    %dma_wait3A_444 = arith.constant 7168 : i32
    %dma_wait3A_445 = tpu.memref_slice %arg7[%dma_wait3A_444] : memref<8192xf32, #tpu.memory_space<vmem>> -> memref<1024xf32, #tpu.memory_space<vmem>>
    %dma_wait3A_446 = arith.constant 0 : i32
    %dma_wait3A_447 = tpu.memref_slice %arg4[%dma_wait3A_442, %dma_wait3A_443, %add3A_357, %dma_wait3A_446] : memref<20x8x128x1024xf32, #tpu.memory_space<hbm>> -> memref<1x1x1x1024xf32, #tpu.memory_space<hbm>>
    %dma_wait3A_448 = tpu.memref_squeeze %dma_wait3A_447 : memref<1x1x1x1024xf32, #tpu.memory_space<hbm>> -> memref<1024xf32, #tpu.memory_space<hbm>>
    %dma_wait3A_449 = arith.constant 0 : i32
    %dma_wait3A_450 = tpu.memref_slice %arg4[%dma_wait3A_442, %dma_wait3A_443, %add3A_357, %dma_wait3A_449] : memref<20x8x128x1024xf32, #tpu.memory_space<hbm>> -> memref<1x1x1x1024xf32, #tpu.memory_space<hbm>>
    %dma_wait3A_451 = tpu.memref_squeeze %dma_wait3A_450 : memref<1x1x1x1024xf32, #tpu.memory_space<hbm>> -> memref<1024xf32, #tpu.memory_space<hbm>>
    %dma_wait3A_452 = arith.constant 7168 : i32
    %dma_wait3A_453 = tpu.memref_slice %arg7[%dma_wait3A_452] : memref<8192xf32, #tpu.memory_space<vmem>> -> memref<1024xf32, #tpu.memory_space<vmem>>
    tpu.wait_dma2 semaphore(%arg10 : memref<!tpu.dma_semaphore, #tpu.memory_space<semaphore_mem>>) src(%dma_wait3A_453 : memref<1024xf32, #tpu.memory_space<vmem>>) dst(%dma_wait3A_451 : memref<1024xf32, #tpu.memory_space<hbm>>)
    %add3A_454 = arith.constant 0 : i32
    %add3A_455 = arith.addi %select_n3A, %add3A_454 : i32
    %add3A_456 = arith.constant 0 : i32
    %add3A_457 = arith.addi %select_n3A, %add3A_456 : i32
    %add3A_458 = arith.constant 0 : i32
    %add3A_459 = arith.addi %select_n3A, %add3A_458 : i32
    %add3A_460 = arith.constant 0 : i32
    %add3A_461 = arith.addi %select_n3A, %add3A_460 : i32
    %add3A_462 = arith.constant 0 : i32
    %add3A_463 = arith.addi %select_n3A, %add3A_462 : i32
    %add3A_464 = arith.constant 0 : i32
    %add3A_465 = arith.addi %select_n3A, %add3A_464 : i32
    %add3A_466 = arith.constant 0 : i32
    %add3A_467 = arith.addi %select_n3A, %add3A_466 : i32
    %add3A_468 = arith.constant 0 : i32
    %add3A_469 = arith.addi %select_n3A, %add3A_468 : i32
    %dma_wait3A_470 = arith.constant 19 : i32
    %dma_wait3A_471 = arith.constant 0 : i32
    %dma_wait3A_472 = arith.constant 0 : i32
    %dma_wait3A_473 = tpu.memref_slice %arg8[%dma_wait3A_472] : memref<8192xf32, #tpu.memory_space<vmem>> -> memref<1024xf32, #tpu.memory_space<vmem>>
    %dma_wait3A_474 = arith.constant 0 : i32
    %dma_wait3A_475 = tpu.memref_slice %arg4[%dma_wait3A_470, %dma_wait3A_471, %add3A_455, %dma_wait3A_474] : memref<20x8x128x1024xf32, #tpu.memory_space<hbm>> -> memref<1x1x1x1024xf32, #tpu.memory_space<hbm>>
    %dma_wait3A_476 = tpu.memref_squeeze %dma_wait3A_475 : memref<1x1x1x1024xf32, #tpu.memory_space<hbm>> -> memref<1024xf32, #tpu.memory_space<hbm>>
    %dma_wait3A_477 = arith.constant 0 : i32
    %dma_wait3A_478 = tpu.memref_slice %arg4[%dma_wait3A_470, %dma_wait3A_471, %add3A_455, %dma_wait3A_477] : memref<20x8x128x1024xf32, #tpu.memory_space<hbm>> -> memref<1x1x1x1024xf32, #tpu.memory_space<hbm>>
    %dma_wait3A_479 = tpu.memref_squeeze %dma_wait3A_478 : memref<1x1x1x1024xf32, #tpu.memory_space<hbm>> -> memref<1024xf32, #tpu.memory_space<hbm>>
    %dma_wait3A_480 = arith.constant 0 : i32
    %dma_wait3A_481 = tpu.memref_slice %arg8[%dma_wait3A_480] : memref<8192xf32, #tpu.memory_space<vmem>> -> memref<1024xf32, #tpu.memory_space<vmem>>
    tpu.wait_dma2 semaphore(%arg11 : memref<!tpu.dma_semaphore, #tpu.memory_space<semaphore_mem>>) src(%dma_wait3A_481 : memref<1024xf32, #tpu.memory_space<vmem>>) dst(%dma_wait3A_479 : memref<1024xf32, #tpu.memory_space<hbm>>)
    %dma_wait3A_482 = arith.constant 19 : i32
    %dma_wait3A_483 = arith.constant 1 : i32
    %dma_wait3A_484 = arith.constant 1024 : i32
    %dma_wait3A_485 = tpu.memref_slice %arg8[%dma_wait3A_484] : memref<8192xf32, #tpu.memory_space<vmem>> -> memref<1024xf32, #tpu.memory_space<vmem>>
    %dma_wait3A_486 = arith.constant 0 : i32
    %dma_wait3A_487 = tpu.memref_slice %arg4[%dma_wait3A_482, %dma_wait3A_483, %add3A_457, %dma_wait3A_486] : memref<20x8x128x1024xf32, #tpu.memory_space<hbm>> -> memref<1x1x1x1024xf32, #tpu.memory_space<hbm>>
    %dma_wait3A_488 = tpu.memref_squeeze %dma_wait3A_487 : memref<1x1x1x1024xf32, #tpu.memory_space<hbm>> -> memref<1024xf32, #tpu.memory_space<hbm>>
    %dma_wait3A_489 = arith.constant 0 : i32
    %dma_wait3A_490 = tpu.memref_slice %arg4[%dma_wait3A_482, %dma_wait3A_483, %add3A_457, %dma_wait3A_489] : memref<20x8x128x1024xf32, #tpu.memory_space<hbm>> -> memref<1x1x1x1024xf32, #tpu.memory_space<hbm>>
    %dma_wait3A_491 = tpu.memref_squeeze %dma_wait3A_490 : memref<1x1x1x1024xf32, #tpu.memory_space<hbm>> -> memref<1024xf32, #tpu.memory_space<hbm>>
    %dma_wait3A_492 = arith.constant 1024 : i32
    %dma_wait3A_493 = tpu.memref_slice %arg8[%dma_wait3A_492] : memref<8192xf32, #tpu.memory_space<vmem>> -> memref<1024xf32, #tpu.memory_space<vmem>>
    tpu.wait_dma2 semaphore(%arg11 : memref<!tpu.dma_semaphore, #tpu.memory_space<semaphore_mem>>) src(%dma_wait3A_493 : memref<1024xf32, #tpu.memory_space<vmem>>) dst(%dma_wait3A_491 : memref<1024xf32, #tpu.memory_space<hbm>>)
    %dma_wait3A_494 = arith.constant 19 : i32
    %dma_wait3A_495 = arith.constant 2 : i32
    %dma_wait3A_496 = arith.constant 2048 : i32
    %dma_wait3A_497 = tpu.memref_slice %arg8[%dma_wait3A_496] : memref<8192xf32, #tpu.memory_space<vmem>> -> memref<1024xf32, #tpu.memory_space<vmem>>
    %dma_wait3A_498 = arith.constant 0 : i32
    %dma_wait3A_499 = tpu.memref_slice %arg4[%dma_wait3A_494, %dma_wait3A_495, %add3A_459, %dma_wait3A_498] : memref<20x8x128x1024xf32, #tpu.memory_space<hbm>> -> memref<1x1x1x1024xf32, #tpu.memory_space<hbm>>
    %dma_wait3A_500 = tpu.memref_squeeze %dma_wait3A_499 : memref<1x1x1x1024xf32, #tpu.memory_space<hbm>> -> memref<1024xf32, #tpu.memory_space<hbm>>
    %dma_wait3A_501 = arith.constant 0 : i32
    %dma_wait3A_502 = tpu.memref_slice %arg4[%dma_wait3A_494, %dma_wait3A_495, %add3A_459, %dma_wait3A_501] : memref<20x8x128x1024xf32, #tpu.memory_space<hbm>> -> memref<1x1x1x1024xf32, #tpu.memory_space<hbm>>
    %dma_wait3A_503 = tpu.memref_squeeze %dma_wait3A_502 : memref<1x1x1x1024xf32, #tpu.memory_space<hbm>> -> memref<1024xf32, #tpu.memory_space<hbm>>
    %dma_wait3A_504 = arith.constant 2048 : i32
    %dma_wait3A_505 = tpu.memref_slice %arg8[%dma_wait3A_504] : memref<8192xf32, #tpu.memory_space<vmem>> -> memref<1024xf32, #tpu.memory_space<vmem>>
    tpu.wait_dma2 semaphore(%arg11 : memref<!tpu.dma_semaphore, #tpu.memory_space<semaphore_mem>>) src(%dma_wait3A_505 : memref<1024xf32, #tpu.memory_space<vmem>>) dst(%dma_wait3A_503 : memref<1024xf32, #tpu.memory_space<hbm>>)
    %dma_wait3A_506 = arith.constant 19 : i32
    %dma_wait3A_507 = arith.constant 3 : i32
    %dma_wait3A_508 = arith.constant 3072 : i32
    %dma_wait3A_509 = tpu.memref_slice %arg8[%dma_wait3A_508] : memref<8192xf32, #tpu.memory_space<vmem>> -> memref<1024xf32, #tpu.memory_space<vmem>>
    %dma_wait3A_510 = arith.constant 0 : i32
    %dma_wait3A_511 = tpu.memref_slice %arg4[%dma_wait3A_506, %dma_wait3A_507, %add3A_461, %dma_wait3A_510] : memref<20x8x128x1024xf32, #tpu.memory_space<hbm>> -> memref<1x1x1x1024xf32, #tpu.memory_space<hbm>>
    %dma_wait3A_512 = tpu.memref_squeeze %dma_wait3A_511 : memref<1x1x1x1024xf32, #tpu.memory_space<hbm>> -> memref<1024xf32, #tpu.memory_space<hbm>>
    %dma_wait3A_513 = arith.constant 0 : i32
    %dma_wait3A_514 = tpu.memref_slice %arg4[%dma_wait3A_506, %dma_wait3A_507, %add3A_461, %dma_wait3A_513] : memref<20x8x128x1024xf32, #tpu.memory_space<hbm>> -> memref<1x1x1x1024xf32, #tpu.memory_space<hbm>>
    %dma_wait3A_515 = tpu.memref_squeeze %dma_wait3A_514 : memref<1x1x1x1024xf32, #tpu.memory_space<hbm>> -> memref<1024xf32, #tpu.memory_space<hbm>>
    %dma_wait3A_516 = arith.constant 3072 : i32
    %dma_wait3A_517 = tpu.memref_slice %arg8[%dma_wait3A_516] : memref<8192xf32, #tpu.memory_space<vmem>> -> memref<1024xf32, #tpu.memory_space<vmem>>
    tpu.wait_dma2 semaphore(%arg11 : memref<!tpu.dma_semaphore, #tpu.memory_space<semaphore_mem>>) src(%dma_wait3A_517 : memref<1024xf32, #tpu.memory_space<vmem>>) dst(%dma_wait3A_515 : memref<1024xf32, #tpu.memory_space<hbm>>)
    %dma_wait3A_518 = arith.constant 19 : i32
    %dma_wait3A_519 = arith.constant 4 : i32
    %dma_wait3A_520 = arith.constant 4096 : i32
    %dma_wait3A_521 = tpu.memref_slice %arg8[%dma_wait3A_520] : memref<8192xf32, #tpu.memory_space<vmem>> -> memref<1024xf32, #tpu.memory_space<vmem>>
    %dma_wait3A_522 = arith.constant 0 : i32
    %dma_wait3A_523 = tpu.memref_slice %arg4[%dma_wait3A_518, %dma_wait3A_519, %add3A_463, %dma_wait3A_522] : memref<20x8x128x1024xf32, #tpu.memory_space<hbm>> -> memref<1x1x1x1024xf32, #tpu.memory_space<hbm>>
    %dma_wait3A_524 = tpu.memref_squeeze %dma_wait3A_523 : memref<1x1x1x1024xf32, #tpu.memory_space<hbm>> -> memref<1024xf32, #tpu.memory_space<hbm>>
    %dma_wait3A_525 = arith.constant 0 : i32
    %dma_wait3A_526 = tpu.memref_slice %arg4[%dma_wait3A_518, %dma_wait3A_519, %add3A_463, %dma_wait3A_525] : memref<20x8x128x1024xf32, #tpu.memory_space<hbm>> -> memref<1x1x1x1024xf32, #tpu.memory_space<hbm>>
    %dma_wait3A_527 = tpu.memref_squeeze %dma_wait3A_526 : memref<1x1x1x1024xf32, #tpu.memory_space<hbm>> -> memref<1024xf32, #tpu.memory_space<hbm>>
    %dma_wait3A_528 = arith.constant 4096 : i32
    %dma_wait3A_529 = tpu.memref_slice %arg8[%dma_wait3A_528] : memref<8192xf32, #tpu.memory_space<vmem>> -> memref<1024xf32, #tpu.memory_space<vmem>>
    tpu.wait_dma2 semaphore(%arg11 : memref<!tpu.dma_semaphore, #tpu.memory_space<semaphore_mem>>) src(%dma_wait3A_529 : memref<1024xf32, #tpu.memory_space<vmem>>) dst(%dma_wait3A_527 : memref<1024xf32, #tpu.memory_space<hbm>>)
    %dma_wait3A_530 = arith.constant 19 : i32
    %dma_wait3A_531 = arith.constant 5 : i32
    %dma_wait3A_532 = arith.constant 5120 : i32
    %dma_wait3A_533 = tpu.memref_slice %arg8[%dma_wait3A_532] : memref<8192xf32, #tpu.memory_space<vmem>> -> memref<1024xf32, #tpu.memory_space<vmem>>
    %dma_wait3A_534 = arith.constant 0 : i32
    %dma_wait3A_535 = tpu.memref_slice %arg4[%dma_wait3A_530, %dma_wait3A_531, %add3A_465, %dma_wait3A_534] : memref<20x8x128x1024xf32, #tpu.memory_space<hbm>> -> memref<1x1x1x1024xf32, #tpu.memory_space<hbm>>
    %dma_wait3A_536 = tpu.memref_squeeze %dma_wait3A_535 : memref<1x1x1x1024xf32, #tpu.memory_space<hbm>> -> memref<1024xf32, #tpu.memory_space<hbm>>
    %dma_wait3A_537 = arith.constant 0 : i32
    %dma_wait3A_538 = tpu.memref_slice %arg4[%dma_wait3A_530, %dma_wait3A_531, %add3A_465, %dma_wait3A_537] : memref<20x8x128x1024xf32, #tpu.memory_space<hbm>> -> memref<1x1x1x1024xf32, #tpu.memory_space<hbm>>
    %dma_wait3A_539 = tpu.memref_squeeze %dma_wait3A_538 : memref<1x1x1x1024xf32, #tpu.memory_space<hbm>> -> memref<1024xf32, #tpu.memory_space<hbm>>
    %dma_wait3A_540 = arith.constant 5120 : i32
    %dma_wait3A_541 = tpu.memref_slice %arg8[%dma_wait3A_540] : memref<8192xf32, #tpu.memory_space<vmem>> -> memref<1024xf32, #tpu.memory_space<vmem>>
    tpu.wait_dma2 semaphore(%arg11 : memref<!tpu.dma_semaphore, #tpu.memory_space<semaphore_mem>>) src(%dma_wait3A_541 : memref<1024xf32, #tpu.memory_space<vmem>>) dst(%dma_wait3A_539 : memref<1024xf32, #tpu.memory_space<hbm>>)
    %dma_wait3A_542 = arith.constant 19 : i32
    %dma_wait3A_543 = arith.constant 6 : i32
    %dma_wait3A_544 = arith.constant 6144 : i32
    %dma_wait3A_545 = tpu.memref_slice %arg8[%dma_wait3A_544] : memref<8192xf32, #tpu.memory_space<vmem>> -> memref<1024xf32, #tpu.memory_space<vmem>>
    %dma_wait3A_546 = arith.constant 0 : i32
    %dma_wait3A_547 = tpu.memref_slice %arg4[%dma_wait3A_542, %dma_wait3A_543, %add3A_467, %dma_wait3A_546] : memref<20x8x128x1024xf32, #tpu.memory_space<hbm>> -> memref<1x1x1x1024xf32, #tpu.memory_space<hbm>>
    %dma_wait3A_548 = tpu.memref_squeeze %dma_wait3A_547 : memref<1x1x1x1024xf32, #tpu.memory_space<hbm>> -> memref<1024xf32, #tpu.memory_space<hbm>>
    %dma_wait3A_549 = arith.constant 0 : i32
    %dma_wait3A_550 = tpu.memref_slice %arg4[%dma_wait3A_542, %dma_wait3A_543, %add3A_467, %dma_wait3A_549] : memref<20x8x128x1024xf32, #tpu.memory_space<hbm>> -> memref<1x1x1x1024xf32, #tpu.memory_space<hbm>>
    %dma_wait3A_551 = tpu.memref_squeeze %dma_wait3A_550 : memref<1x1x1x1024xf32, #tpu.memory_space<hbm>> -> memref<1024xf32, #tpu.memory_space<hbm>>
    %dma_wait3A_552 = arith.constant 6144 : i32
    %dma_wait3A_553 = tpu.memref_slice %arg8[%dma_wait3A_552] : memref<8192xf32, #tpu.memory_space<vmem>> -> memref<1024xf32, #tpu.memory_space<vmem>>
    tpu.wait_dma2 semaphore(%arg11 : memref<!tpu.dma_semaphore, #tpu.memory_space<semaphore_mem>>) src(%dma_wait3A_553 : memref<1024xf32, #tpu.memory_space<vmem>>) dst(%dma_wait3A_551 : memref<1024xf32, #tpu.memory_space<hbm>>)
    %dma_wait3A_554 = arith.constant 19 : i32
    %dma_wait3A_555 = arith.constant 7 : i32
    %dma_wait3A_556 = arith.constant 7168 : i32
    %dma_wait3A_557 = tpu.memref_slice %arg8[%dma_wait3A_556] : memref<8192xf32, #tpu.memory_space<vmem>> -> memref<1024xf32, #tpu.memory_space<vmem>>
    %dma_wait3A_558 = arith.constant 0 : i32
    %dma_wait3A_559 = tpu.memref_slice %arg4[%dma_wait3A_554, %dma_wait3A_555, %add3A_469, %dma_wait3A_558] : memref<20x8x128x1024xf32, #tpu.memory_space<hbm>> -> memref<1x1x1x1024xf32, #tpu.memory_space<hbm>>
    %dma_wait3A_560 = tpu.memref_squeeze %dma_wait3A_559 : memref<1x1x1x1024xf32, #tpu.memory_space<hbm>> -> memref<1024xf32, #tpu.memory_space<hbm>>
    %dma_wait3A_561 = arith.constant 0 : i32
    %dma_wait3A_562 = tpu.memref_slice %arg4[%dma_wait3A_554, %dma_wait3A_555, %add3A_469, %dma_wait3A_561] : memref<20x8x128x1024xf32, #tpu.memory_space<hbm>> -> memref<1x1x1x1024xf32, #tpu.memory_space<hbm>>
    %dma_wait3A_563 = tpu.memref_squeeze %dma_wait3A_562 : memref<1x1x1x1024xf32, #tpu.memory_space<hbm>> -> memref<1024xf32, #tpu.memory_space<hbm>>
    %dma_wait3A_564 = arith.constant 7168 : i32
    %dma_wait3A_565 = tpu.memref_slice %arg8[%dma_wait3A_564] : memref<8192xf32, #tpu.memory_space<vmem>> -> memref<1024xf32, #tpu.memory_space<vmem>>
    tpu.wait_dma2 semaphore(%arg11 : memref<!tpu.dma_semaphore, #tpu.memory_space<semaphore_mem>>) src(%dma_wait3A_565 : memref<1024xf32, #tpu.memory_space<vmem>>) dst(%dma_wait3A_563 : memref<1024xf32, #tpu.memory_space<hbm>>)
    return
  }
}

module attributes {stable_mosaic.version = 14 : i64} {
  func.func @_mlp_body(%arg0: memref<1000x64xf32, #tpu.memory_space<vmem>>, %arg1: memref<64x64xf32, #tpu.memory_space<vmem>>, %arg2: memref<1x64xf32, #tpu.memory_space<vmem>>, %arg3: memref<64x64xf32, #tpu.memory_space<vmem>>, %arg4: memref<1x64xf32, #tpu.memory_space<vmem>>, %arg5: memref<1000x64xf32, #tpu.memory_space<vmem>>) attributes {dimension_semantics = [], scalar_prefetch = 0 : i64, scratch_operands = 0 : i64, tpu.core_type = #tpu.core_type<tc>} {
    %get3A = arith.constant 0 : index
    %get3A_0 = arith.constant 0 : index
    %get3A_1 = vector.load %arg0[%get3A, %get3A_0] : memref<1000x64xf32, #tpu.memory_space<vmem>>, vector<1000x64xf32>
    %get3A_2 = arith.constant 0 : index
    %get3A_3 = arith.constant 0 : index
    %get3A_4 = vector.load %arg1[%get3A_2, %get3A_3] : memref<64x64xf32, #tpu.memory_space<vmem>>, vector<64x64xf32>
    %dot_general3A = arith.constant dense<0.000000e+00> : vector<1000x64xf32>
    %dot_general3A_5 = tpu.matmul %get3A_1, %get3A_4, %dot_general3A {dimension_numbers = #tpu.dot_dimension_numbers<[1], [0], [0], [1], [0, 0, 1, 1], [], []>, transpose_lhs_hint = false} : vector<1000x64xf32>, vector<64x64xf32>, vector<1000x64xf32> -> vector<1000x64xf32>
    %get3A_6 = arith.constant 0 : index
    %get3A_7 = arith.constant 0 : index
    %get3A_8 = vector.load %arg2[%get3A_6, %get3A_7] : memref<1x64xf32, #tpu.memory_space<vmem>>, vector<1x64xf32>
    %add3A = vector.broadcast %get3A_8 : vector<1x64xf32> to vector<1000x64xf32>
    %add3A_9 = arith.addf %dot_general3A_5, %add3A : vector<1000x64xf32>
    %max3A = arith.constant 0.000000e+00 : f32
    %max3A_10 = vector.broadcast %max3A : f32 to vector<1000x64xf32>
    %max3A_11 = arith.maximumf %add3A_9, %max3A_10 : vector<1000x64xf32>
    %get3A_12 = arith.constant 0 : index
    %get3A_13 = arith.constant 0 : index
    %get3A_14 = vector.load %arg3[%get3A_12, %get3A_13] : memref<64x64xf32, #tpu.memory_space<vmem>>, vector<64x64xf32>
    %dot_general3A_15 = arith.constant dense<0.000000e+00> : vector<1000x64xf32>
    %dot_general3A_16 = tpu.matmul %max3A_11, %get3A_14, %dot_general3A_15 {dimension_numbers = #tpu.dot_dimension_numbers<[1], [0], [0], [1], [0, 0, 1, 1], [], []>, transpose_lhs_hint = false} : vector<1000x64xf32>, vector<64x64xf32>, vector<1000x64xf32> -> vector<1000x64xf32>
    %get3A_17 = arith.constant 0 : index
    %get3A_18 = arith.constant 0 : index
    %get3A_19 = vector.load %arg4[%get3A_17, %get3A_18] : memref<1x64xf32, #tpu.memory_space<vmem>>, vector<1x64xf32>
    %add3A_20 = vector.broadcast %get3A_19 : vector<1x64xf32> to vector<1000x64xf32>
    %add3A_21 = arith.addf %dot_general3A_16, %add3A_20 : vector<1000x64xf32>
    %swap3A = arith.constant 0 : index
    %swap3A_22 = arith.constant 0 : index
    %swap3A_23 = vector.load %arg5[%swap3A, %swap3A_22] : memref<1000x64xf32, #tpu.memory_space<vmem>>, vector<1000x64xf32>
    tpu.vector_store %arg5[%swap3A, %swap3A_22], %add3A_21 {strides = array<i32>} : memref<1000x64xf32, #tpu.memory_space<vmem>>, vector<1000x64xf32>,
    return
  }
}

</mosaic_0001>

<sc_bundles>
// kernel: kernel.4.cloned.1.call-start
scs
__scs_entry_jumppad:
0x0: {  	(pc) =	sbr.rel $0x88, $3  }
0x1: {  	(tag) =	ssettag $0x0;
	lr =	simm.s32 $0x1  }
0x2: {  	[smem:$0x3F9B] =	sst lr;
	_ =	strace $0xD0000000  }
0x3: {  	_ = 	snop  }
0x4: {  	_ = 	snop  }
0x5: {  	_ = 	snop  }
0x6: {  	_ = 	snop  }
0x7: {  	_ = 	snop  }
__scs_overlays_trampoline_lowered:
0x8: {  	[smem:$0x3FAA] =	sst s0  }
0x9: {  	[smem:$0x3FAB] =	sst s1  }
0xa: {  	[smem:$0x3FAC] =	sst s2  }
0xb: {  	[smem:$0x3FAD] =	sst s3  }
0xc: {  	[smem:$0x3FAE] =	sst s4  }
0xd: {  	[smem:$0x3FAF] =	sst s5  }
0xe: {  	[smem:$0x3FB0] =	sst s6  }
0xf: {  	[smem:$0x3FB1] =	sst s7  }
0x10: {  	[smem:$0x3FB2] =	sst s8  }
0x11: {  	[smem:$0x3FB3] =	sst s9;
	s0 =	simm.s32 @!p0 $0x0  }
0x12: {  	s1 =	sld [smem:$0x3F99];
	s0 =	simm.s32 @p0 $0x1  }
0x13: {  	[smem:$0x3FB4] =	sst s0;
	s0 =	simm.s32 @!p1 $0x0  }
0x14: {  	s2 =	sld [smem:$0x3F98];
	s0 =	simm.s32 @p1 $0x1  }
0x15: {  	[smem:$0x3FB5] =	sst s0;
	s0 =	simm.s32 @!p2 $0x0  }
0x16: {  	s3 =	sld [smem:$0x3FDB];
	s0 =	simm.s32 @p2 $0x1  }
0x17: {  	s4 =	simm.s32 $0x1BF5;
	[smem:$0x3FB7] =	sst s0  }
0x18: {  	s0 =	sld [smem:$0x3F9A];
	_ =	swait.ge [sflag:s4], $0x0  }
0x19: {  	s7 =	sld [smem:$0x3F9B]  }
0x1a: {  	s8 =	sadd.s32 $0xFFFFE003, lr  }
0x1b: {  	s9 =	sadd.s32 $0xFFFFFEF7, lr;
	s5 =	simm.s32 $0xFFFFFFFF;
	p2 =	slt.u32 s8, $0xFFFFF086  }
0x1c: {  	p1 =	slt.u32 s9, $0xF7A;
	s5 =	simm.s32 @!p2 $0x0  }
0x1d: {  	s5 =	simm.s32 @p1 $0x1;
	p0 =	seq.s32 s7, s2  }
0x1e: {  	s7 =	smul.u32 @!p0 $0xF7A, s2;
	p2 =	seq.s32 @!p0 s5, $0x0  }
0x1f: {  	s9 =	smul.u32 $0xF7A, s1;
	s8 =	simm.s32 @!p0 $0x1BF5;
	p2 =	por !p2, p0  }
0x20: {  	[sflag:s8] =	ssyncset.s32 @!p0 $0xFFFFF086;
	s6 =	sadd.s32 @!p0 s3, s7;
	s7 =	simm.s32 @!p0 $0x108  }
0x21: {  	s3 =	sadd.s32 s3, s9;
	s6 =	sadd.s32 @!p0 $0x88, s6;
	s7 =	simm.s32 @p2 $0x1082  }
0x22: {  	[simem:s7], [sflag:s8] =	dma.local @!p0 [hbm:s6], $0xF7A  }
0x23: {  	s9 =	sor.u32 $0xD0000000, s2;
	s6 =	simm.s32 $0x108;
	_ =	swait.ge @!p0 [sflag:s8], $0x0  }
0x24: {  	s3 =	sadd.s32 $0x88, s3;
	s6 =	simm.s32 @!p1 $0x1082;
	[sflag:s4] =	ssyncset.s32 $0xFFFFF086  }
0x25: {  	[simem:s6], [sflag:s4] =	dma.local [hbm:s3], $0xF7A  }
0x26: {  	[smem:$0x3F9B] =	sst s1;
	(tag) =	ssettag s2;
	_ =	strace s9  }
0x27: {  	s1 =	sld [smem:$0x3FAB]  }
0x28: {  	s2 =	sld [smem:$0x3FAC]  }
0x29: {  	s4 =	sld [smem:$0x3FAE]  }
0x2a: {  	p0 =	seq.s32 s5, $0x0;
	s5 =	sld [smem:$0x3FAF]  }
0x2b: {  	s6 =	sld [smem:$0x3FB0]  }
0x2c: {  	s7 =	sld [smem:$0x3FB1]  }
0x2d: {  	s3 =	simm.s32 $0x108;
	s8 =	sld [smem:$0x3FB2]  }
0x2e: {  	s3 =	simm.s32 @!p0 $0x1082;
	s9 =	sld [smem:$0x3FB3]  }
0x2f: {  	lr =	sadd.s32 s0, s3;
	s0 =	sld [smem:$0x3FAA]  }
0x30: {  	s3 =	sld [smem:$0x3FAD]  }
0x31: {  	[smem:$0x3FB6] =	sst s10  }
0x32: {  	s10 =	sld [smem:$0x3FB4];
	_ =	sdelay $0x3  }
0x33: {  	p0 =	seq.s32 s10, $0x1;
	s10 =	sld [smem:$0x3FB6];
	_ =	sdelay $0x3  }
0x34: {  	[smem:$0x3FB6] =	sst s10  }
0x35: {  	s10 =	sld [smem:$0x3FB5];
	_ =	sdelay $0x3  }
0x36: {  	p1 =	seq.s32 s10, $0x1;
	s10 =	sld [smem:$0x3FB6];
	_ =	sdelay $0x3  }
0x37: {  	[smem:$0x3FB6] =	sst s10  }
0x38: {  	s10 =	sld [smem:$0x3FB7]  }
0x39: {  	_ = 	snop;
	(pc) =	sbr.ind lr, $3  }
0x3a: {  	_ = 	snop  }
0x3b: {  	_ = 	snop  }
0x3c: {  	p2 =	seq.s32 s10, $0x1;
	s10 =	sld [smem:$0x3FB6]  }
0x3d: {  	_ =	shalt  }
0x3e: {  	_ =	shalt  }
0x3f: {  	_ =	shalt  }
0x40: {  	_ =	shalt  }
0x41: {  	_ =	shalt  }
0x42: {  	_ =	shalt  }
0x43: {  	_ =	shalt  }
0x44: {  	_ =	shalt  }
0x45: {  	_ =	shalt  }
0x46: {  	_ =	shalt  }
0x47: {  	_ =	shalt  }
0x48: {  	_ =	shalt  }
0x49: {  	_ =	shalt  }
0x4a: {  	_ =	shalt  }
0x4b: {  	_ =	shalt  }
0x4c: {  	_ =	shalt  }
0x4d: {  	_ =	shalt  }
0x4e: {  	_ =	shalt  }
0x4f: {  	_ =	shalt  }
0x50: {  	_ =	shalt  }
0x51: {  	_ =	shalt  }
0x52: {  	_ =	shalt  }
0x53: {  	_ =	shalt  }
0x54: {  	_ =	shalt  }
0x55: {  	_ =	shalt  }
0x56: {  	_ =	shalt  }
0x57: {  	_ =	shalt  }
0x58: {  	_ =	shalt  }
0x59: {  	_ =	shalt  }
0x5a: {  	_ =	shalt  }
0x5b: {  	_ =	shalt  }
0x5c: {  	_ =	shalt  }
0x5d: {  	_ =	shalt  }
0x5e: {  	_ =	shalt  }
0x5f: {  	_ =	shalt  }
0x60: {  	_ =	shalt  }
0x61: {  	_ =	shalt  }
0x62: {  	_ =	shalt  }
0x63: {  	_ =	shalt  }
0x64: {  	_ =	shalt  }
0x65: {  	_ =	shalt  }
0x66: {  	_ =	shalt  }
0x67: {  	_ =	shalt  }
0x68: {  	_ =	shalt  }
0x69: {  	_ =	shalt  }
0x6a: {  	_ =	shalt  }
0x6b: {  	_ =	shalt  }
0x6c: {  	_ =	shalt  }
0x6d: {  	_ =	shalt  }
0x6e: {  	_ =	shalt  }
0x6f: {  	_ =	shalt  }
0x70: {  	_ =	shalt  }
0x71: {  	_ =	shalt  }
0x72: {  	_ =	shalt  }
0x73: {  	_ =	shalt  }
0x74: {  	_ =	shalt  }
0x75: {  	_ =	shalt  }
0x76: {  	_ =	shalt  }
0x77: {  	_ =	shalt  }
0x78: {  	_ =	shalt  }
0x79: {  	_ =	shalt  }
0x7a: {  	_ =	shalt  }
0x7b: {  	_ =	shalt  }
0x7c: {  	_ =	shalt  }
0x7d: {  	_ =	shalt  }
0x7e: {  	_ =	shalt  }
0x7f: {  	_ =	shalt  }
0x80: {  	_ =	shalt  }
0x81: {  	_ =	shalt  }
0x82: {  	_ =	shalt  }
0x83: {  	_ =	shalt  }
0x84: {  	_ =	shalt  }
0x85: {  	_ =	shalt  }
0x86: {  	_ =	shalt  }
0x87: {  	_ =	shalt  }
.Lfunc_end0:
.L_simem_size_0:
called_computation_lowered:
.L_overlay_start_0:
0x88: {  	s2 =	sld [smem:$0x3FD9]  }
0x89: {  	s3 =	sld [smem:$0x3FFE];
	_ =	sdelay $0x1  }
0x8a: {  	s1 =	srdreg.scid  }
0x8b: {  	s0 =	sand.u32 $0x1, s1  }
0x8c: {  	s17 =	sshll.u32 s0, $0xA;
	s2 =	sadd.s32 s3, s2  }
0x8d: {  	s2 =	sadd.s32 s2, s17  }
0x8e: {  	[smem:$0x3FC2] =	sst s2  }
0x8f: {  	_ = 	snop  }
0x90: {  	s2 =	sld [smem:$0x3FD0];
	(tm) =	ssettm $0x1  }
0x91: {  	s18 =	sld [smem:$0x3FFB];
	_ =	sdelay $0x3  }
0x92: {  	_ =	strace s18  }
0x93: {  	s3 =	sld [smem:$0x3FFC];
	_ =	sdelay $0x3  }
0x94: {  	_ =	strace s3  }
0x95: {  	s3 =	sld [smem:$0x3FFD];
	_ =	sdelay $0x3  }
0x96: {  	_ =	strace s3  }
0x97: {  	_ =	strace $0x8FFFFFFF  }
0x98: {  	s19 =	sld [smem:$0x3FDB];
	_ =	sdelay $0x1  }
0x99: {  	s4 =	simm.s32 $_scs_section_size  }
0x9a: {  	s5 =	simm.s32 $_size__tile_overlayer_lowered;
	s6 =	simm.s32 $_tile_overlayer_lowered  }
0x9b: {  	s22 =	simm.s32 $0x1BFF;
	s21 =	sshll.u32 s6, $0x1;
	s3 =	sadd.s32 s4, s19  }
0x9c: {  	s7 =	simm.s32 $0x0;
	s20 =	sshll.u32 s5, $0x1;
	s5 =	sadd.s32 s21, s3  }
0x9d: {  	[timem:s7], [sflag:s22] =	dma.local [hbm:s5], s20  }
0x9e: {  	_ =	swait.ge [sflag:s22], s20  }
0x9f: {  	s4 =	ssub.s32 $0x0, s20;
	[sflag:s22] =	ssyncset.done $0x0  }
0xa0: {  	[sflag:s22] =	ssyncadd.s32 s4;
	_ =	sdelay $0x1  }
0xa1: {  	s23 =	simm.s32 $0x1B8B  }
0xa2: {  	_ =	swait.ge [sflag:s23], $0x1  }
0xa3: {  	[sflag:s23] =	ssyncset.done $0x0  }
0xa4: {  	s25 =	simm.s32 $0x1B8E;
	s24 =	sld [smem:$0x3FFE];
	[sflag:s23] =	ssyncadd.s32 $0xFFFFFFFF  }
0xa5: {  	s26 =	simm.s32 $execute0_lowered;
	[smem:$0x3FD2] =	sst s25  }
0xa6: {  	s5 =	sshll.u32 s26, $0x1;
	_ =	strace $0x80000046;
	[dreg:$0x1] =	wrdreg $0xFFFFFFFF  }
0xa7: {  	s28 =	simm.s32 $_size_execute0_lowered;
	s3 =	sadd.s32 s3, s5;
	[dreg:$0x0] =	wrdreg $0x0  }
0xa8: {  	s5 =	sshll.u32 s28, $0x1;
	[dreg:$0x2] =	wrdreg s3  }
0xa9: {  	[dreg:$0x3] =	wrdreg s5  }
0xaa: {  	[dreg:$0x4] =	wrdreg $0xC0  }
0xab: {  	_ =	task [dreg:s7], $0x5FFFF  }
0xac: {  	[dreg:$0x1] =	wrdreg $0xFFFFFFFF  }
0xad: {  	[dreg:$0x0] =	wrdreg $0x60  }
0xae: {  	[dreg:$0x2] =	wrdreg s24  }
0xaf: {  	[dreg:$0x3] =	wrdreg s2  }
0xb0: {  	[dreg:$0x4] =	wrdreg $0x9  }
0xb1: {  	_ =	task.clear_ibuf [dreg:s7], $0x5FFFF;
	_ =	strace $0x90000046  }
0xb2: {  	s29 =	simm.s32 $0x9;
	_ =	strace $0x80000048  }
0xb3: {  	_ =	swait.ge [sflag:s29], $0x1  }
0xb4: {  	[sflag:s29] =	ssyncadd.s32 $0xFFFFFFFF  }
0xb5: {  	_ =	strace $0x90000048  }
0xb6: {  	_ =	sfence  }
0xb7: {  	s30 =	sld [smem:$0x0];
	_ =	sdelay $0x2  }
0xb8: {  	s31 =	sshll.u32 s1, $0xD;
	s1 =	sshrl.u32 s1, $0x2  }
0xb9: {  	s3 =	sand.u32 $0x4000, s31;
	s1 =	sadd.s32 s1, s30  }
0xba: {  	s0 =	sor.u32 s3, s0;
	s1 =	sshll.u32 s1, $0x11  }
0xbb: {  	s0 =	sor.u32 s1, s0  }
0xbc: {  	s0 =	sadd.s32 $0x8F2B, s0  }
0xbd: {  	[sflag:s0] =	ssyncadd.remote.s32 $0x1  }
0xbe: {  	_ =	sfence.sel $0xFFFF  }
0xbf: {  	[dreg:$0x0] =	wrdreg $0xFFFFFFFF;
	(pc) =	sbr.abs _section_cstart, $3  }
0xc0: {  	[dreg:$0x1] =	wrdreg $0xFFFFFFFF  }
0xc1: {  	_ =	task.clear_ibuf [dreg:s7], $0x2FFFF;
	_ =	strace $0x9FFFFFFF  }
0xc2: {  	(tm) =	ssettm $0x7FFFFFFF  }
0xc3: {  	_ =	shalt  }
tec
execute0_lowered:
.L_overlay_start_1:
0x0: {  	(tag) =	ssettag $0x1  }
0x1: {  	s0 =	rddreg [dreg:$0x0]  }
0x2: {  	s2 =	rddreg [dreg:$0x1]  }
0x3: {  	s1 =	srdreg.scid;
	s4 =	stileid.u32  }
0x4: {  	s3 =	simm.s32 $0x0;
	s1 =	sand.u32 $0x1, s1;
	s4 =	sshll.u32 s4, $0xA  }
0x5: {  	[smem:$0x7FF] =	sst s3;
	s5 =	sshll.u32 s1, $0x9;
	s1 =	ssub.s32 $0x2, s1  }
0x6: {  	s7 =	sadd.s32 $0xE00, s0;
	s4 =	sor.u32 s5, s4;
	s6 =	sshrl.u32 s1, $0x1  }
0x7: {  	_ =	strace $0x80000047;
	s5 =	sshrl.u32 s4, $0x3;
	s1 =	ssub.s32 s1, s6  }
0x8: {  	[dreg:$0x3] =	wrdreg s7;
	s0 =	sadd.s32 s5, s0;
	s26 =	smax.u32 s1, $0x1  }
0x9: {  	s5 =	sadd.s32 $0x2E00, s0;
	[dreg:$0x18] =	wrdreg s26  }
0xa: {  	s8 =	sadd.s32 $0x3600, s0;
	[dreg:$0x4] =	wrdreg s5  }
0xb: {  	s9 =	sadd.s32 $0x3E00, s0;
	[dreg:$0x5] =	wrdreg s8  }
0xc: {  	s10 =	sadd.s32 $0x4600, s0;
	[dreg:$0x6] =	wrdreg s9  }
0xd: {  	s11 =	sadd.s32 $0x4E00, s0;
	[dreg:$0x7] =	wrdreg s10  }
0xe: {  	s12 =	sadd.s32 $0x5600, s0;
	[dreg:$0x8] =	wrdreg s11  }
0xf: {  	s13 =	sadd.s32 $0x5E00, s0;
	[dreg:$0x9] =	wrdreg s12  }
0x10: {  	s14 =	sadd.s32 $0x6600, s0;
	[dreg:$0xa] =	wrdreg s13  }
0x11: {  	s15 =	sadd.s32 $0x6E00, s0;
	[dreg:$0xb] =	wrdreg s14  }
0x12: {  	s16 =	sadd.s32 $0x7600, s0;
	[dreg:$0xc] =	wrdreg s15  }
0x13: {  	s17 =	sadd.s32 $0x7E00, s0;
	[dreg:$0xd] =	wrdreg s16  }
0x14: {  	s18 =	sadd.s32 $0x8600, s0;
	[dreg:$0xe] =	wrdreg s17  }
0x15: {  	s19 =	sadd.s32 $0x8E00, s0;
	[dreg:$0xf] =	wrdreg s18  }
0x16: {  	s20 =	sadd.s32 $0x9600, s0;
	[dreg:$0x10] =	wrdreg s19  }
0x17: {  	s21 =	sadd.s32 $0x9E00, s0;
	[dreg:$0x11] =	wrdreg s20  }
0x18: {  	s30 =	simm.s32 $0x4;
	s22 =	sadd.s32 $0xA600, s0;
	[dreg:$0x12] =	wrdreg s21  }
0x19: {  	s31 =	simm.s32 $0x1;
	s23 =	sadd.s32 $0xAE00, s0;
	[dreg:$0x13] =	wrdreg s22  }
0x1a: {  	s28 =	simm.s32 $0x13200;
	s24 =	sadd.s32 $0xB600, s0;
	[dreg:$0x14] =	wrdreg s23  }
0x1b: {  	s29 =	simm.s32 $0x13A00;
	s25 =	sadd.s32 $0xBE00, s0;
	[dreg:$0x15] =	wrdreg s24  }
0x1c: {  	s7 =	simm.s32 $0x13E00;
	s0 =	sadd.s32 $0xC600, s0;
	[dreg:$0x16] =	wrdreg s25  }
0x1d: {  	s6 =	simm.s32 $0x13600;
	s1 =	simm.s32 $0x12A00;
	[dreg:$0x17] =	wrdreg s0  }
0x1e: {  	s25 =	sshrl.u32 s4, $0x7;
	s0 =	simm.s32 $0x12200;
	s4 =	simm.s32 $0x12600  }
0x1f: {  	v0 =	vlaneseq.u32;
	s5 =	simm.s32 $0x12E00;
	s8 =	simm.s32 $0x14200;
	s9 =	simm.s32 $0x14A00  }
0x20: {  	v1 =	vor.u32 $0x10, v0;
	s10 =	simm.s32 $0x15200;
	s11 =	simm.s32 $0x15A00;
	s12 =	simm.s32 $0x14600  }
0x21: {  	v2 =	vor.u32 $0x20, v0;
	v3 =	vor.u32 $0x30, v0;
	v4 =	vor.u32 $0x40, v0;
	s13 =	simm.s32 $0x14E00;
	s14 =	simm.s32 $0x15600;
	s15 =	simm.s32 $0x15E00  }
0x22: {  	v5 =	vor.u32 $0x50, v0;
	v6 =	vor.u32 $0x60, v0;
	v7 =	vor.u32 $0x70, v0;
	s16 =	simm.s32 $0x2;
	s17 =	simm.s32 $0x3;
	s18 =	simm.s32 $0x0  }
.LBB2_1:
0x23: {  	s19 =	rddreg [dreg:$0x4];
	s20 =	simm.s32 $0xFA00  }
0x24: {  	[tilespmem:s20], [sflag:$0x1] =	stream.linear.gather [hbm4b:s19+s3], $0x200, $0x38;
	[tilespmem:$0x16200] =	vst v63  }
0x25: {  	s22 =	rddreg [dreg:$0x5];
	s23 =	simm.s32 $0xFC00  }
0x26: {  	[tilespmem:s23], [sflag:$0x1] =	stream.linear.gather [hbm4b:s22+s3], $0x200, $0x38;
	[tilespmem:$0x16200] =	vst v63  }
0x27: {  	s24 =	rddreg [dreg:$0x6];
	s26 =	simm.s32 $0xFE00  }
0x28: {  	[tilespmem:s26], [sflag:$0x1] =	stream.linear.gather [hbm4b:s24+s3], $0x200, $0x38;
	[tilespmem:$0x16200] =	vst v63  }
0x29: {  	s21 =	simm.s32 $0x10000;
	s20 =	rddreg [dreg:$0x7]  }
0x2a: {  	[tilespmem:s21], [sflag:$0x1] =	stream.linear.gather [hbm4b:s20+s3], $0x200, $0x38;
	[tilespmem:$0x16200] =	vst v63  }
0x2b: {  	s22 =	rddreg [dreg:$0x8];
	s23 =	simm.s32 $0x10200  }
0x2c: {  	[tilespmem:s23], [sflag:$0x1] =	stream.linear.gather [hbm4b:s22+s3], $0x200, $0x38;
	[tilespmem:$0x16200] =	vst v63  }
0x2d: {  	s24 =	rddreg [dreg:$0x9];
	s26 =	simm.s32 $0x10400  }
0x2e: {  	[tilespmem:s26], [sflag:$0x1] =	stream.linear.gather [hbm4b:s24+s3], $0x200, $0x38;
	[tilespmem:$0x16200] =	vst v63  }
0x2f: {  	s20 =	rddreg [dreg:$0xa];
	s21 =	simm.s32 $0x10600  }
0x30: {  	[tilespmem:s21], [sflag:$0x1] =	stream.linear.gather [hbm4b:s20+s3], $0x200, $0x38;
	[tilespmem:$0x16200] =	vst v63  }
0x31: {  	s22 =	rddreg [dreg:$0xb];
	s23 =	simm.s32 $0x10800  }
0x32: {  	[tilespmem:s23], [sflag:$0x1] =	stream.linear.gather [hbm4b:s22+s3], $0x200, $0x38;
	[tilespmem:$0x16200] =	vst v63  }
0x33: {  	s24 =	rddreg [dreg:$0xc];
	s26 =	simm.s32 $0x10A00  }
0x34: {  	[tilespmem:s26], [sflag:$0x1] =	stream.linear.gather [hbm4b:s24+s3], $0x200, $0x38;
	[tilespmem:$0x16200] =	vst v63  }
0x35: {  	s20 =	rddreg [dreg:$0xd];
	s21 =	simm.s32 $0x10C00  }
0x36: {  	[tilespmem:s21], [sflag:$0x1] =	stream.linear.gather [hbm4b:s20+s3], $0x200, $0x38;
	[tilespmem:$0x16200] =	vst v63  }
0x37: {  	s22 =	rddreg [dreg:$0xe];
	s23 =	simm.s32 $0x10E00  }
0x38: {  	[tilespmem:s23], [sflag:$0x1] =	stream.linear.gather [hbm4b:s22+s3], $0x200, $0x38;
	[tilespmem:$0x16200] =	vst v63  }
0x39: {  	s24 =	rddreg [dreg:$0xf];
	s26 =	simm.s32 $0x11000  }
0x3a: {  	[tilespmem:s26], [sflag:$0x1] =	stream.linear.gather [hbm4b:s24+s3], $0x200, $0x38;
	[tilespmem:$0x16200] =	vst v63  }
0x3b: {  	s20 =	rddreg [dreg:$0x10];
	s21 =	simm.s32 $0x11200  }
0x3c: {  	[tilespmem:s21], [sflag:$0x1] =	stream.linear.gather [hbm4b:s20+s3], $0x200, $0x38;
	[tilespmem:$0x16200] =	vst v63  }
0x3d: {  	s22 =	rddreg [dreg:$0x11];
	s23 =	simm.s32 $0x11400  }
0x3e: {  	[tilespmem:s23], [sflag:$0x1] =	stream.linear.gather [hbm4b:s22+s3], $0x200, $0x38;
	[tilespmem:$0x16200] =	vst v63  }
0x3f: {  	s24 =	rddreg [dreg:$0x12];
	s26 =	simm.s32 $0x11600  }
0x40: {  	[tilespmem:s26], [sflag:$0x1] =	stream.linear.gather [hbm4b:s24+s3], $0x200, $0x38;
	[tilespmem:$0x16200] =	vst v63  }
0x41: {  	s20 =	rddreg [dreg:$0x13];
	s21 =	simm.s32 $0x11800  }
0x42: {  	[tilespmem:s21], [sflag:$0x1] =	stream.linear.gather [hbm4b:s20+s3], $0x200, $0x38;
	[tilespmem:$0x16200] =	vst v63  }
0x43: {  	s22 =	rddreg [dreg:$0x14];
	s23 =	simm.s32 $0x11A00  }
0x44: {  	[tilespmem:s23], [sflag:$0x1] =	stream.linear.gather [hbm4b:s22+s3], $0x200, $0x38;
	[tilespmem:$0x16200] =	vst v63  }
0x45: {  	s24 =	rddreg [dreg:$0x15];
	s26 =	simm.s32 $0x11C00  }
0x46: {  	[tilespmem:s26], [sflag:$0x1] =	stream.linear.gather [hbm4b:s24+s3], $0x200, $0x38;
	[tilespmem:$0x16200] =	vst v63  }
0x47: {  	s21 =	rddreg [dreg:$0x16];
	s22 =	simm.s32 $0x11E00  }
0x48: {  	[tilespmem:s22], [sflag:$0x1] =	stream.linear.gather [hbm4b:s21+s3], $0x200, $0x38;
	[tilespmem:$0x16200] =	vst v63  }
0x49: {  	s23 =	rddreg [dreg:$0x17];
	s24 =	simm.s32 $0x12000  }
0x4a: {  	[tilespmem:s24], [sflag:$0x1] =	stream.linear.gather [hbm4b:s23+s3], $0x200, $0x38;
	[tilespmem:$0x16200] =	vst v63  }
0x4b: {  	s26 =	rddreg [dreg:$0x3]  }
0x4c: {  	[tilespmem:s3], [sflag:$0x4] =	stream.linear.gather [hbm4b:s26+s3], $0xFA00, $0x38;
	[tilespmem:$0x16200] =	vst v63  }
0x4d: {  	_ =	swait.ge [sflag:s30], $0xFA00  }
0x4e: {  	[sflag:s30] =	ssyncset.done $0x0  }
0x4f: {  	[sflag:s30] =	ssyncadd.s32 $0xFFFF0600  }
0x50: {  	_ =	swait.ge [sflag:s31], $0x200  }
0x51: {  	[sflag:s31] =	ssyncset.done $0x0  }
0x52: {  	[sflag:s31] =	ssyncadd.s32 $0xFFFFFE00  }
0x53: {  	_ =	swait.ge [sflag:s31], $0x200  }
0x54: {  	[sflag:s31] =	ssyncset.done $0x0  }
0x55: {  	[sflag:s31] =	ssyncadd.s32 $0xFFFFFE00  }
0x56: {  	_ =	swait.ge [sflag:s31], $0x200  }
0x57: {  	[sflag:s31] =	ssyncset.done $0x0  }
0x58: {  	[sflag:s31] =	ssyncadd.s32 $0xFFFFFE00  }
0x59: {  	_ =	swait.ge [sflag:s31], $0x200  }
0x5a: {  	[sflag:s31] =	ssyncset.done $0x0  }
0x5b: {  	[sflag:s31] =	ssyncadd.s32 $0xFFFFFE00  }
0x5c: {  	_ =	swait.ge [sflag:s31], $0x200  }
0x5d: {  	[sflag:s31] =	ssyncset.done $0x0  }
0x5e: {  	[sflag:s31] =	ssyncadd.s32 $0xFFFFFE00  }
0x5f: {  	_ =	swait.ge [sflag:s31], $0x200  }
0x60: {  	[sflag:s31] =	ssyncset.done $0x0  }
0x61: {  	[sflag:s31] =	ssyncadd.s32 $0xFFFFFE00  }
0x62: {  	_ =	swait.ge [sflag:s31], $0x200  }
0x63: {  	[sflag:s31] =	ssyncset.done $0x0  }
0x64: {  	[sflag:s31] =	ssyncadd.s32 $0xFFFFFE00  }
0x65: {  	_ =	swait.ge [sflag:s31], $0x200  }
0x66: {  	[sflag:s31] =	ssyncset.done $0x0  }
0x67: {  	[sflag:s31] =	ssyncadd.s32 $0xFFFFFE00  }
0x68: {  	_ =	swait.ge [sflag:s31], $0x200  }
0x69: {  	[sflag:s31] =	ssyncset.done $0x0  }
0x6a: {  	[sflag:s31] =	ssyncadd.s32 $0xFFFFFE00  }
0x6b: {  	_ =	swait.ge [sflag:s31], $0x200  }
0x6c: {  	[sflag:s31] =	ssyncset.done $0x0  }
0x6d: {  	[sflag:s31] =	ssyncadd.s32 $0xFFFFFE00  }
0x6e: {  	_ =	swait.ge [sflag:s31], $0x200  }
0x6f: {  	[sflag:s31] =	ssyncset.done $0x0  }
0x70: {  	[sflag:s31] =	ssyncadd.s32 $0xFFFFFE00  }
0x71: {  	_ =	swait.ge [sflag:s31], $0x200  }
0x72: {  	[sflag:s31] =	ssyncset.done $0x0  }
0x73: {  	[sflag:s31] =	ssyncadd.s32 $0xFFFFFE00  }
0x74: {  	_ =	swait.ge [sflag:s31], $0x200  }
0x75: {  	[sflag:s31] =	ssyncset.done $0x0  }
0x76: {  	[sflag:s31] =	ssyncadd.s32 $0xFFFFFE00  }
0x77: {  	_ =	swait.ge [sflag:s31], $0x200  }
0x78: {  	[sflag:s31] =	ssyncset.done $0x0  }
0x79: {  	[sflag:s31] =	ssyncadd.s32 $0xFFFFFE00  }
0x7a: {  	_ =	swait.ge [sflag:s31], $0x200  }
0x7b: {  	[sflag:s31] =	ssyncset.done $0x0  }
0x7c: {  	[sflag:s31] =	ssyncadd.s32 $0xFFFFFE00  }
0x7d: {  	_ =	swait.ge [sflag:s31], $0x200  }
0x7e: {  	[sflag:s31] =	ssyncset.done $0x0  }
0x7f: {  	[sflag:s31] =	ssyncadd.s32 $0xFFFFFE00  }
0x80: {  	_ =	swait.ge [sflag:s31], $0x200  }
0x81: {  	[sflag:s31] =	ssyncset.done $0x0  }
0x82: {  	[sflag:s31] =	ssyncadd.s32 $0xFFFFFE00  }
0x83: {  	_ =	swait.ge [sflag:s31], $0x200  }
0x84: {  	[sflag:s31] =	ssyncset.done $0x0  }
0x85: {  	[sflag:s31] =	ssyncadd.s32 $0xFFFFFE00  }
0x86: {  	_ =	swait.ge [sflag:s31], $0x200  }
0x87: {  	[sflag:s31] =	ssyncset.done $0x0  }
0x88: {  	[sflag:s31] =	ssyncadd.s32 $0xFFFFFE00  }
0x89: {  	_ =	swait.ge [sflag:s31], $0x200  }
0x8a: {  	[sflag:s31] =	ssyncset.done $0x0  }
0x8b: {  	s19 =	simm.s32 $0x0;
	[sflag:s31] =	ssyncadd.s32 $0xFFFFFE00  }
.LBB2_2:
0x8c: {  	p0 =	seq.s32 s19, $0x0  }
0x8d: {  	s24 =	simm.s32 @!p0 $0x2  }
0x8e: {  	_ =	swait.ge @!p0 [sflag:s24], $0x400  }
0x8f: {  	[sflag:s24] =	ssyncset.done @!p0 $0x0  }
0x90: {  	[sflag:s24] =	ssyncadd.s32 @!p0 $0xFFFFFC00  }
0x91: {  	_ =	swait.ge @!p0 [sflag:s24], $0x400  }
0x92: {  	[sflag:s24] =	ssyncset.done @!p0 $0x0  }
0x93: {  	[sflag:s24] =	ssyncadd.s32 @!p0 $0xFFFFFC00  }
0x94: {  	_ =	swait.ge @!p0 [sflag:s24], $0x400  }
0x95: {  	[sflag:s24] =	ssyncset.done @!p0 $0x0  }
0x96: {  	[sflag:s24] =	ssyncadd.s32 @!p0 $0xFFFFFC00  }
0x97: {  	_ =	swait.ge @!p0 [sflag:s24], $0x400  }
0x98: {  	[sflag:s24] =	ssyncset.done @!p0 $0x0  }
0x99: {  	[sflag:s24] =	ssyncadd.s32 @!p0 $0xFFFFFC00  }
0x9a: {  	_ =	swait.ge @!p0 [sflag:s24], $0x400  }
0x9b: {  	[sflag:s24] =	ssyncset.done @!p0 $0x0  }
0x9c: {  	[sflag:s24] =	ssyncadd.s32 @!p0 $0xFFFFFC00  }
0x9d: {  	_ =	swait.ge @!p0 [sflag:s24], $0x400  }
0x9e: {  	[sflag:s24] =	ssyncset.done @!p0 $0x0  }
0x9f: {  	[sflag:s24] =	ssyncadd.s32 @!p0 $0xFFFFFC00  }
0xa0: {  	_ =	swait.ge @!p0 [sflag:s24], $0x400  }
0xa1: {  	s20 =	sshll.u32 s19, $0x1;
	s22 =	sshrl.u32 s19, $0x1;
	[sflag:s24] =	ssyncset.done @!p0 $0x0  }
0xa2: {  	s20 =	sand.u32 $0x2, s20;
	s21 =	sshll.u32 s22, $0xB;
	[sflag:s24] =	ssyncadd.s32 @!p0 $0xFFFFFC00  }
0xa3: {  	s23 =	sor.u32 s25, s20;
	s21 =	sshra.s32 s21, $0x2;
	_ =	swait.ge @!p0 [sflag:s24], $0x400  }
0xa4: {  	s26 =	sshll.u32 s20, $0x7;
	s21 =	sadd.s32 $0xFA00, s21;
	[sflag:s24] =	ssyncset.done @!p0 $0x0  }
0xa5: {  	[sflag:s24] =	ssyncadd.s32 @!p0 $0xFFFFFC00;
	s24 =	sor.u32 s26, s21;
	s26 =	simm.s32 $0x0  }
.LBB2_3:
0xa6: {  	v8 =	vld [tilespmem:s24+$0x0];
	_ =	sdelay $0x3  }
0xa7: {  	v9 =	vadd.s32 s26, v0;
	v10 =	vld [tilespmem:s24+$0x10]  }
0xa8: {  	v11 =	vand.u32 $0x8, v9;
	v8 =	vshll.u32 v8, $0x6  }
0xa9: {  	v12 =	vld [tilespmem:s24+$0x20];
	v13 =	vand.u32 $0x7, v9;
	v8 =	vor.u32 v11, v8  }
0xaa: {  	v14 =	vld [tilespmem:s24+$0x30];
	v16 =	vor.u32 $0x10, v13;
	v15 =	vor.u32 v13, v8  }
0xab: {  	v17 =	vld [tilespmem:s24+$0x40];
	v19 =	vor.u32 $0x20, v13;
	v18 =	vor.u32 v8, v16  }
0xac: {  	v20 =	vld [tilespmem:s24+$0x50];
	v22 =	vor.u32 $0x30, v13;
	v10 =	vshll.u32 v10, $0x6;
	v21 =	vor.u32 v8, v19  }
0xad: {  	v23 =	vld [tilespmem:s24+$0x60];
	v10 =	vor.u32 v11, v10;
	v8 =	vor.u32 v8, v22  }
0xae: {  	v24 =	vld [tilespmem:s24+$0x70];
	v25 =	vor.u32 v13, v10  }
0xaf: {  	v26 =	vor.u32 v10, v16;
	v15 =	vld.idx.msk [tilespmem:v15+s3+$0x0], $0xffff  }
0xb0: {  	v12 =	vshll.u32 v12, $0x6;
	v27 =	vor.u32 v10, v19;
	v18 =	vld.idx.msk [tilespmem:v18+s3+$0x0], $0xffff  }
0xb1: {  	v12 =	vor.u32 v11, v12;
	v10 =	vor.u32 v10, v22;
	v21 =	vld.idx.msk [tilespmem:v21+s3+$0x0], $0xffff  }
0xb2: {  	v28 =	vor.u32 v13, v12;
	v8 =	vld.idx.msk [tilespmem:v8+s3+$0x0], $0xffff  }
0xb3: {  	v29 =	vor.u32 v12, v16;
	v25 =	vld.idx.msk [tilespmem:v25+s3+$0x0], $0xffff  }
0xb4: {  	v14 =	vshll.u32 v14, $0x6;
	v30 =	vor.u32 v12, v19;
	v26 =	vld.idx.msk [tilespmem:v26+s3+$0x0], $0xffff  }
0xb5: {  	v14 =	vor.u32 v11, v14;
	v12 =	vor.u32 v12, v22;
	v27 =	vld.idx.msk [tilespmem:v27+s3+$0x0], $0xffff  }
0xb6: {  	v31 =	vor.u32 v13, v14;
	v10 =	vld.idx.msk [tilespmem:v10+s3+$0x0], $0xffff  }
0xb7: {  	v32 =	vor.u32 v14, v16;
	v28 =	vld.idx.msk [tilespmem:v28+s3+$0x0], $0xffff  }
0xb8: {  	v17 =	vshll.u32 v17, $0x6;
	v33 =	vor.u32 v14, v19;
	v29 =	vld.idx.msk [tilespmem:v29+s3+$0x0], $0xffff  }
0xb9: {  	v17 =	vor.u32 v11, v17;
	v14 =	vor.u32 v14, v22;
	v30 =	vld.idx.msk [tilespmem:v30+s3+$0x0], $0xffff  }
0xba: {  	v34 =	vor.u32 v13, v17;
	v12 =	vld.idx.msk [tilespmem:v12+s3+$0x0], $0xffff  }
0xbb: {  	v35 =	vor.u32 v17, v16;
	v31 =	vld.idx.msk [tilespmem:v31+s3+$0x0], $0xffff  }
0xbc: {  	v20 =	vshll.u32 v20, $0x6;
	v36 =	vor.u32 v17, v19;
	v32 =	vld.idx.msk [tilespmem:v32+s3+$0x0], $0xffff  }
0xbd: {  	v20 =	vor.u32 v11, v20;
	v17 =	vor.u32 v17, v22;
	v33 =	vld.idx.msk [tilespmem:v33+s3+$0x0], $0xffff  }
0xbe: {  	v37 =	vor.u32 v13, v20;
	v14 =	vld.idx.msk [tilespmem:v14+s3+$0x0], $0xffff  }
0xbf: {  	v38 =	vor.u32 v20, v16;
	v34 =	vld.idx.msk [tilespmem:v34+s3+$0x0], $0xffff  }
0xc0: {  	v23 =	vshll.u32 v23, $0x6;
	v39 =	vor.u32 v20, v19;
	v35 =	vld.idx.msk [tilespmem:v35+s3+$0x0], $0xffff  }
0xc1: {  	v23 =	vor.u32 v11, v23;
	v20 =	vor.u32 v20, v22;
	v36 =	vld.idx.msk [tilespmem:v36+s3+$0x0], $0xffff  }
0xc2: {  	v40 =	vor.u32 v13, v23;
	v17 =	vld.idx.msk [tilespmem:v17+s3+$0x0], $0xffff  }
0xc3: {  	v41 =	vor.u32 v23, v16;
	v37 =	vld.idx.msk [tilespmem:v37+s3+$0x0], $0xffff  }
0xc4: {  	v24 =	vshll.u32 v24, $0x6;
	v42 =	vor.u32 v23, v19;
	v38 =	vld.idx.msk [tilespmem:v38+s3+$0x0], $0xffff  }
0xc5: {  	v11 =	vor.u32 v11, v24;
	v23 =	vor.u32 v23, v22;
	v39 =	vld.idx.msk [tilespmem:v39+s3+$0x0], $0xffff  }
0xc6: {  	v13 =	vor.u32 v13, v11;
	v20 =	vld.idx.msk [tilespmem:v20+s3+$0x0], $0xffff  }
0xc7: {  	v9 =	vshll.u32 v9, $0x7;
	v16 =	vor.u32 v11, v16;
	v56 =	vld.idx.msk [tilespmem:v40+s3+$0x0], $0xffff  }
0xc8: {  	v9 =	vand.u32 $0x780, v9;
	v19 =	vor.u32 v11, v19;
	v57 =	vld.idx.msk [tilespmem:v41+s3+$0x0], $0xffff  }
0xc9: {  	v60 =	vor.u32 v0, v9;
	v11 =	vor.u32 v11, v22;
	v58 =	vld.idx.msk [tilespmem:v42+s3+$0x0], $0xffff  }
0xca: {  	v61 =	vor.u32 v1, v9;
	v59 =	vld.idx.msk [tilespmem:v23+s3+$0x0], $0xffff  }
0xcb: {  	v43 =	vor.u32 v2, v9;
	v13 =	vld.idx.msk [tilespmem:v13+s3+$0x0], $0xffff  }
0xcc: {  	v44 =	vor.u32 v3, v9;
	v16 =	vld.idx.msk [tilespmem:v16+s3+$0x0], $0xffff  }
0xcd: {  	v45 =	vor.u32 v4, v9;
	v19 =	vld.idx.msk [tilespmem:v19+s3+$0x0], $0xffff  }
0xce: {  	v62 =	vor.u32 v5, v9;
	v11 =	vld.idx.msk [tilespmem:v11+s3+$0x0], $0xffff;
	[tilespmem:v60+s0+$0x0] =	vst.idx.msk $0xffff, v15  }
0xcf: {  	v63 =	vor.u32 v6, v9;
	[tilespmem:v61+s0+$0x0] =	vst.idx.msk $0xffff, v25  }
0xd0: {  	v9 =	vor.u32 v7, v9;
	[tilespmem:v43+s0+$0x0] =	vst.idx.msk $0xffff, v28  }
0xd1: {  	[tilespmem:v44+s0+$0x0] =	vst.idx.msk $0xffff, v31  }
0xd2: {  	[tilespmem:v45+s0+$0x0] =	vst.idx.msk $0xffff, v34  }
0xd3: {  	[tilespmem:v62+s0+$0x0] =	vst.idx.msk $0xffff, v37  }
0xd4: {  	[tilespmem:v63+s0+$0x0] =	vst.idx.msk $0xffff, v56  }
0xd5: {  	[tilespmem:v9+s0+$0x0] =	vst.idx.msk $0xffff, v13  }
0xd6: {  	[tilespmem:v60+s1+$0x0] =	vst.idx.msk $0xffff, v18  }
0xd7: {  	[tilespmem:v61+s1+$0x0] =	vst.idx.msk $0xffff, v26  }
0xd8: {  	[tilespmem:v43+s1+$0x0] =	vst.idx.msk $0xffff, v29  }
0xd9: {  	[tilespmem:v44+s1+$0x0] =	vst.idx.msk $0xffff, v32  }
0xda: {  	[tilespmem:v45+s1+$0x0] =	vst.idx.msk $0xffff, v35  }
0xdb: {  	[tilespmem:v62+s1+$0x0] =	vst.idx.msk $0xffff, v38  }
0xdc: {  	[tilespmem:v63+s1+$0x0] =	vst.idx.msk $0xffff, v57  }
0xdd: {  	[tilespmem:v9+s1+$0x0] =	vst.idx.msk $0xffff, v16  }
0xde: {  	[tilespmem:v60+s28+$0x0] =	vst.idx.msk $0xffff, v21  }
0xdf: {  	[tilespmem:v61+s28+$0x0] =	vst.idx.msk $0xffff, v27  }
0xe0: {  	[tilespmem:v43+s28+$0x0] =	vst.idx.msk $0xffff, v30  }
0xe1: {  	[tilespmem:v44+s28+$0x0] =	vst.idx.msk $0xffff, v33  }
0xe2: {  	[tilespmem:v45+s28+$0x0] =	vst.idx.msk $0xffff, v36  }
0xe3: {  	[tilespmem:v62+s28+$0x0] =	vst.idx.msk $0xffff, v39  }
0xe4: {  	[tilespmem:v63+s28+$0x0] =	vst.idx.msk $0xffff, v58  }
0xe5: {  	[tilespmem:v9+s28+$0x0] =	vst.idx.msk $0xffff, v19  }
0xe6: {  	[tilespmem:v60+s29+$0x0] =	vst.idx.msk $0xffff, v8  }
0xe7: {  	[tilespmem:v61+s29+$0x0] =	vst.idx.msk $0xffff, v10  }
0xe8: {  	p1 =	sne.s32 s26, $0xF;
	[tilespmem:v43+s29+$0x0] =	vst.idx.msk $0xffff, v12  }
.Ltmp0:
0xe9: {  	[tilespmem:v44+s29+$0x0] =	vst.idx.msk $0xffff, v14;
	(pc) =	sbr.rel @p1 .LBB2_3-.Ltmp0, $4  }
0xea: {  	[tilespmem:v45+s29+$0x0] =	vst.idx.msk $0xffff, v17  }
0xeb: {  	[tilespmem:v62+s29+$0x0] =	vst.idx.msk $0xffff, v20  }
0xec: {  	[tilespmem:v63+s29+$0x0] =	vst.idx.msk $0xffff, v59  }
0xed: {  	s26 =	sadd.s32 $0x1, s26;
	[tilespmem:v9+s29+$0x0] =	vst.idx.msk $0xffff, v11  }
0xee: {  	s22 =	sshll.u32 s22, $0x14;
	s23 =	sshll.u32 s23, $0xA  }
0xef: {  	s23 =	sor.u32 s22, s23  }
0xf0: {  	s23 =	sshrl.u32 s23, $0x3  }
0xf1: {  	s23 =	sadd.s32 s2, s23  }
0xf2: {  	[hbm4b:s23+s3] =	stream.linear.scatter [tilespmem:s0], [sflag:$0x2], $0x400, $0x38;
	[tilespmem:$0x16200] =	vst v63  }
0xf3: {  	s24 =	sadd.s32 $0x4000, s23  }
0xf4: {  	[hbm4b:s24+s3] =	stream.linear.scatter [tilespmem:s4], [sflag:$0x2], $0x400, $0x38;
	[tilespmem:$0x16200] =	vst v63  }
0xf5: {  	s26 =	sadd.s32 $0x8000, s23  }
0xf6: {  	[hbm4b:s26+s3] =	stream.linear.scatter [tilespmem:s1], [sflag:$0x2], $0x400, $0x38;
	[tilespmem:$0x16200] =	vst v63  }
0xf7: {  	s26 =	sadd.s32 $0xC000, s23  }
0xf8: {  	[hbm4b:s26+s3] =	stream.linear.scatter [tilespmem:s5], [sflag:$0x2], $0x400, $0x38;
	[tilespmem:$0x16200] =	vst v63  }
0xf9: {  	s26 =	sadd.s32 $0x10000, s23  }
0xfa: {  	[hbm4b:s26+s3] =	stream.linear.scatter [tilespmem:s28], [sflag:$0x2], $0x400, $0x38;
	[tilespmem:$0x16200] =	vst v63  }
0xfb: {  	s26 =	sadd.s32 $0x14000, s23  }
0xfc: {  	[hbm4b:s26+s3] =	stream.linear.scatter [tilespmem:s6], [sflag:$0x2], $0x400, $0x38;
	[tilespmem:$0x16200] =	vst v63  }
0xfd: {  	s26 =	sadd.s32 $0x18000, s23  }
0xfe: {  	[hbm4b:s26+s3] =	stream.linear.scatter [tilespmem:s29], [sflag:$0x2], $0x400, $0x38;
	[tilespmem:$0x16200] =	vst v63  }
0xff: {  	s23 =	sadd.s32 $0x1C000, s23  }
0x100: {  	[hbm4b:s23+s3] =	stream.linear.scatter [tilespmem:s7], [sflag:$0x2], $0x400, $0x38;
	[tilespmem:$0x16200] =	vst v63  }
0x101: {  	s23 =	simm.s32 @!p0 $0x3  }
0x102: {  	_ =	swait.ge @!p0 [sflag:s23], $0x400  }
0x103: {  	[sflag:s23] =	ssyncset.done @!p0 $0x0  }
0x104: {  	[sflag:s23] =	ssyncadd.s32 @!p0 $0xFFFFFC00  }
0x105: {  	_ =	swait.ge @!p0 [sflag:s23], $0x400  }
0x106: {  	[sflag:s23] =	ssyncset.done @!p0 $0x0  }
0x107: {  	[sflag:s23] =	ssyncadd.s32 @!p0 $0xFFFFFC00  }
0x108: {  	_ =	swait.ge @!p0 [sflag:s23], $0x400  }
0x109: {  	[sflag:s23] =	ssyncset.done @!p0 $0x0  }
0x10a: {  	[sflag:s23] =	ssyncadd.s32 @!p0 $0xFFFFFC00  }
0x10b: {  	_ =	swait.ge @!p0 [sflag:s23], $0x400  }
0x10c: {  	[sflag:s23] =	ssyncset.done @!p0 $0x0  }
0x10d: {  	[sflag:s23] =	ssyncadd.s32 @!p0 $0xFFFFFC00  }
0x10e: {  	_ =	swait.ge @!p0 [sflag:s23], $0x400  }
0x10f: {  	[sflag:s23] =	ssyncset.done @!p0 $0x0  }
0x110: {  	[sflag:s23] =	ssyncadd.s32 @!p0 $0xFFFFFC00  }
0x111: {  	_ =	swait.ge @!p0 [sflag:s23], $0x400  }
0x112: {  	[sflag:s23] =	ssyncset.done @!p0 $0x0  }
0x113: {  	[sflag:s23] =	ssyncadd.s32 @!p0 $0xFFFFFC00  }
0x114: {  	_ =	swait.ge @!p0 [sflag:s23], $0x400  }
0x115: {  	[sflag:s23] =	ssyncset.done @!p0 $0x0  }
0x116: {  	[sflag:s23] =	ssyncadd.s32 @!p0 $0xFFFFFC00  }
0x117: {  	s26 =	sor.u32 $0x1, s20;
	_ =	swait.ge @!p0 [sflag:s23], $0x400  }
0x118: {  	s20 =	sor.u32 s25, s26;
	s24 =	sshll.u32 s26, $0x7;
	[sflag:s23] =	ssyncset.done @!p0 $0x0  }
0x119: {  	s21 =	sadd.s32 s24, s21;
	[sflag:s23] =	ssyncadd.s32 @!p0 $0xFFFFFC00;
	s23 =	simm.s32 $0x0  }
.LBB2_5:
0x11a: {  	v8 =	vld [tilespmem:s21+$0x0];
	_ =	sdelay $0x3  }
0x11b: {  	v9 =	vadd.s32 s23, v0;
	v10 =	vld [tilespmem:s21+$0x10]  }
0x11c: {  	v11 =	vand.u32 $0x8, v9;
	v8 =	vshll.u32 v8, $0x6  }
0x11d: {  	v12 =	vld [tilespmem:s21+$0x20];
	v13 =	vand.u32 $0x7, v9;
	v8 =	vor.u32 v11, v8  }
0x11e: {  	v14 =	vld [tilespmem:s21+$0x30];
	v16 =	vor.u32 $0x10, v13;
	v15 =	vor.u32 v13, v8  }
0x11f: {  	v17 =	vld [tilespmem:s21+$0x40];
	v19 =	vor.u32 $0x20, v13;
	v18 =	vor.u32 v8, v16  }
0x120: {  	v20 =	vld [tilespmem:s21+$0x50];
	v22 =	vor.u32 $0x30, v13;
	v10 =	vshll.u32 v10, $0x6;
	v21 =	vor.u32 v8, v19  }
0x121: {  	v23 =	vld [tilespmem:s21+$0x60];
	v10 =	vor.u32 v11, v10;
	v8 =	vor.u32 v8, v22  }
0x122: {  	v24 =	vld [tilespmem:s21+$0x70];
	v25 =	vor.u32 v13, v10  }
0x123: {  	v26 =	vor.u32 v10, v16;
	v15 =	vld.idx.msk [tilespmem:v15+s3+$0x0], $0xffff  }
0x124: {  	v12 =	vshll.u32 v12, $0x6;
	v27 =	vor.u32 v10, v19;
	v18 =	vld.idx.msk [tilespmem:v18+s3+$0x0], $0xffff  }
0x125: {  	v12 =	vor.u32 v11, v12;
	v10 =	vor.u32 v10, v22;
	v21 =	vld.idx.msk [tilespmem:v21+s3+$0x0], $0xffff  }
0x126: {  	v28 =	vor.u32 v13, v12;
	v8 =	vld.idx.msk [tilespmem:v8+s3+$0x0], $0xffff  }
0x127: {  	v29 =	vor.u32 v12, v16;
	v25 =	vld.idx.msk [tilespmem:v25+s3+$0x0], $0xffff  }
0x128: {  	v14 =	vshll.u32 v14, $0x6;
	v30 =	vor.u32 v12, v19;
	v26 =	vld.idx.msk [tilespmem:v26+s3+$0x0], $0xffff  }
0x129: {  	v14 =	vor.u32 v11, v14;
	v12 =	vor.u32 v12, v22;
	v27 =	vld.idx.msk [tilespmem:v27+s3+$0x0], $0xffff  }
0x12a: {  	v31 =	vor.u32 v13, v14;
	v10 =	vld.idx.msk [tilespmem:v10+s3+$0x0], $0xffff  }
0x12b: {  	v32 =	vor.u32 v14, v16;
	v28 =	vld.idx.msk [tilespmem:v28+s3+$0x0], $0xffff  }
0x12c: {  	v17 =	vshll.u32 v17, $0x6;
	v33 =	vor.u32 v14, v19;
	v29 =	vld.idx.msk [tilespmem:v29+s3+$0x0], $0xffff  }
0x12d: {  	v17 =	vor.u32 v11, v17;
	v14 =	vor.u32 v14, v22;
	v30 =	vld.idx.msk [tilespmem:v30+s3+$0x0], $0xffff  }
0x12e: {  	v34 =	vor.u32 v13, v17;
	v12 =	vld.idx.msk [tilespmem:v12+s3+$0x0], $0xffff  }
0x12f: {  	v35 =	vor.u32 v17, v16;
	v31 =	vld.idx.msk [tilespmem:v31+s3+$0x0], $0xffff  }
0x130: {  	v20 =	vshll.u32 v20, $0x6;
	v36 =	vor.u32 v17, v19;
	v32 =	vld.idx.msk [tilespmem:v32+s3+$0x0], $0xffff  }
0x131: {  	v20 =	vor.u32 v11, v20;
	v17 =	vor.u32 v17, v22;
	v33 =	vld.idx.msk [tilespmem:v33+s3+$0x0], $0xffff  }
0x132: {  	v37 =	vor.u32 v13, v20;
	v14 =	vld.idx.msk [tilespmem:v14+s3+$0x0], $0xffff  }
0x133: {  	v38 =	vor.u32 v20, v16;
	v34 =	vld.idx.msk [tilespmem:v34+s3+$0x0], $0xffff  }
0x134: {  	v23 =	vshll.u32 v23, $0x6;
	v39 =	vor.u32 v20, v19;
	v35 =	vld.idx.msk [tilespmem:v35+s3+$0x0], $0xffff  }
0x135: {  	v23 =	vor.u32 v11, v23;
	v20 =	vor.u32 v20, v22;
	v36 =	vld.idx.msk [tilespmem:v36+s3+$0x0], $0xffff  }
0x136: {  	v40 =	vor.u32 v13, v23;
	v17 =	vld.idx.msk [tilespmem:v17+s3+$0x0], $0xffff  }
0x137: {  	v41 =	vor.u32 v23, v16;
	v37 =	vld.idx.msk [tilespmem:v37+s3+$0x0], $0xffff  }
0x138: {  	v24 =	vshll.u32 v24, $0x6;
	v42 =	vor.u32 v23, v19;
	v38 =	vld.idx.msk [tilespmem:v38+s3+$0x0], $0xffff  }
0x139: {  	v11 =	vor.u32 v11, v24;
	v23 =	vor.u32 v23, v22;
	v39 =	vld.idx.msk [tilespmem:v39+s3+$0x0], $0xffff  }
0x13a: {  	v13 =	vor.u32 v13, v11;
	v20 =	vld.idx.msk [tilespmem:v20+s3+$0x0], $0xffff  }
0x13b: {  	v9 =	vshll.u32 v9, $0x7;
	v16 =	vor.u32 v11, v16;
	v56 =	vld.idx.msk [tilespmem:v40+s3+$0x0], $0xffff  }
0x13c: {  	v9 =	vand.u32 $0x780, v9;
	v19 =	vor.u32 v11, v19;
	v57 =	vld.idx.msk [tilespmem:v41+s3+$0x0], $0xffff  }
0x13d: {  	v60 =	vor.u32 v0, v9;
	v11 =	vor.u32 v11, v22;
	v58 =	vld.idx.msk [tilespmem:v42+s3+$0x0], $0xffff  }
0x13e: {  	v61 =	vor.u32 v1, v9;
	v59 =	vld.idx.msk [tilespmem:v23+s3+$0x0], $0xffff  }
0x13f: {  	v43 =	vor.u32 v2, v9;
	v13 =	vld.idx.msk [tilespmem:v13+s3+$0x0], $0xffff  }
0x140: {  	v44 =	vor.u32 v3, v9;
	v16 =	vld.idx.msk [tilespmem:v16+s3+$0x0], $0xffff  }
0x141: {  	v45 =	vor.u32 v4, v9;
	v19 =	vld.idx.msk [tilespmem:v19+s3+$0x0], $0xffff  }
0x142: {  	v62 =	vor.u32 v5, v9;
	v11 =	vld.idx.msk [tilespmem:v11+s3+$0x0], $0xffff;
	[tilespmem:v60+s8+$0x0] =	vst.idx.msk $0xffff, v15  }
0x143: {  	v63 =	vor.u32 v6, v9;
	[tilespmem:v61+s8+$0x0] =	vst.idx.msk $0xffff, v25  }
0x144: {  	v9 =	vor.u32 v7, v9;
	[tilespmem:v43+s8+$0x0] =	vst.idx.msk $0xffff, v28  }
0x145: {  	[tilespmem:v44+s8+$0x0] =	vst.idx.msk $0xffff, v31  }
0x146: {  	[tilespmem:v45+s8+$0x0] =	vst.idx.msk $0xffff, v34  }
0x147: {  	[tilespmem:v62+s8+$0x0] =	vst.idx.msk $0xffff, v37  }
0x148: {  	[tilespmem:v63+s8+$0x0] =	vst.idx.msk $0xffff, v56  }
0x149: {  	[tilespmem:v9+s8+$0x0] =	vst.idx.msk $0xffff, v13  }
0x14a: {  	[tilespmem:v60+s9+$0x0] =	vst.idx.msk $0xffff, v18  }
0x14b: {  	[tilespmem:v61+s9+$0x0] =	vst.idx.msk $0xffff, v26  }
0x14c: {  	[tilespmem:v43+s9+$0x0] =	vst.idx.msk $0xffff, v29  }
0x14d: {  	[tilespmem:v44+s9+$0x0] =	vst.idx.msk $0xffff, v32  }
0x14e: {  	[tilespmem:v45+s9+$0x0] =	vst.idx.msk $0xffff, v35  }
0x14f: {  	[tilespmem:v62+s9+$0x0] =	vst.idx.msk $0xffff, v38  }
0x150: {  	[tilespmem:v63+s9+$0x0] =	vst.idx.msk $0xffff, v57  }
0x151: {  	[tilespmem:v9+s9+$0x0] =	vst.idx.msk $0xffff, v16  }
0x152: {  	[tilespmem:v60+s10+$0x0] =	vst.idx.msk $0xffff, v21  }
0x153: {  	[tilespmem:v61+s10+$0x0] =	vst.idx.msk $0xffff, v27  }
0x154: {  	[tilespmem:v43+s10+$0x0] =	vst.idx.msk $0xffff, v30  }
0x155: {  	[tilespmem:v44+s10+$0x0] =	vst.idx.msk $0xffff, v33  }
0x156: {  	[tilespmem:v45+s10+$0x0] =	vst.idx.msk $0xffff, v36  }
0x157: {  	[tilespmem:v62+s10+$0x0] =	vst.idx.msk $0xffff, v39  }
0x158: {  	[tilespmem:v63+s10+$0x0] =	vst.idx.msk $0xffff, v58  }
0x159: {  	[tilespmem:v9+s10+$0x0] =	vst.idx.msk $0xffff, v19  }
0x15a: {  	[tilespmem:v60+s11+$0x0] =	vst.idx.msk $0xffff, v8  }
0x15b: {  	[tilespmem:v61+s11+$0x0] =	vst.idx.msk $0xffff, v10  }
0x15c: {  	p0 =	sne.s32 s23, $0xF;
	[tilespmem:v43+s11+$0x0] =	vst.idx.msk $0xffff, v12  }
.Ltmp1:
0x15d: {  	[tilespmem:v44+s11+$0x0] =	vst.idx.msk $0xffff, v14;
	(pc) =	sbr.rel @p0 .LBB2_5-.Ltmp1, $4  }
0x15e: {  	[tilespmem:v45+s11+$0x0] =	vst.idx.msk $0xffff, v17  }
0x15f: {  	[tilespmem:v62+s11+$0x0] =	vst.idx.msk $0xffff, v20  }
0x160: {  	[tilespmem:v63+s11+$0x0] =	vst.idx.msk $0xffff, v59  }
0x161: {  	s23 =	sadd.s32 $0x1, s23;
	[tilespmem:v9+s11+$0x0] =	vst.idx.msk $0xffff, v11  }
0x162: {  	s20 =	sshll.u32 s20, $0xA  }
0x163: {  	s20 =	sor.u32 s22, s20  }
0x164: {  	s20 =	sshrl.u32 s20, $0x3  }
0x165: {  	s20 =	sadd.s32 s2, s20  }
0x166: {  	[hbm4b:s20+s3] =	stream.linear.scatter [tilespmem:s8], [sflag:$0x3], $0x400, $0x38;
	[tilespmem:$0x16200] =	vst v63  }
0x167: {  	s21 =	sadd.s32 $0x4000, s20  }
0x168: {  	[hbm4b:s21+s3] =	stream.linear.scatter [tilespmem:s12], [sflag:$0x3], $0x400, $0x38;
	[tilespmem:$0x16200] =	vst v63  }
0x169: {  	s26 =	sadd.s32 $0x8000, s20  }
0x16a: {  	[hbm4b:s26+s3] =	stream.linear.scatter [tilespmem:s9], [sflag:$0x3], $0x400, $0x38;
	[tilespmem:$0x16200] =	vst v63  }
0x16b: {  	s22 =	sadd.s32 $0xC000, s20  }
0x16c: {  	[hbm4b:s22+s3] =	stream.linear.scatter [tilespmem:s13], [sflag:$0x3], $0x400, $0x38;
	[tilespmem:$0x16200] =	vst v63  }
0x16d: {  	s19 =	sadd.s32 $0x1, s19;
	s23 =	sadd.s32 $0x10000, s20  }
0x16e: {  	[hbm4b:s23+s3] =	stream.linear.scatter [tilespmem:s10], [sflag:$0x3], $0x400, $0x38;
	[tilespmem:$0x16200] =	vst v63  }
0x16f: {  	p0 =	sne.s32 s19, $0x28;
	s24 =	sadd.s32 $0x14000, s20  }
0x170: {  	[hbm4b:s24+s3] =	stream.linear.scatter [tilespmem:s14], [sflag:$0x3], $0x400, $0x38;
	[tilespmem:$0x16200] =	vst v63  }
.Ltmp2:
0x171: {  	_ = 	snop;
	(pc) =	sbr.rel @p0 .LBB2_2-.Ltmp2, $4  }
0x172: {  	s26 =	sadd.s32 $0x18000, s20  }
0x173: {  	[hbm4b:s26+s3] =	stream.linear.scatter [tilespmem:s11], [sflag:$0x3], $0x400, $0x38;
	[tilespmem:$0x16200] =	vst v63  }
0x174: {  	s20 =	sadd.s32 $0x1C000, s20  }
0x175: {  	[hbm4b:s20+s3] =	stream.linear.scatter [tilespmem:s15], [sflag:$0x3], $0x400, $0x38;
	[tilespmem:$0x16200] =	vst v63  }
0x176: {  	_ =	swait.ge [sflag:s16], $0x400  }
0x177: {  	[sflag:s16] =	ssyncset.done $0x0  }
0x178: {  	[sflag:s16] =	ssyncadd.s32 $0xFFFFFC00  }
0x179: {  	_ =	swait.ge [sflag:s16], $0x400  }
0x17a: {  	[sflag:s16] =	ssyncset.done $0x0  }
0x17b: {  	[sflag:s16] =	ssyncadd.s32 $0xFFFFFC00  }
0x17c: {  	_ =	swait.ge [sflag:s16], $0x400  }
0x17d: {  	[sflag:s16] =	ssyncset.done $0x0  }
0x17e: {  	[sflag:s16] =	ssyncadd.s32 $0xFFFFFC00  }
0x17f: {  	_ =	swait.ge [sflag:s16], $0x400  }
0x180: {  	[sflag:s16] =	ssyncset.done $0x0  }
0x181: {  	[sflag:s16] =	ssyncadd.s32 $0xFFFFFC00  }
0x182: {  	_ =	swait.ge [sflag:s16], $0x400  }
0x183: {  	[sflag:s16] =	ssyncset.done $0x0  }
0x184: {  	[sflag:s16] =	ssyncadd.s32 $0xFFFFFC00  }
0x185: {  	_ =	swait.ge [sflag:s16], $0x400  }
0x186: {  	[sflag:s16] =	ssyncset.done $0x0  }
0x187: {  	[sflag:s16] =	ssyncadd.s32 $0xFFFFFC00  }
0x188: {  	_ =	swait.ge [sflag:s16], $0x400  }
0x189: {  	[sflag:s16] =	ssyncset.done $0x0  }
0x18a: {  	[sflag:s16] =	ssyncadd.s32 $0xFFFFFC00  }
0x18b: {  	_ =	swait.ge [sflag:s16], $0x400  }
0x18c: {  	[sflag:s16] =	ssyncset.done $0x0  }
0x18d: {  	[sflag:s16] =	ssyncadd.s32 $0xFFFFFC00  }
0x18e: {  	_ =	swait.ge [sflag:s17], $0x400  }
0x18f: {  	[sflag:s17] =	ssyncset.done $0x0  }
0x190: {  	[sflag:s17] =	ssyncadd.s32 $0xFFFFFC00  }
0x191: {  	_ =	swait.ge [sflag:s17], $0x400  }
0x192: {  	[sflag:s17] =	ssyncset.done $0x0  }
0x193: {  	[sflag:s17] =	ssyncadd.s32 $0xFFFFFC00  }
0x194: {  	_ =	swait.ge [sflag:s17], $0x400  }
0x195: {  	[sflag:s17] =	ssyncset.done $0x0  }
0x196: {  	[sflag:s17] =	ssyncadd.s32 $0xFFFFFC00  }
0x197: {  	_ =	swait.ge [sflag:s17], $0x400  }
0x198: {  	[sflag:s17] =	ssyncset.done $0x0  }
0x199: {  	[sflag:s17] =	ssyncadd.s32 $0xFFFFFC00  }
0x19a: {  	_ =	swait.ge [sflag:s17], $0x400  }
0x19b: {  	[sflag:s17] =	ssyncset.done $0x0  }
0x19c: {  	[sflag:s17] =	ssyncadd.s32 $0xFFFFFC00  }
0x19d: {  	_ =	swait.ge [sflag:s17], $0x400  }
0x19e: {  	[sflag:s17] =	ssyncset.done $0x0  }
0x19f: {  	[sflag:s17] =	ssyncadd.s32 $0xFFFFFC00  }
0x1a0: {  	_ =	swait.ge [sflag:s17], $0x400  }
0x1a1: {  	[sflag:s17] =	ssyncset.done $0x0  }
0x1a2: {  	[sflag:s17] =	ssyncadd.s32 $0xFFFFFC00  }
0x1a3: {  	_ =	swait.ge [sflag:s17], $0x400  }
0x1a4: {  	s18 =	sadd.s32 $0x1, s18;
	s19 =	rddreg [dreg:$0x18]  }
0x1a5: {  	p0 =	sne.s32 s18, s19  }
.Ltmp3:
0x1a6: {  	_ = 	snop;
	(pc) =	sbr.rel @p0 .LBB2_1-.Ltmp3, $3  }
0x1a7: {  	_ =	sdelay $0x1  }
0x1a8: {  	[sflag:s17] =	ssyncset.done $0x0  }
0x1a9: {  	[sflag:s17] =	ssyncadd.s32 $0xFFFFFC00  }
0x1aa: {  	_ =	sfence.sel $0x180000  }
0x1ab: {  	[bflag:$0x0] =	sbarrier.arrive $0xFFFF  }
0x1ac: {  	_ =	strace $0x90000047  }
0x1ad: {  	s0 =	stileid.u32;
	[bflag:$0x2] =	sbarrier.arrive $0xFFFF  }
0x1ae: {  	p0 =	sne.s32 s0, $0x0;
	s0 =	rddreg [dreg:$0x2]  }
0x1af: {  	s0 =	sadd.s32 @!p0 $0x100000, s0  }
0x1b0: {  	[sflag:s0] =	ssyncadd.tile.s32 @!p0 $0x1;
	_ =	shalt  }
.Lfunc_end2:
_tile_overlayer_lowered:
.L_overlay_start_2:
0x1b1: {  	(tag) =	ssettag $0x2  }
0x1b2: {  	s0 =	rddreg [dreg:$0x0];
	s2 =	stileid.u32  }
0x1b3: {  	s1 =	rddreg [dreg:$0x1];
	p0 =	sne.s32 s2, $0x0  }
0x1b4: {  	s3 =	rddreg [dreg:$0x2];
	[bflag:$0x3] =	sbarrier.arrive $0xFFFF;
	s2 =	simm.s32 @!p0 $0x1C04  }
0x1b5: {  	[timem:s3], [sflag:s2] =	dma.local @!p0 [hbm:s0], s1  }
0x1b6: {  	s0 =	simm.s32 @!p0 $0x4  }
0x1b7: {  	_ =	swait.ge @!p0 [sflag:s0], s1  }
0x1b8: {  	s1 =	ssub.s32 @!p0 $0x0, s1;
	[sflag:s0] =	ssyncset.done @!p0 $0x0  }
0x1b9: {  	[sflag:s0] =	ssyncadd.s32 @!p0 s1  }
0x1ba: {  	[bflag:$0x3] =	sbarrier.arrive $0xFFFF  }
0x1bb: {  	_ =	shalt  }

</sc_bundles>
